<compile_context>
chip_gen: v7x
topology: tpu7x:2x2x1
jax: 0.10.2.dev20260603
libtpu: 0.0.44.dev20260713+nightly
codegen_flags: <defaults>
</compile_context>

<pallas_src>
import functools

import jax
import jax.numpy as jnp
from jax import lax
from jax.experimental import pallas as pl
from jax.experimental.pallas import tpu as pltpu
from jax.experimental.pallas import tpu_sc as plsc

_N_ROWS = 16384
_N_COLS = 512
_N_TOTAL = _N_ROWS * _N_COLS

_R_TC = 8192
_BLK = 1024
_TC_GRID = _R_TC // _BLK

_NW = 32
_SC_BASE = _R_TC * _N_COLS
_SC_ELEMS = _N_TOTAL - _SC_BASE
_P = _SC_ELEMS // _NW
_E = 16384
_NCH = _P // _E
_LANES = 16
_UNROLL = 8
_VPC = _E // _LANES

_PLN = (
    9.0990333e-08,
    9.9999148e-01,
    -4.9980110e-01,
    3.3133367e-01,
    -2.3918973e-01,
    1.6478188e-01,
    -9.2312306e-02,
    3.4417912e-02,
    -6.0747527e-03,
)


def _ln1pe(e):
    acc = jnp.float32(_PLN[8])
    for c in _PLN[7::-1]:
        acc = acc * e + jnp.float32(c)
    return acc




def _tc_body(x_ref, t_ref, out_ref, acc_ref):
    i = pl.program_id(0)

    @pl.when(i == 0)
    def _init():
        acc_ref[0] = 0.0
        acc_ref[1] = 0.0
        acc_ref[2] = 0.0

    neg_log2e = jnp.float32(-1.4426950408889634)
    ln2 = jnp.float32(0.6931471805599453)

    x = x_ref[...]
    t = t_ref[...]
    relu_part = jnp.maximum(x, 0.0) - t * x
    e = jnp.exp2(neg_log2e * jnp.abs(x))
    bce = relu_part + ln2 * jnp.log2(1.0 + e)
    acc_ref[0] += jnp.sum(bce * t)
    acc_ref[1] += jnp.sum(bce)
    acc_ref[2] += jnp.sum(t)

    @pl.when(i == _TC_GRID - 1)
    def _finalize():
        out_ref[0] = acc_ref[0]
        out_ref[1] = acc_ref[1]
        out_ref[2] = acc_ref[2]


def _tc_partials(font_output_data, font_target_data):
    return pl.pallas_call(
        _tc_body,
        grid=(_TC_GRID,),
        in_specs=[
            pl.BlockSpec((_BLK, _N_COLS), lambda i: (i, 0)),
            pl.BlockSpec((_BLK, _N_COLS), lambda i: (i, 0)),
        ],
        out_specs=pl.BlockSpec(memory_space=pltpu.SMEM),
        out_shape=jax.ShapeDtypeStruct((3,), jnp.float32),
        scratch_shapes=[pltpu.SMEM((3,), jnp.float32)],
    )(font_output_data, font_target_data)



_sc_mesh = plsc.VectorSubcoreMesh(core_axis_name="c", subcore_axis_name="s")


def _sc_accumulate(buf_x, buf_t, accs):
    def inner(i, accs):
        a_pos, a_all, a_t = accs
        for u in range(_UNROLL):
            off = (i * _UNROLL + u) * _LANES
            x = buf_x[pl.ds(off, _LANES)]
            t = buf_t[pl.ds(off, _LANES)]
            e = jnp.exp(-jnp.abs(x))
            bce = jnp.maximum(x, 0.0) - t * x + _ln1pe(e)
            a_pos = a_pos + bce * t
            a_all = a_all + bce
            a_t = a_t + t
        return (a_pos, a_all, a_t)

    return lax.fori_loop(0, _VPC // _UNROLL, inner, accs)


@functools.partial(
    pl.kernel,
    mesh=_sc_mesh,
    out_type=jax.ShapeDtypeStruct((_NW, 3, _LANES), jnp.float32),
    scratch_types=[
        pltpu.VMEM((_E,), jnp.float32),
        pltpu.VMEM((_E,), jnp.float32),
        pltpu.VMEM((_E,), jnp.float32),
        pltpu.VMEM((_E,), jnp.float32),
        pltpu.VMEM((3, _LANES), jnp.float32),
        pltpu.SemaphoreType.DMA,
        pltpu.SemaphoreType.DMA,
    ],
)
def _sc_partials(x_hbm, t_hbm, out_hbm, x_a, x_b, t_a, t_b, res, sem_a, sem_b):
    wid = lax.axis_index("s") * 2 + lax.axis_index("c")
    base = _SC_BASE + wid * _P

    def fire(chunk, xbuf, tbuf, sem):
        src = base + chunk * _E
        pltpu.async_copy(x_hbm.at[pl.ds(src, _E)], xbuf, sem)
        pltpu.async_copy(t_hbm.at[pl.ds(src, _E)], tbuf, sem)

    def drain(xbuf, tbuf, sem):
        pltpu.make_async_copy(x_hbm.at[pl.ds(0, _E)], xbuf, sem).wait()
        pltpu.make_async_copy(t_hbm.at[pl.ds(0, _E)], tbuf, sem).wait()

    fire(0, x_a, t_a, sem_a)
    fire(1, x_b, t_b, sem_b)

    zero = jnp.zeros((_LANES,), jnp.float32)

    def outer(k2, accs):
        drain(x_a, t_a, sem_a)
        accs = _sc_accumulate(x_a, t_a, accs)
        fire(2 * k2 + 2, x_a, t_a, sem_a)
        drain(x_b, t_b, sem_b)
        accs = _sc_accumulate(x_b, t_b, accs)
        fire(2 * k2 + 3, x_b, t_b, sem_b)
        return accs

    accs = lax.fori_loop(0, _NCH // 2 - 1, outer, (zero, zero, zero))

    drain(x_a, t_a, sem_a)
    accs = _sc_accumulate(x_a, t_a, accs)
    drain(x_b, t_b, sem_b)
    accs = _sc_accumulate(x_b, t_b, accs)

    a_pos, a_all, a_t = accs
    res[0] = a_pos
    res[1] = a_all
    res[2] = a_t
    pltpu.sync_copy(res, out_hbm.at[wid])




def kernel(font_output_data, font_target_data):
    x1d = font_output_data.reshape(-1)
    t1d = font_target_data.reshape(-1)
    sc = _sc_partials(x1d, t1d)
    tc = _tc_partials(font_output_data, font_target_data)
    pos_sum = tc[0] + jnp.sum(sc[:, 0, :])
    all_sum = tc[1] + jnp.sum(sc[:, 1, :])
    pos_cnt = tc[2] + jnp.sum(sc[:, 2, :])
    neg_sum = all_sum - pos_sum
    total = jnp.float32(_N_TOTAL)
    pos_loss = 0.5 * pos_sum / jnp.maximum(pos_cnt, 1.0)
    neg_loss = 0.5 * neg_sum / jnp.maximum(total - pos_cnt, 1.0)
    return (pos_loss + neg_loss, pos_loss, neg_loss)

# --- scband reference (transcript-rebuilt; emitter-appended) ---
"""Pipeline reference for scband-loss-15857019257095 (READ-ONLY COPY).

The authoritative reference and input builder live on the scoring server;
editing this copy changes nothing except your own understanding.
"""

import jax, jax.numpy as jnp
import numpy as np


def setup_inputs(seed: int = 0) -> dict:
    key = jax.random.key(seed)
    k1, k2 = jax.random.split(key)
    font_output_data = jax.random.normal(k1, (16384, 512), dtype=jnp.float32)
    font_target_data = jax.random.randint(k2, (16384, 512), 0, 2).astype(jnp.float32)
    return {"font_output_data": font_output_data, "font_target_data": font_target_data}


def reference(font_output_data, font_target_data):
    # sigmoid + flatten
    p = jax.nn.sigmoid(font_output_data).reshape(-1)
    t = font_target_data.reshape(-1)
    # pos/neg masks (targets are exactly 0 or 1)
    pos_mask = (t == 1.0).astype(jnp.float32)
    neg_mask = (t == 0.0).astype(jnp.float32)
    # elementwise BCE with torch-style log clamp at -100
    logp = jnp.clip(jnp.log(p), -100.0, None)
    log1mp = jnp.clip(jnp.log1p(-p), -100.0, None)
    bce = -(t * logp + (1.0 - t) * log1mp)
    # masked means (nn.BCELoss reduction='mean' over each subset)
    pos_count = jnp.maximum(jnp.sum(pos_mask), 1.0)
    neg_count = jnp.maximum(jnp.sum(neg_mask), 1.0)
    pos_loss = (jnp.sum(bce * pos_mask) / pos_count) * 0.5
    neg_loss = (jnp.sum(bce * neg_mask) / neg_count) * 0.5
    font_loss = pos_loss + neg_loss
    return (font_loss, pos_loss, neg_loss)

if __name__ == "__main__":
    import jax
    _d = setup_inputs()
    print(jax.jit(kernel)(*tuple(_d.values())))

</pallas_src>

<mosaic_0001>
#map = affine_map<(d0, d1) -> (0)>
#map1 = affine_map<(d0, d1) -> (0, 0, 0)>
module attributes {stable_mosaic.version = 14 : i64} {
  func.func @_sc_partials(%arg0: i32, %arg1: i32, %arg2: memref<8388608xf32, #tpu.memory_space<hbm>>, %arg3: memref<8388608xf32, #tpu.memory_space<hbm>>, %arg4: memref<32x3x16xf32, #tpu.memory_space<hbm>>, %arg5: memref<16384xf32, #tpu.memory_space<vmem>>, %arg6: memref<16384xf32, #tpu.memory_space<vmem>>, %arg7: memref<16384xf32, #tpu.memory_space<vmem>>, %arg8: memref<16384xf32, #tpu.memory_space<vmem>>, %arg9: memref<3x16xf32, #tpu.memory_space<vmem>>, %arg10: memref<!tpu.dma_semaphore, #tpu.memory_space<semaphore_mem>>, %arg11: memref<!tpu.dma_semaphore, #tpu.memory_space<semaphore_mem>>) attributes {dimension_semantics = [#tpu.dimension_semantics<core_parallel>, #tpu.dimension_semantics<subcore_parallel>], iteration_bounds = array<i64: 2, 16>, scalar_prefetch = 0 : i64, scratch_operands = 7 : i64, tpu.core_type = #tpu.core_type<sc_vector_subcore>, window_params = [{transform_indices = #map}, {transform_indices = #map}, {transform_indices = #map1}]} {
    %mul3A = arith.constant 2 : i32
    %mul3A_0 = arith.muli %arg1, %mul3A : i32
    %add3A = arith.addi %mul3A_0, %arg0 : i32
    %mul3A_1 = arith.constant 131072 : i32
    %mul3A_2 = arith.muli %add3A, %mul3A_1 : i32
    %add3A_3 = arith.constant 4194304 : i32
    %add3A_4 = arith.addi %add3A_3, %mul3A_2 : i32
    %add3A_5 = arith.constant 0 : i32
    %add3A_6 = arith.addi %add3A_4, %add3A_5 : i32
    %dma_start3A = tpu.memref_slice %arg2[%add3A_6] : memref<8388608xf32, #tpu.memory_space<hbm>> -> memref<16384xf32, #tpu.memory_space<hbm>>
    %dma_start3A_7 = tpu.memref_slice %arg2[%add3A_6] : memref<8388608xf32, #tpu.memory_space<hbm>> -> memref<16384xf32, #tpu.memory_space<hbm>>
    tpu.enqueue_dma source(%dma_start3A_7 : memref<16384xf32, #tpu.memory_space<hbm>>) target(%arg5 : memref<16384xf32, #tpu.memory_space<vmem>>) target_semaphore(%arg10 : memref<!tpu.dma_semaphore, #tpu.memory_space<semaphore_mem>>)
    %dma_start3A_8 = tpu.memref_slice %arg3[%add3A_6] : memref<8388608xf32, #tpu.memory_space<hbm>> -> memref<16384xf32, #tpu.memory_space<hbm>>
    %dma_start3A_9 = tpu.memref_slice %arg3[%add3A_6] : memref<8388608xf32, #tpu.memory_space<hbm>> -> memref<16384xf32, #tpu.memory_space<hbm>>
    tpu.enqueue_dma source(%dma_start3A_9 : memref<16384xf32, #tpu.memory_space<hbm>>) target(%arg7 : memref<16384xf32, #tpu.memory_space<vmem>>) target_semaphore(%arg10 : memref<!tpu.dma_semaphore, #tpu.memory_space<semaphore_mem>>)
    %add3A_10 = arith.constant 16384 : i32
    %add3A_11 = arith.addi %add3A_4, %add3A_10 : i32
    %dma_start3A_12 = tpu.memref_slice %arg2[%add3A_11] : memref<8388608xf32, #tpu.memory_space<hbm>> -> memref<16384xf32, #tpu.memory_space<hbm>>
    %dma_start3A_13 = tpu.memref_slice %arg2[%add3A_11] : memref<8388608xf32, #tpu.memory_space<hbm>> -> memref<16384xf32, #tpu.memory_space<hbm>>
    tpu.enqueue_dma source(%dma_start3A_13 : memref<16384xf32, #tpu.memory_space<hbm>>) target(%arg6 : memref<16384xf32, #tpu.memory_space<vmem>>) target_semaphore(%arg11 : memref<!tpu.dma_semaphore, #tpu.memory_space<semaphore_mem>>)
    %dma_start3A_14 = tpu.memref_slice %arg3[%add3A_11] : memref<8388608xf32, #tpu.memory_space<hbm>> -> memref<16384xf32, #tpu.memory_space<hbm>>
    %dma_start3A_15 = tpu.memref_slice %arg3[%add3A_11] : memref<8388608xf32, #tpu.memory_space<hbm>> -> memref<16384xf32, #tpu.memory_space<hbm>>
    tpu.enqueue_dma source(%dma_start3A_15 : memref<16384xf32, #tpu.memory_space<hbm>>) target(%arg8 : memref<16384xf32, #tpu.memory_space<vmem>>) target_semaphore(%arg11 : memref<!tpu.dma_semaphore, #tpu.memory_space<semaphore_mem>>)
    %broadcast_in_dim3A = arith.constant 0.000000e+00 : f32
    %broadcast_in_dim3A_16 = vector.broadcast %broadcast_in_dim3A : f32 to vector<16xf32>
    %scan3A = arith.constant 0 : i32
    %scan3A_17 = arith.constant 3 : i32
    %scan3A_18 = arith.addi %scan3A, %scan3A_17 : i32
    %scan3A_19 = arith.constant 1 : i32
    %scan3A_20:3 = scf.for %scan3A_66 = %scan3A to %scan3A_18 step %scan3A_19 iter_args(%scan3A_67 = %broadcast_in_dim3A_16, %scan3A_68 = %broadcast_in_dim3A_16, %scan3A_69 = %broadcast_in_dim3A_16) -> (vector<16xf32>, vector<16xf32>, vector<16xf32>)  : i32 {
      %dma_wait3A_70 = arith.constant 0 : i32
      %dma_wait3A_71 = tpu.memref_slice %arg2[%dma_wait3A_70] : memref<8388608xf32, #tpu.memory_space<hbm>> -> memref<16384xf32, #tpu.memory_space<hbm>>
      %dma_wait3A_72 = arith.constant 0 : i32
      %dma_wait3A_73 = tpu.memref_slice %arg2[%dma_wait3A_72] : memref<8388608xf32, #tpu.memory_space<hbm>> -> memref<16384xf32, #tpu.memory_space<hbm>>
      tpu.wait_dma2 semaphore(%arg10 : memref<!tpu.dma_semaphore, #tpu.memory_space<semaphore_mem>>) src(%dma_wait3A_73 : memref<16384xf32, #tpu.memory_space<hbm>>) dst(%arg5 : memref<16384xf32, #tpu.memory_space<vmem>>)
      %dma_wait3A_74 = arith.constant 0 : i32
      %dma_wait3A_75 = tpu.memref_slice %arg3[%dma_wait3A_74] : memref<8388608xf32, #tpu.memory_space<hbm>> -> memref<16384xf32, #tpu.memory_space<hbm>>
      %dma_wait3A_76 = arith.constant 0 : i32
      %dma_wait3A_77 = tpu.memref_slice %arg3[%dma_wait3A_76] : memref<8388608xf32, #tpu.memory_space<hbm>> -> memref<16384xf32, #tpu.memory_space<hbm>>
      tpu.wait_dma2 semaphore(%arg10 : memref<!tpu.dma_semaphore, #tpu.memory_space<semaphore_mem>>) src(%dma_wait3A_77 : memref<16384xf32, #tpu.memory_space<hbm>>) dst(%arg7 : memref<16384xf32, #tpu.memory_space<vmem>>)
      %scan3A_78 = arith.constant 0 : i32
      %scan3A_79 = arith.constant 128 : i32
      %scan3A_80 = arith.addi %scan3A_78, %scan3A_79 : i32
      %scan3A_81 = arith.constant 1 : i32
      %scan3A_82:3 = scf.for %scan3A_120 = %scan3A_78 to %scan3A_80 step %scan3A_81 iter_args(%scan3A_121 = %scan3A_67, %scan3A_122 = %scan3A_68, %scan3A_123 = %scan3A_69) -> (vector<16xf32>, vector<16xf32>, vector<16xf32>)  : i32 {
        %mul3A_124 = arith.constant 8 : i32
        %mul3A_125 = arith.muli %scan3A_120, %mul3A_124 : i32
        %add3A_126 = arith.constant 0 : i32
        %add3A_127 = arith.addi %mul3A_125, %add3A_126 : i32
        %mul3A_128 = arith.constant 16 : i32
        %mul3A_129 = arith.muli %add3A_127, %mul3A_128 : i32
        %get3A = arith.index_cast %mul3A_129 : i32 to index
        %get3A_130 = tpu.vector_load %arg5[%get3A] {strides = array<i32>} : memref<16384xf32, #tpu.memory_space<vmem>>, vector<16xf32>,
        %get3A_131 = vector.shape_cast %get3A_130 : vector<16xf32> to vector<16xf32>
        %get3A_132 = arith.index_cast %mul3A_129 : i32 to index
        %get3A_133 = tpu.vector_load %arg7[%get3A_132] {strides = array<i32>} : memref<16384xf32, #tpu.memory_space<vmem>>, vector<16xf32>,
        %get3A_134 = vector.shape_cast %get3A_133 : vector<16xf32> to vector<16xf32>
        %abs3A = math.absf %get3A_131 : vector<16xf32>
        %neg3A = arith.constant 0.000000e+00 : f32
        %neg3A_135 = vector.broadcast %neg3A : f32 to vector<16xf32>
        %neg3A_136 = arith.subf %neg3A_135, %abs3A : vector<16xf32>
        %exp3A = math.exp %neg3A_136 : vector<16xf32>
        %max3A = arith.constant 0.000000e+00 : f32
        %max3A_137 = vector.broadcast %max3A : f32 to vector<16xf32>
        %max3A_138 = arith.maximumf %get3A_131, %max3A_137 : vector<16xf32>
        %mul3A_139 = arith.mulf %get3A_134, %get3A_131 : vector<16xf32>
        %sub3A = arith.subf %max3A_138, %mul3A_139 : vector<16xf32>
        %mul3A_140 = arith.constant -0.00607475266 : f32
        %mul3A_141 = vector.broadcast %mul3A_140 : f32 to vector<16xf32>
        %mul3A_142 = arith.mulf %mul3A_141, %exp3A : vector<16xf32>
        %add3A_143 = arith.constant 0.0344179124 : f32
        %add3A_144 = vector.broadcast %add3A_143 : f32 to vector<16xf32>
        %add3A_145 = arith.addf %mul3A_142, %add3A_144 : vector<16xf32>
        %mul3A_146 = arith.mulf %add3A_145, %exp3A : vector<16xf32>
        %add3A_147 = arith.constant -0.0923123061 : f32
        %add3A_148 = vector.broadcast %add3A_147 : f32 to vector<16xf32>
        %add3A_149 = arith.addf %mul3A_146, %add3A_148 : vector<16xf32>
        %mul3A_150 = arith.mulf %add3A_149, %exp3A : vector<16xf32>
        %add3A_151 = arith.constant 0.164781883 : f32
        %add3A_152 = vector.broadcast %add3A_151 : f32 to vector<16xf32>
        %add3A_153 = arith.addf %mul3A_150, %add3A_152 : vector<16xf32>
        %mul3A_154 = arith.mulf %add3A_153, %exp3A : vector<16xf32>
        %add3A_155 = arith.constant -0.239189729 : f32
        %add3A_156 = vector.broadcast %add3A_155 : f32 to vector<16xf32>
        %add3A_157 = arith.addf %mul3A_154, %add3A_156 : vector<16xf32>
        %mul3A_158 = arith.mulf %add3A_157, %exp3A : vector<16xf32>
        %add3A_159 = arith.constant 0.331333667 : f32
        %add3A_160 = vector.broadcast %add3A_159 : f32 to vector<16xf32>
        %add3A_161 = arith.addf %mul3A_158, %add3A_160 : vector<16xf32>
        %mul3A_162 = arith.mulf %add3A_161, %exp3A : vector<16xf32>
        %add3A_163 = arith.constant -0.499801099 : f32
        %add3A_164 = vector.broadcast %add3A_163 : f32 to vector<16xf32>
        %add3A_165 = arith.addf %mul3A_162, %add3A_164 : vector<16xf32>
        %mul3A_166 = arith.mulf %add3A_165, %exp3A : vector<16xf32>
        %add3A_167 = arith.constant 0.999991476 : f32
        %add3A_168 = vector.broadcast %add3A_167 : f32 to vector<16xf32>
        %add3A_169 = arith.addf %mul3A_166, %add3A_168 : vector<16xf32>
        %mul3A_170 = arith.mulf %add3A_169, %exp3A : vector<16xf32>
        %add3A_171 = arith.constant 9.09903334E-8 : f32
        %add3A_172 = vector.broadcast %add3A_171 : f32 to vector<16xf32>
        %add3A_173 = arith.addf %mul3A_170, %add3A_172 : vector<16xf32>
        %add3A_174 = arith.addf %sub3A, %add3A_173 : vector<16xf32>
        %mul3A_175 = arith.mulf %add3A_174, %get3A_134 : vector<16xf32>
        %add3A_176 = arith.addf %scan3A_121, %mul3A_175 : vector<16xf32>
        %add3A_177 = arith.addf %scan3A_122, %add3A_174 : vector<16xf32>
        %add3A_178 = arith.addf %scan3A_123, %get3A_134 : vector<16xf32>
        %mul3A_179 = arith.constant 8 : i32
        %mul3A_180 = arith.muli %scan3A_120, %mul3A_179 : i32
        %add3A_181 = arith.constant 1 : i32
        %add3A_182 = arith.addi %mul3A_180, %add3A_181 : i32
        %mul3A_183 = arith.constant 16 : i32
        %mul3A_184 = arith.muli %add3A_182, %mul3A_183 : i32
        %get3A_185 = arith.index_cast %mul3A_184 : i32 to index
        %get3A_186 = tpu.vector_load %arg5[%get3A_185] {strides = array<i32>} : memref<16384xf32, #tpu.memory_space<vmem>>, vector<16xf32>,
        %get3A_187 = vector.shape_cast %get3A_186 : vector<16xf32> to vector<16xf32>
        %get3A_188 = arith.index_cast %mul3A_184 : i32 to index
        %get3A_189 = tpu.vector_load %arg7[%get3A_188] {strides = array<i32>} : memref<16384xf32, #tpu.memory_space<vmem>>, vector<16xf32>,
        %get3A_190 = vector.shape_cast %get3A_189 : vector<16xf32> to vector<16xf32>
        %abs3A_191 = math.absf %get3A_187 : vector<16xf32>
        %neg3A_192 = arith.constant 0.000000e+00 : f32
        %neg3A_193 = vector.broadcast %neg3A_192 : f32 to vector<16xf32>
        %neg3A_194 = arith.subf %neg3A_193, %abs3A_191 : vector<16xf32>
        %exp3A_195 = math.exp %neg3A_194 : vector<16xf32>
        %max3A_196 = arith.constant 0.000000e+00 : f32
        %max3A_197 = vector.broadcast %max3A_196 : f32 to vector<16xf32>
        %max3A_198 = arith.maximumf %get3A_187, %max3A_197 : vector<16xf32>
        %mul3A_199 = arith.mulf %get3A_190, %get3A_187 : vector<16xf32>
        %sub3A_200 = arith.subf %max3A_198, %mul3A_199 : vector<16xf32>
        %mul3A_201 = arith.constant -0.00607475266 : f32
        %mul3A_202 = vector.broadcast %mul3A_201 : f32 to vector<16xf32>
        %mul3A_203 = arith.mulf %mul3A_202, %exp3A_195 : vector<16xf32>
        %add3A_204 = arith.constant 0.0344179124 : f32
        %add3A_205 = vector.broadcast %add3A_204 : f32 to vector<16xf32>
        %add3A_206 = arith.addf %mul3A_203, %add3A_205 : vector<16xf32>
        %mul3A_207 = arith.mulf %add3A_206, %exp3A_195 : vector<16xf32>
        %add3A_208 = arith.constant -0.0923123061 : f32
        %add3A_209 = vector.broadcast %add3A_208 : f32 to vector<16xf32>
        %add3A_210 = arith.addf %mul3A_207, %add3A_209 : vector<16xf32>
        %mul3A_211 = arith.mulf %add3A_210, %exp3A_195 : vector<16xf32>
        %add3A_212 = arith.constant 0.164781883 : f32
        %add3A_213 = vector.broadcast %add3A_212 : f32 to vector<16xf32>
        %add3A_214 = arith.addf %mul3A_211, %add3A_213 : vector<16xf32>
        %mul3A_215 = arith.mulf %add3A_214, %exp3A_195 : vector<16xf32>
        %add3A_216 = arith.constant -0.239189729 : f32
        %add3A_217 = vector.broadcast %add3A_216 : f32 to vector<16xf32>
        %add3A_218 = arith.addf %mul3A_215, %add3A_217 : vector<16xf32>
        %mul3A_219 = arith.mulf %add3A_218, %exp3A_195 : vector<16xf32>
        %add3A_220 = arith.constant 0.331333667 : f32
        %add3A_221 = vector.broadcast %add3A_220 : f32 to vector<16xf32>
        %add3A_222 = arith.addf %mul3A_219, %add3A_221 : vector<16xf32>
        %mul3A_223 = arith.mulf %add3A_222, %exp3A_195 : vector<16xf32>
        %add3A_224 = arith.constant -0.499801099 : f32
        %add3A_225 = vector.broadcast %add3A_224 : f32 to vector<16xf32>
        %add3A_226 = arith.addf %mul3A_223, %add3A_225 : vector<16xf32>
        %mul3A_227 = arith.mulf %add3A_226, %exp3A_195 : vector<16xf32>
        %add3A_228 = arith.constant 0.999991476 : f32
        %add3A_229 = vector.broadcast %add3A_228 : f32 to vector<16xf32>
        %add3A_230 = arith.addf %mul3A_227, %add3A_229 : vector<16xf32>
        %mul3A_231 = arith.mulf %add3A_230, %exp3A_195 : vector<16xf32>
        %add3A_232 = arith.constant 9.09903334E-8 : f32
        %add3A_233 = vector.broadcast %add3A_232 : f32 to vector<16xf32>
        %add3A_234 = arith.addf %mul3A_231, %add3A_233 : vector<16xf32>
        %add3A_235 = arith.addf %sub3A_200, %add3A_234 : vector<16xf32>
        %mul3A_236 = arith.mulf %add3A_235, %get3A_190 : vector<16xf32>
        %add3A_237 = arith.addf %add3A_176, %mul3A_236 : vector<16xf32>
        %add3A_238 = arith.addf %add3A_177, %add3A_235 : vector<16xf32>
        %add3A_239 = arith.addf %add3A_178, %get3A_190 : vector<16xf32>
        %mul3A_240 = arith.constant 8 : i32
        %mul3A_241 = arith.muli %scan3A_120, %mul3A_240 : i32
        %add3A_242 = arith.constant 2 : i32
        %add3A_243 = arith.addi %mul3A_241, %add3A_242 : i32
        %mul3A_244 = arith.constant 16 : i32
        %mul3A_245 = arith.muli %add3A_243, %mul3A_244 : i32
        %get3A_246 = arith.index_cast %mul3A_245 : i32 to index
        %get3A_247 = tpu.vector_load %arg5[%get3A_246] {strides = array<i32>} : memref<16384xf32, #tpu.memory_space<vmem>>, vector<16xf32>,
        %get3A_248 = vector.shape_cast %get3A_247 : vector<16xf32> to vector<16xf32>
        %get3A_249 = arith.index_cast %mul3A_245 : i32 to index
        %get3A_250 = tpu.vector_load %arg7[%get3A_249] {strides = array<i32>} : memref<16384xf32, #tpu.memory_space<vmem>>, vector<16xf32>,
        %get3A_251 = vector.shape_cast %get3A_250 : vector<16xf32> to vector<16xf32>
        %abs3A_252 = math.absf %get3A_248 : vector<16xf32>
        %neg3A_253 = arith.constant 0.000000e+00 : f32
        %neg3A_254 = vector.broadcast %neg3A_253 : f32 to vector<16xf32>
        %neg3A_255 = arith.subf %neg3A_254, %abs3A_252 : vector<16xf32>
        %exp3A_256 = math.exp %neg3A_255 : vector<16xf32>
        %max3A_257 = arith.constant 0.000000e+00 : f32
        %max3A_258 = vector.broadcast %max3A_257 : f32 to vector<16xf32>
        %max3A_259 = arith.maximumf %get3A_248, %max3A_258 : vector<16xf32>
        %mul3A_260 = arith.mulf %get3A_251, %get3A_248 : vector<16xf32>
        %sub3A_261 = arith.subf %max3A_259, %mul3A_260 : vector<16xf32>
        %mul3A_262 = arith.constant -0.00607475266 : f32
        %mul3A_263 = vector.broadcast %mul3A_262 : f32 to vector<16xf32>
        %mul3A_264 = arith.mulf %mul3A_263, %exp3A_256 : vector<16xf32>
        %add3A_265 = arith.constant 0.0344179124 : f32
        %add3A_266 = vector.broadcast %add3A_265 : f32 to vector<16xf32>
        %add3A_267 = arith.addf %mul3A_264, %add3A_266 : vector<16xf32>
        %mul3A_268 = arith.mulf %add3A_267, %exp3A_256 : vector<16xf32>
        %add3A_269 = arith.constant -0.0923123061 : f32
        %add3A_270 = vector.broadcast %add3A_269 : f32 to vector<16xf32>
        %add3A_271 = arith.addf %mul3A_268, %add3A_270 : vector<16xf32>
        %mul3A_272 = arith.mulf %add3A_271, %exp3A_256 : vector<16xf32>
        %add3A_273 = arith.constant 0.164781883 : f32
        %add3A_274 = vector.broadcast %add3A_273 : f32 to vector<16xf32>
        %add3A_275 = arith.addf %mul3A_272, %add3A_274 : vector<16xf32>
        %mul3A_276 = arith.mulf %add3A_275, %exp3A_256 : vector<16xf32>
        %add3A_277 = arith.constant -0.239189729 : f32
        %add3A_278 = vector.broadcast %add3A_277 : f32 to vector<16xf32>
        %add3A_279 = arith.addf %mul3A_276, %add3A_278 : vector<16xf32>
        %mul3A_280 = arith.mulf %add3A_279, %exp3A_256 : vector<16xf32>
        %add3A_281 = arith.constant 0.331333667 : f32
        %add3A_282 = vector.broadcast %add3A_281 : f32 to vector<16xf32>
        %add3A_283 = arith.addf %mul3A_280, %add3A_282 : vector<16xf32>
        %mul3A_284 = arith.mulf %add3A_283, %exp3A_256 : vector<16xf32>
        %add3A_285 = arith.constant -0.499801099 : f32
        %add3A_286 = vector.broadcast %add3A_285 : f32 to vector<16xf32>
        %add3A_287 = arith.addf %mul3A_284, %add3A_286 : vector<16xf32>
        %mul3A_288 = arith.mulf %add3A_287, %exp3A_256 : vector<16xf32>
        %add3A_289 = arith.constant 0.999991476 : f32
        %add3A_290 = vector.broadcast %add3A_289 : f32 to vector<16xf32>
        %add3A_291 = arith.addf %mul3A_288, %add3A_290 : vector<16xf32>
        %mul3A_292 = arith.mulf %add3A_291, %exp3A_256 : vector<16xf32>
        %add3A_293 = arith.constant 9.09903334E-8 : f32
        %add3A_294 = vector.broadcast %add3A_293 : f32 to vector<16xf32>
        %add3A_295 = arith.addf %mul3A_292, %add3A_294 : vector<16xf32>
        %add3A_296 = arith.addf %sub3A_261, %add3A_295 : vector<16xf32>
        %mul3A_297 = arith.mulf %add3A_296, %get3A_251 : vector<16xf32>
        %add3A_298 = arith.addf %add3A_237, %mul3A_297 : vector<16xf32>
        %add3A_299 = arith.addf %add3A_238, %add3A_296 : vector<16xf32>
        %add3A_300 = arith.addf %add3A_239, %get3A_251 : vector<16xf32>
        %mul3A_301 = arith.constant 8 : i32
        %mul3A_302 = arith.muli %scan3A_120, %mul3A_301 : i32
        %add3A_303 = arith.constant 3 : i32
        %add3A_304 = arith.addi %mul3A_302, %add3A_303 : i32
        %mul3A_305 = arith.constant 16 : i32
        %mul3A_306 = arith.muli %add3A_304, %mul3A_305 : i32
        %get3A_307 = arith.index_cast %mul3A_306 : i32 to index
        %get3A_308 = tpu.vector_load %arg5[%get3A_307] {strides = array<i32>} : memref<16384xf32, #tpu.memory_space<vmem>>, vector<16xf32>,
        %get3A_309 = vector.shape_cast %get3A_308 : vector<16xf32> to vector<16xf32>
        %get3A_310 = arith.index_cast %mul3A_306 : i32 to index
        %get3A_311 = tpu.vector_load %arg7[%get3A_310] {strides = array<i32>} : memref<16384xf32, #tpu.memory_space<vmem>>, vector<16xf32>,
        %get3A_312 = vector.shape_cast %get3A_311 : vector<16xf32> to vector<16xf32>
        %abs3A_313 = math.absf %get3A_309 : vector<16xf32>
        %neg3A_314 = arith.constant 0.000000e+00 : f32
        %neg3A_315 = vector.broadcast %neg3A_314 : f32 to vector<16xf32>
        %neg3A_316 = arith.subf %neg3A_315, %abs3A_313 : vector<16xf32>
        %exp3A_317 = math.exp %neg3A_316 : vector<16xf32>
        %max3A_318 = arith.constant 0.000000e+00 : f32
        %max3A_319 = vector.broadcast %max3A_318 : f32 to vector<16xf32>
        %max3A_320 = arith.maximumf %get3A_309, %max3A_319 : vector<16xf32>
        %mul3A_321 = arith.mulf %get3A_312, %get3A_309 : vector<16xf32>
        %sub3A_322 = arith.subf %max3A_320, %mul3A_321 : vector<16xf32>
        %mul3A_323 = arith.constant -0.00607475266 : f32
        %mul3A_324 = vector.broadcast %mul3A_323 : f32 to vector<16xf32>
        %mul3A_325 = arith.mulf %mul3A_324, %exp3A_317 : vector<16xf32>
        %add3A_326 = arith.constant 0.0344179124 : f32
        %add3A_327 = vector.broadcast %add3A_326 : f32 to vector<16xf32>
        %add3A_328 = arith.addf %mul3A_325, %add3A_327 : vector<16xf32>
        %mul3A_329 = arith.mulf %add3A_328, %exp3A_317 : vector<16xf32>
        %add3A_330 = arith.constant -0.0923123061 : f32
        %add3A_331 = vector.broadcast %add3A_330 : f32 to vector<16xf32>
        %add3A_332 = arith.addf %mul3A_329, %add3A_331 : vector<16xf32>
        %mul3A_333 = arith.mulf %add3A_332, %exp3A_317 : vector<16xf32>
        %add3A_334 = arith.constant 0.164781883 : f32
        %add3A_335 = vector.broadcast %add3A_334 : f32 to vector<16xf32>
        %add3A_336 = arith.addf %mul3A_333, %add3A_335 : vector<16xf32>
        %mul3A_337 = arith.mulf %add3A_336, %exp3A_317 : vector<16xf32>
        %add3A_338 = arith.constant -0.239189729 : f32
        %add3A_339 = vector.broadcast %add3A_338 : f32 to vector<16xf32>
        %add3A_340 = arith.addf %mul3A_337, %add3A_339 : vector<16xf32>
        %mul3A_341 = arith.mulf %add3A_340, %exp3A_317 : vector<16xf32>
        %add3A_342 = arith.constant 0.331333667 : f32
        %add3A_343 = vector.broadcast %add3A_342 : f32 to vector<16xf32>
        %add3A_344 = arith.addf %mul3A_341, %add3A_343 : vector<16xf32>
        %mul3A_345 = arith.mulf %add3A_344, %exp3A_317 : vector<16xf32>
        %add3A_346 = arith.constant -0.499801099 : f32
        %add3A_347 = vector.broadcast %add3A_346 : f32 to vector<16xf32>
        %add3A_348 = arith.addf %mul3A_345, %add3A_347 : vector<16xf32>
        %mul3A_349 = arith.mulf %add3A_348, %exp3A_317 : vector<16xf32>
        %add3A_350 = arith.constant 0.999991476 : f32
        %add3A_351 = vector.broadcast %add3A_350 : f32 to vector<16xf32>
        %add3A_352 = arith.addf %mul3A_349, %add3A_351 : vector<16xf32>
        %mul3A_353 = arith.mulf %add3A_352, %exp3A_317 : vector<16xf32>
        %add3A_354 = arith.constant 9.09903334E-8 : f32
        %add3A_355 = vector.broadcast %add3A_354 : f32 to vector<16xf32>
        %add3A_356 = arith.addf %mul3A_353, %add3A_355 : vector<16xf32>
        %add3A_357 = arith.addf %sub3A_322, %add3A_356 : vector<16xf32>
        %mul3A_358 = arith.mulf %add3A_357, %get3A_312 : vector<16xf32>
        %add3A_359 = arith.addf %add3A_298, %mul3A_358 : vector<16xf32>
        %add3A_360 = arith.addf %add3A_299, %add3A_357 : vector<16xf32>
        %add3A_361 = arith.addf %add3A_300, %get3A_312 : vector<16xf32>
        %mul3A_362 = arith.constant 8 : i32
        %mul3A_363 = arith.muli %scan3A_120, %mul3A_362 : i32
        %add3A_364 = arith.constant 4 : i32
        %add3A_365 = arith.addi %mul3A_363, %add3A_364 : i32
        %mul3A_366 = arith.constant 16 : i32
        %mul3A_367 = arith.muli %add3A_365, %mul3A_366 : i32
        %get3A_368 = arith.index_cast %mul3A_367 : i32 to index
        %get3A_369 = tpu.vector_load %arg5[%get3A_368] {strides = array<i32>} : memref<16384xf32, #tpu.memory_space<vmem>>, vector<16xf32>,
        %get3A_370 = vector.shape_cast %get3A_369 : vector<16xf32> to vector<16xf32>
        %get3A_371 = arith.index_cast %mul3A_367 : i32 to index
        %get3A_372 = tpu.vector_load %arg7[%get3A_371] {strides = array<i32>} : memref<16384xf32, #tpu.memory_space<vmem>>, vector<16xf32>,
        %get3A_373 = vector.shape_cast %get3A_372 : vector<16xf32> to vector<16xf32>
        %abs3A_374 = math.absf %get3A_370 : vector<16xf32>
        %neg3A_375 = arith.constant 0.000000e+00 : f32
        %neg3A_376 = vector.broadcast %neg3A_375 : f32 to vector<16xf32>
        %neg3A_377 = arith.subf %neg3A_376, %abs3A_374 : vector<16xf32>
        %exp3A_378 = math.exp %neg3A_377 : vector<16xf32>
        %max3A_379 = arith.constant 0.000000e+00 : f32
        %max3A_380 = vector.broadcast %max3A_379 : f32 to vector<16xf32>
        %max3A_381 = arith.maximumf %get3A_370, %max3A_380 : vector<16xf32>
        %mul3A_382 = arith.mulf %get3A_373, %get3A_370 : vector<16xf32>
        %sub3A_383 = arith.subf %max3A_381, %mul3A_382 : vector<16xf32>
        %mul3A_384 = arith.constant -0.00607475266 : f32
        %mul3A_385 = vector.broadcast %mul3A_384 : f32 to vector<16xf32>
        %mul3A_386 = arith.mulf %mul3A_385, %exp3A_378 : vector<16xf32>
        %add3A_387 = arith.constant 0.0344179124 : f32
        %add3A_388 = vector.broadcast %add3A_387 : f32 to vector<16xf32>
        %add3A_389 = arith.addf %mul3A_386, %add3A_388 : vector<16xf32>
        %mul3A_390 = arith.mulf %add3A_389, %exp3A_378 : vector<16xf32>
        %add3A_391 = arith.constant -0.0923123061 : f32
        %add3A_392 = vector.broadcast %add3A_391 : f32 to vector<16xf32>
        %add3A_393 = arith.addf %mul3A_390, %add3A_392 : vector<16xf32>
        %mul3A_394 = arith.mulf %add3A_393, %exp3A_378 : vector<16xf32>
        %add3A_395 = arith.constant 0.164781883 : f32
        %add3A_396 = vector.broadcast %add3A_395 : f32 to vector<16xf32>
        %add3A_397 = arith.addf %mul3A_394, %add3A_396 : vector<16xf32>
        %mul3A_398 = arith.mulf %add3A_397, %exp3A_378 : vector<16xf32>
        %add3A_399 = arith.constant -0.239189729 : f32
        %add3A_400 = vector.broadcast %add3A_399 : f32 to vector<16xf32>
        %add3A_401 = arith.addf %mul3A_398, %add3A_400 : vector<16xf32>
        %mul3A_402 = arith.mulf %add3A_401, %exp3A_378 : vector<16xf32>
        %add3A_403 = arith.constant 0.331333667 : f32
        %add3A_404 = vector.broadcast %add3A_403 : f32 to vector<16xf32>
        %add3A_405 = arith.addf %mul3A_402, %add3A_404 : vector<16xf32>
        %mul3A_406 = arith.mulf %add3A_405, %exp3A_378 : vector<16xf32>
        %add3A_407 = arith.constant -0.499801099 : f32
        %add3A_408 = vector.broadcast %add3A_407 : f32 to vector<16xf32>
        %add3A_409 = arith.addf %mul3A_406, %add3A_408 : vector<16xf32>
        %mul3A_410 = arith.mulf %add3A_409, %exp3A_378 : vector<16xf32>
        %add3A_411 = arith.constant 0.999991476 : f32
        %add3A_412 = vector.broadcast %add3A_411 : f32 to vector<16xf32>
        %add3A_413 = arith.addf %mul3A_410, %add3A_412 : vector<16xf32>
        %mul3A_414 = arith.mulf %add3A_413, %exp3A_378 : vector<16xf32>
        %add3A_415 = arith.constant 9.09903334E-8 : f32
        %add3A_416 = vector.broadcast %add3A_415 : f32 to vector<16xf32>
        %add3A_417 = arith.addf %mul3A_414, %add3A_416 : vector<16xf32>
        %add3A_418 = arith.addf %sub3A_383, %add3A_417 : vector<16xf32>
        %mul3A_419 = arith.mulf %add3A_418, %get3A_373 : vector<16xf32>
        %add3A_420 = arith.addf %add3A_359, %mul3A_419 : vector<16xf32>
        %add3A_421 = arith.addf %add3A_360, %add3A_418 : vector<16xf32>
        %add3A_422 = arith.addf %add3A_361, %get3A_373 : vector<16xf32>
        %mul3A_423 = arith.constant 8 : i32
        %mul3A_424 = arith.muli %scan3A_120, %mul3A_423 : i32
        %add3A_425 = arith.constant 5 : i32
        %add3A_426 = arith.addi %mul3A_424, %add3A_425 : i32
        %mul3A_427 = arith.constant 16 : i32
        %mul3A_428 = arith.muli %add3A_426, %mul3A_427 : i32
        %get3A_429 = arith.index_cast %mul3A_428 : i32 to index
        %get3A_430 = tpu.vector_load %arg5[%get3A_429] {strides = array<i32>} : memref<16384xf32, #tpu.memory_space<vmem>>, vector<16xf32>,
        %get3A_431 = vector.shape_cast %get3A_430 : vector<16xf32> to vector<16xf32>
        %get3A_432 = arith.index_cast %mul3A_428 : i32 to index
        %get3A_433 = tpu.vector_load %arg7[%get3A_432] {strides = array<i32>} : memref<16384xf32, #tpu.memory_space<vmem>>, vector<16xf32>,
        %get3A_434 = vector.shape_cast %get3A_433 : vector<16xf32> to vector<16xf32>
        %abs3A_435 = math.absf %get3A_431 : vector<16xf32>
        %neg3A_436 = arith.constant 0.000000e+00 : f32
        %neg3A_437 = vector.broadcast %neg3A_436 : f32 to vector<16xf32>
        %neg3A_438 = arith.subf %neg3A_437, %abs3A_435 : vector<16xf32>
        %exp3A_439 = math.exp %neg3A_438 : vector<16xf32>
        %max3A_440 = arith.constant 0.000000e+00 : f32
        %max3A_441 = vector.broadcast %max3A_440 : f32 to vector<16xf32>
        %max3A_442 = arith.maximumf %get3A_431, %max3A_441 : vector<16xf32>
        %mul3A_443 = arith.mulf %get3A_434, %get3A_431 : vector<16xf32>
        %sub3A_444 = arith.subf %max3A_442, %mul3A_443 : vector<16xf32>
        %mul3A_445 = arith.constant -0.00607475266 : f32
        %mul3A_446 = vector.broadcast %mul3A_445 : f32 to vector<16xf32>
        %mul3A_447 = arith.mulf %mul3A_446, %exp3A_439 : vector<16xf32>
        %add3A_448 = arith.constant 0.0344179124 : f32
        %add3A_449 = vector.broadcast %add3A_448 : f32 to vector<16xf32>
        %add3A_450 = arith.addf %mul3A_447, %add3A_449 : vector<16xf32>
        %mul3A_451 = arith.mulf %add3A_450, %exp3A_439 : vector<16xf32>
        %add3A_452 = arith.constant -0.0923123061 : f32
        %add3A_453 = vector.broadcast %add3A_452 : f32 to vector<16xf32>
        %add3A_454 = arith.addf %mul3A_451, %add3A_453 : vector<16xf32>
        %mul3A_455 = arith.mulf %add3A_454, %exp3A_439 : vector<16xf32>
        %add3A_456 = arith.constant 0.164781883 : f32
        %add3A_457 = vector.broadcast %add3A_456 : f32 to vector<16xf32>
        %add3A_458 = arith.addf %mul3A_455, %add3A_457 : vector<16xf32>
        %mul3A_459 = arith.mulf %add3A_458, %exp3A_439 : vector<16xf32>
        %add3A_460 = arith.constant -0.239189729 : f32
        %add3A_461 = vector.broadcast %add3A_460 : f32 to vector<16xf32>
        %add3A_462 = arith.addf %mul3A_459, %add3A_461 : vector<16xf32>
        %mul3A_463 = arith.mulf %add3A_462, %exp3A_439 : vector<16xf32>
        %add3A_464 = arith.constant 0.331333667 : f32
        %add3A_465 = vector.broadcast %add3A_464 : f32 to vector<16xf32>
        %add3A_466 = arith.addf %mul3A_463, %add3A_465 : vector<16xf32>
        %mul3A_467 = arith.mulf %add3A_466, %exp3A_439 : vector<16xf32>
        %add3A_468 = arith.constant -0.499801099 : f32
        %add3A_469 = vector.broadcast %add3A_468 : f32 to vector<16xf32>
        %add3A_470 = arith.addf %mul3A_467, %add3A_469 : vector<16xf32>
        %mul3A_471 = arith.mulf %add3A_470, %exp3A_439 : vector<16xf32>
        %add3A_472 = arith.constant 0.999991476 : f32
        %add3A_473 = vector.broadcast %add3A_472 : f32 to vector<16xf32>
        %add3A_474 = arith.addf %mul3A_471, %add3A_473 : vector<16xf32>
        %mul3A_475 = arith.mulf %add3A_474, %exp3A_439 : vector<16xf32>
        %add3A_476 = arith.constant 9.09903334E-8 : f32
        %add3A_477 = vector.broadcast %add3A_476 : f32 to vector<16xf32>
        %add3A_478 = arith.addf %mul3A_475, %add3A_477 : vector<16xf32>
        %add3A_479 = arith.addf %sub3A_444, %add3A_478 : vector<16xf32>
        %mul3A_480 = arith.mulf %add3A_479, %get3A_434 : vector<16xf32>
        %add3A_481 = arith.addf %add3A_420, %mul3A_480 : vector<16xf32>
        %add3A_482 = arith.addf %add3A_421, %add3A_479 : vector<16xf32>
        %add3A_483 = arith.addf %add3A_422, %get3A_434 : vector<16xf32>
        %mul3A_484 = arith.constant 8 : i32
        %mul3A_485 = arith.muli %scan3A_120, %mul3A_484 : i32
        %add3A_486 = arith.constant 6 : i32
        %add3A_487 = arith.addi %mul3A_485, %add3A_486 : i32
        %mul3A_488 = arith.constant 16 : i32
        %mul3A_489 = arith.muli %add3A_487, %mul3A_488 : i32
        %get3A_490 = arith.index_cast %mul3A_489 : i32 to index
        %get3A_491 = tpu.vector_load %arg5[%get3A_490] {strides = array<i32>} : memref<16384xf32, #tpu.memory_space<vmem>>, vector<16xf32>,
        %get3A_492 = vector.shape_cast %get3A_491 : vector<16xf32> to vector<16xf32>
        %get3A_493 = arith.index_cast %mul3A_489 : i32 to index
        %get3A_494 = tpu.vector_load %arg7[%get3A_493] {strides = array<i32>} : memref<16384xf32, #tpu.memory_space<vmem>>, vector<16xf32>,
        %get3A_495 = vector.shape_cast %get3A_494 : vector<16xf32> to vector<16xf32>
        %abs3A_496 = math.absf %get3A_492 : vector<16xf32>
        %neg3A_497 = arith.constant 0.000000e+00 : f32
        %neg3A_498 = vector.broadcast %neg3A_497 : f32 to vector<16xf32>
        %neg3A_499 = arith.subf %neg3A_498, %abs3A_496 : vector<16xf32>
        %exp3A_500 = math.exp %neg3A_499 : vector<16xf32>
        %max3A_501 = arith.constant 0.000000e+00 : f32
        %max3A_502 = vector.broadcast %max3A_501 : f32 to vector<16xf32>
        %max3A_503 = arith.maximumf %get3A_492, %max3A_502 : vector<16xf32>
        %mul3A_504 = arith.mulf %get3A_495, %get3A_492 : vector<16xf32>
        %sub3A_505 = arith.subf %max3A_503, %mul3A_504 : vector<16xf32>
        %mul3A_506 = arith.constant -0.00607475266 : f32
        %mul3A_507 = vector.broadcast %mul3A_506 : f32 to vector<16xf32>
        %mul3A_508 = arith.mulf %mul3A_507, %exp3A_500 : vector<16xf32>
        %add3A_509 = arith.constant 0.0344179124 : f32
        %add3A_510 = vector.broadcast %add3A_509 : f32 to vector<16xf32>
        %add3A_511 = arith.addf %mul3A_508, %add3A_510 : vector<16xf32>
        %mul3A_512 = arith.mulf %add3A_511, %exp3A_500 : vector<16xf32>
        %add3A_513 = arith.constant -0.0923123061 : f32
        %add3A_514 = vector.broadcast %add3A_513 : f32 to vector<16xf32>
        %add3A_515 = arith.addf %mul3A_512, %add3A_514 : vector<16xf32>
        %mul3A_516 = arith.mulf %add3A_515, %exp3A_500 : vector<16xf32>
        %add3A_517 = arith.constant 0.164781883 : f32
        %add3A_518 = vector.broadcast %add3A_517 : f32 to vector<16xf32>
        %add3A_519 = arith.addf %mul3A_516, %add3A_518 : vector<16xf32>
        %mul3A_520 = arith.mulf %add3A_519, %exp3A_500 : vector<16xf32>
        %add3A_521 = arith.constant -0.239189729 : f32
        %add3A_522 = vector.broadcast %add3A_521 : f32 to vector<16xf32>
        %add3A_523 = arith.addf %mul3A_520, %add3A_522 : vector<16xf32>
        %mul3A_524 = arith.mulf %add3A_523, %exp3A_500 : vector<16xf32>
        %add3A_525 = arith.constant 0.331333667 : f32
        %add3A_526 = vector.broadcast %add3A_525 : f32 to vector<16xf32>
        %add3A_527 = arith.addf %mul3A_524, %add3A_526 : vector<16xf32>
        %mul3A_528 = arith.mulf %add3A_527, %exp3A_500 : vector<16xf32>
        %add3A_529 = arith.constant -0.499801099 : f32
        %add3A_530 = vector.broadcast %add3A_529 : f32 to vector<16xf32>
        %add3A_531 = arith.addf %mul3A_528, %add3A_530 : vector<16xf32>
        %mul3A_532 = arith.mulf %add3A_531, %exp3A_500 : vector<16xf32>
        %add3A_533 = arith.constant 0.999991476 : f32
        %add3A_534 = vector.broadcast %add3A_533 : f32 to vector<16xf32>
        %add3A_535 = arith.addf %mul3A_532, %add3A_534 : vector<16xf32>
        %mul3A_536 = arith.mulf %add3A_535, %exp3A_500 : vector<16xf32>
        %add3A_537 = arith.constant 9.09903334E-8 : f32
        %add3A_538 = vector.broadcast %add3A_537 : f32 to vector<16xf32>
        %add3A_539 = arith.addf %mul3A_536, %add3A_538 : vector<16xf32>
        %add3A_540 = arith.addf %sub3A_505, %add3A_539 : vector<16xf32>
        %mul3A_541 = arith.mulf %add3A_540, %get3A_495 : vector<16xf32>
        %add3A_542 = arith.addf %add3A_481, %mul3A_541 : vector<16xf32>
        %add3A_543 = arith.addf %add3A_482, %add3A_540 : vector<16xf32>
        %add3A_544 = arith.addf %add3A_483, %get3A_495 : vector<16xf32>
        %mul3A_545 = arith.constant 8 : i32
        %mul3A_546 = arith.muli %scan3A_120, %mul3A_545 : i32
        %add3A_547 = arith.constant 7 : i32
        %add3A_548 = arith.addi %mul3A_546, %add3A_547 : i32
        %mul3A_549 = arith.constant 16 : i32
        %mul3A_550 = arith.muli %add3A_548, %mul3A_549 : i32
        %get3A_551 = arith.index_cast %mul3A_550 : i32 to index
        %get3A_552 = tpu.vector_load %arg5[%get3A_551] {strides = array<i32>} : memref<16384xf32, #tpu.memory_space<vmem>>, vector<16xf32>,
        %get3A_553 = vector.shape_cast %get3A_552 : vector<16xf32> to vector<16xf32>
        %get3A_554 = arith.index_cast %mul3A_550 : i32 to index
        %get3A_555 = tpu.vector_load %arg7[%get3A_554] {strides = array<i32>} : memref<16384xf32, #tpu.memory_space<vmem>>, vector<16xf32>,
        %get3A_556 = vector.shape_cast %get3A_555 : vector<16xf32> to vector<16xf32>
        %abs3A_557 = math.absf %get3A_553 : vector<16xf32>
        %neg3A_558 = arith.constant 0.000000e+00 : f32
        %neg3A_559 = vector.broadcast %neg3A_558 : f32 to vector<16xf32>
        %neg3A_560 = arith.subf %neg3A_559, %abs3A_557 : vector<16xf32>
        %exp3A_561 = math.exp %neg3A_560 : vector<16xf32>
        %max3A_562 = arith.constant 0.000000e+00 : f32
        %max3A_563 = vector.broadcast %max3A_562 : f32 to vector<16xf32>
        %max3A_564 = arith.maximumf %get3A_553, %max3A_563 : vector<16xf32>
        %mul3A_565 = arith.mulf %get3A_556, %get3A_553 : vector<16xf32>
        %sub3A_566 = arith.subf %max3A_564, %mul3A_565 : vector<16xf32>
        %mul3A_567 = arith.constant -0.00607475266 : f32
        %mul3A_568 = vector.broadcast %mul3A_567 : f32 to vector<16xf32>
        %mul3A_569 = arith.mulf %mul3A_568, %exp3A_561 : vector<16xf32>
        %add3A_570 = arith.constant 0.0344179124 : f32
        %add3A_571 = vector.broadcast %add3A_570 : f32 to vector<16xf32>
        %add3A_572 = arith.addf %mul3A_569, %add3A_571 : vector<16xf32>
        %mul3A_573 = arith.mulf %add3A_572, %exp3A_561 : vector<16xf32>
        %add3A_574 = arith.constant -0.0923123061 : f32
        %add3A_575 = vector.broadcast %add3A_574 : f32 to vector<16xf32>
        %add3A_576 = arith.addf %mul3A_573, %add3A_575 : vector<16xf32>
        %mul3A_577 = arith.mulf %add3A_576, %exp3A_561 : vector<16xf32>
        %add3A_578 = arith.constant 0.164781883 : f32
        %add3A_579 = vector.broadcast %add3A_578 : f32 to vector<16xf32>
        %add3A_580 = arith.addf %mul3A_577, %add3A_579 : vector<16xf32>
        %mul3A_581 = arith.mulf %add3A_580, %exp3A_561 : vector<16xf32>
        %add3A_582 = arith.constant -0.239189729 : f32
        %add3A_583 = vector.broadcast %add3A_582 : f32 to vector<16xf32>
        %add3A_584 = arith.addf %mul3A_581, %add3A_583 : vector<16xf32>
        %mul3A_585 = arith.mulf %add3A_584, %exp3A_561 : vector<16xf32>
        %add3A_586 = arith.constant 0.331333667 : f32
        %add3A_587 = vector.broadcast %add3A_586 : f32 to vector<16xf32>
        %add3A_588 = arith.addf %mul3A_585, %add3A_587 : vector<16xf32>
        %mul3A_589 = arith.mulf %add3A_588, %exp3A_561 : vector<16xf32>
        %add3A_590 = arith.constant -0.499801099 : f32
        %add3A_591 = vector.broadcast %add3A_590 : f32 to vector<16xf32>
        %add3A_592 = arith.addf %mul3A_589, %add3A_591 : vector<16xf32>
        %mul3A_593 = arith.mulf %add3A_592, %exp3A_561 : vector<16xf32>
        %add3A_594 = arith.constant 0.999991476 : f32
        %add3A_595 = vector.broadcast %add3A_594 : f32 to vector<16xf32>
        %add3A_596 = arith.addf %mul3A_593, %add3A_595 : vector<16xf32>
        %mul3A_597 = arith.mulf %add3A_596, %exp3A_561 : vector<16xf32>
        %add3A_598 = arith.constant 9.09903334E-8 : f32
        %add3A_599 = vector.broadcast %add3A_598 : f32 to vector<16xf32>
        %add3A_600 = arith.addf %mul3A_597, %add3A_599 : vector<16xf32>
        %add3A_601 = arith.addf %sub3A_566, %add3A_600 : vector<16xf32>
        %mul3A_602 = arith.mulf %add3A_601, %get3A_556 : vector<16xf32>
        %add3A_603 = arith.addf %add3A_542, %mul3A_602 : vector<16xf32>
        %add3A_604 = arith.addf %add3A_543, %add3A_601 : vector<16xf32>
        %add3A_605 = arith.addf %add3A_544, %get3A_556 : vector<16xf32>
        scf.yield %add3A_603, %add3A_604, %add3A_605 : vector<16xf32>, vector<16xf32>, vector<16xf32>
      }
      %scan3A_83 = arith.constant 128 : i32
      %mul3A_84 = arith.constant 2 : i32
      %mul3A_85 = arith.muli %mul3A_84, %scan3A_66 : i32
      %add3A_86 = arith.constant 2 : i32
      %add3A_87 = arith.addi %mul3A_85, %add3A_86 : i32
      %mul3A_88 = arith.constant 16384 : i32
      %mul3A_89 = arith.muli %add3A_87, %mul3A_88 : i32
      %add3A_90 = arith.addi %add3A_4, %mul3A_89 : i32
      %dma_start3A_91 = tpu.memref_slice %arg2[%add3A_90] : memref<8388608xf32, #tpu.memory_space<hbm>> -> memref<16384xf32, #tpu.memory_space<hbm>>
      %dma_start3A_92 = tpu.memref_slice %arg2[%add3A_90] : memref<8388608xf32, #tpu.memory_space<hbm>> -> memref<16384xf32, #tpu.memory_space<hbm>>
      tpu.enqueue_dma source(%dma_start3A_92 : memref<16384xf32, #tpu.memory_space<hbm>>) target(%arg5 : memref<16384xf32, #tpu.memory_space<vmem>>) target_semaphore(%arg10 : memref<!tpu.dma_semaphore, #tpu.memory_space<semaphore_mem>>)
      %dma_start3A_93 = tpu.memref_slice %arg3[%add3A_90] : memref<8388608xf32, #tpu.memory_space<hbm>> -> memref<16384xf32, #tpu.memory_space<hbm>>
      %dma_start3A_94 = tpu.memref_slice %arg3[%add3A_90] : memref<8388608xf32, #tpu.memory_space<hbm>> -> memref<16384xf32, #tpu.memory_space<hbm>>
      tpu.enqueue_dma source(%dma_start3A_94 : memref<16384xf32, #tpu.memory_space<hbm>>) target(%arg7 : memref<16384xf32, #tpu.memory_space<vmem>>) target_semaphore(%arg10 : memref<!tpu.dma_semaphore, #tpu.memory_space<semaphore_mem>>)
      %dma_wait3A_95 = arith.constant 0 : i32
      %dma_wait3A_96 = tpu.memref_slice %arg2[%dma_wait3A_95] : memref<8388608xf32, #tpu.memory_space<hbm>> -> memref<16384xf32, #tpu.memory_space<hbm>>
      %dma_wait3A_97 = arith.constant 0 : i32
      %dma_wait3A_98 = tpu.memref_slice %arg2[%dma_wait3A_97] : memref<8388608xf32, #tpu.memory_space<hbm>> -> memref<16384xf32, #tpu.memory_space<hbm>>
      tpu.wait_dma2 semaphore(%arg11 : memref<!tpu.dma_semaphore, #tpu.memory_space<semaphore_mem>>) src(%dma_wait3A_98 : memref<16384xf32, #tpu.memory_space<hbm>>) dst(%arg6 : memref<16384xf32, #tpu.memory_space<vmem>>)
      %dma_wait3A_99 = arith.constant 0 : i32
      %dma_wait3A_100 = tpu.memref_slice %arg3[%dma_wait3A_99] : memref<8388608xf32, #tpu.memory_space<hbm>> -> memref<16384xf32, #tpu.memory_space<hbm>>
      %dma_wait3A_101 = arith.constant 0 : i32
      %dma_wait3A_102 = tpu.memref_slice %arg3[%dma_wait3A_101] : memref<8388608xf32, #tpu.memory_space<hbm>> -> memref<16384xf32, #tpu.memory_space<hbm>>
      tpu.wait_dma2 semaphore(%arg11 : memref<!tpu.dma_semaphore, #tpu.memory_space<semaphore_mem>>) src(%dma_wait3A_102 : memref<16384xf32, #tpu.memory_space<hbm>>) dst(%arg8 : memref<16384xf32, #tpu.memory_space<vmem>>)
      %scan3A_103 = arith.constant 0 : i32
      %scan3A_104 = arith.constant 128 : i32
      %scan3A_105 = arith.addi %scan3A_103, %scan3A_104 : i32
      %scan3A_106 = arith.constant 1 : i32
      %scan3A_107:3 = scf.for %scan3A_120 = %scan3A_103 to %scan3A_105 step %scan3A_106 iter_args(%scan3A_121 = %scan3A_82#0, %scan3A_122 = %scan3A_82#1, %scan3A_123 = %scan3A_82#2) -> (vector<16xf32>, vector<16xf32>, vector<16xf32>)  : i32 {
        %mul3A_124 = arith.constant 8 : i32
        %mul3A_125 = arith.muli %scan3A_120, %mul3A_124 : i32
        %add3A_126 = arith.constant 0 : i32
        %add3A_127 = arith.addi %mul3A_125, %add3A_126 : i32
        %mul3A_128 = arith.constant 16 : i32
        %mul3A_129 = arith.muli %add3A_127, %mul3A_128 : i32
        %get3A = arith.index_cast %mul3A_129 : i32 to index
        %get3A_130 = tpu.vector_load %arg6[%get3A] {strides = array<i32>} : memref<16384xf32, #tpu.memory_space<vmem>>, vector<16xf32>,
        %get3A_131 = vector.shape_cast %get3A_130 : vector<16xf32> to vector<16xf32>
        %get3A_132 = arith.index_cast %mul3A_129 : i32 to index
        %get3A_133 = tpu.vector_load %arg8[%get3A_132] {strides = array<i32>} : memref<16384xf32, #tpu.memory_space<vmem>>, vector<16xf32>,
        %get3A_134 = vector.shape_cast %get3A_133 : vector<16xf32> to vector<16xf32>
        %abs3A = math.absf %get3A_131 : vector<16xf32>
        %neg3A = arith.constant 0.000000e+00 : f32
        %neg3A_135 = vector.broadcast %neg3A : f32 to vector<16xf32>
        %neg3A_136 = arith.subf %neg3A_135, %abs3A : vector<16xf32>
        %exp3A = math.exp %neg3A_136 : vector<16xf32>
        %max3A = arith.constant 0.000000e+00 : f32
        %max3A_137 = vector.broadcast %max3A : f32 to vector<16xf32>
        %max3A_138 = arith.maximumf %get3A_131, %max3A_137 : vector<16xf32>
        %mul3A_139 = arith.mulf %get3A_134, %get3A_131 : vector<16xf32>
        %sub3A = arith.subf %max3A_138, %mul3A_139 : vector<16xf32>
        %mul3A_140 = arith.constant -0.00607475266 : f32
        %mul3A_141 = vector.broadcast %mul3A_140 : f32 to vector<16xf32>
        %mul3A_142 = arith.mulf %mul3A_141, %exp3A : vector<16xf32>
        %add3A_143 = arith.constant 0.0344179124 : f32
        %add3A_144 = vector.broadcast %add3A_143 : f32 to vector<16xf32>
        %add3A_145 = arith.addf %mul3A_142, %add3A_144 : vector<16xf32>
        %mul3A_146 = arith.mulf %add3A_145, %exp3A : vector<16xf32>
        %add3A_147 = arith.constant -0.0923123061 : f32
        %add3A_148 = vector.broadcast %add3A_147 : f32 to vector<16xf32>
        %add3A_149 = arith.addf %mul3A_146, %add3A_148 : vector<16xf32>
        %mul3A_150 = arith.mulf %add3A_149, %exp3A : vector<16xf32>
        %add3A_151 = arith.constant 0.164781883 : f32
        %add3A_152 = vector.broadcast %add3A_151 : f32 to vector<16xf32>
        %add3A_153 = arith.addf %mul3A_150, %add3A_152 : vector<16xf32>
        %mul3A_154 = arith.mulf %add3A_153, %exp3A : vector<16xf32>
        %add3A_155 = arith.constant -0.239189729 : f32
        %add3A_156 = vector.broadcast %add3A_155 : f32 to vector<16xf32>
        %add3A_157 = arith.addf %mul3A_154, %add3A_156 : vector<16xf32>
        %mul3A_158 = arith.mulf %add3A_157, %exp3A : vector<16xf32>
        %add3A_159 = arith.constant 0.331333667 : f32
        %add3A_160 = vector.broadcast %add3A_159 : f32 to vector<16xf32>
        %add3A_161 = arith.addf %mul3A_158, %add3A_160 : vector<16xf32>
        %mul3A_162 = arith.mulf %add3A_161, %exp3A : vector<16xf32>
        %add3A_163 = arith.constant -0.499801099 : f32
        %add3A_164 = vector.broadcast %add3A_163 : f32 to vector<16xf32>
        %add3A_165 = arith.addf %mul3A_162, %add3A_164 : vector<16xf32>
        %mul3A_166 = arith.mulf %add3A_165, %exp3A : vector<16xf32>
        %add3A_167 = arith.constant 0.999991476 : f32
        %add3A_168 = vector.broadcast %add3A_167 : f32 to vector<16xf32>
        %add3A_169 = arith.addf %mul3A_166, %add3A_168 : vector<16xf32>
        %mul3A_170 = arith.mulf %add3A_169, %exp3A : vector<16xf32>
        %add3A_171 = arith.constant 9.09903334E-8 : f32
        %add3A_172 = vector.broadcast %add3A_171 : f32 to vector<16xf32>
        %add3A_173 = arith.addf %mul3A_170, %add3A_172 : vector<16xf32>
        %add3A_174 = arith.addf %sub3A, %add3A_173 : vector<16xf32>
        %mul3A_175 = arith.mulf %add3A_174, %get3A_134 : vector<16xf32>
        %add3A_176 = arith.addf %scan3A_121, %mul3A_175 : vector<16xf32>
        %add3A_177 = arith.addf %scan3A_122, %add3A_174 : vector<16xf32>
        %add3A_178 = arith.addf %scan3A_123, %get3A_134 : vector<16xf32>
        %mul3A_179 = arith.constant 8 : i32
        %mul3A_180 = arith.muli %scan3A_120, %mul3A_179 : i32
        %add3A_181 = arith.constant 1 : i32
        %add3A_182 = arith.addi %mul3A_180, %add3A_181 : i32
        %mul3A_183 = arith.constant 16 : i32
        %mul3A_184 = arith.muli %add3A_182, %mul3A_183 : i32
        %get3A_185 = arith.index_cast %mul3A_184 : i32 to index
        %get3A_186 = tpu.vector_load %arg6[%get3A_185] {strides = array<i32>} : memref<16384xf32, #tpu.memory_space<vmem>>, vector<16xf32>,
        %get3A_187 = vector.shape_cast %get3A_186 : vector<16xf32> to vector<16xf32>
        %get3A_188 = arith.index_cast %mul3A_184 : i32 to index
        %get3A_189 = tpu.vector_load %arg8[%get3A_188] {strides = array<i32>} : memref<16384xf32, #tpu.memory_space<vmem>>, vector<16xf32>,
        %get3A_190 = vector.shape_cast %get3A_189 : vector<16xf32> to vector<16xf32>
        %abs3A_191 = math.absf %get3A_187 : vector<16xf32>
        %neg3A_192 = arith.constant 0.000000e+00 : f32
        %neg3A_193 = vector.broadcast %neg3A_192 : f32 to vector<16xf32>
        %neg3A_194 = arith.subf %neg3A_193, %abs3A_191 : vector<16xf32>
        %exp3A_195 = math.exp %neg3A_194 : vector<16xf32>
        %max3A_196 = arith.constant 0.000000e+00 : f32
        %max3A_197 = vector.broadcast %max3A_196 : f32 to vector<16xf32>
        %max3A_198 = arith.maximumf %get3A_187, %max3A_197 : vector<16xf32>
        %mul3A_199 = arith.mulf %get3A_190, %get3A_187 : vector<16xf32>
        %sub3A_200 = arith.subf %max3A_198, %mul3A_199 : vector<16xf32>
        %mul3A_201 = arith.constant -0.00607475266 : f32
        %mul3A_202 = vector.broadcast %mul3A_201 : f32 to vector<16xf32>
        %mul3A_203 = arith.mulf %mul3A_202, %exp3A_195 : vector<16xf32>
        %add3A_204 = arith.constant 0.0344179124 : f32
        %add3A_205 = vector.broadcast %add3A_204 : f32 to vector<16xf32>
        %add3A_206 = arith.addf %mul3A_203, %add3A_205 : vector<16xf32>
        %mul3A_207 = arith.mulf %add3A_206, %exp3A_195 : vector<16xf32>
        %add3A_208 = arith.constant -0.0923123061 : f32
        %add3A_209 = vector.broadcast %add3A_208 : f32 to vector<16xf32>
        %add3A_210 = arith.addf %mul3A_207, %add3A_209 : vector<16xf32>
        %mul3A_211 = arith.mulf %add3A_210, %exp3A_195 : vector<16xf32>
        %add3A_212 = arith.constant 0.164781883 : f32
        %add3A_213 = vector.broadcast %add3A_212 : f32 to vector<16xf32>
        %add3A_214 = arith.addf %mul3A_211, %add3A_213 : vector<16xf32>
        %mul3A_215 = arith.mulf %add3A_214, %exp3A_195 : vector<16xf32>
        %add3A_216 = arith.constant -0.239189729 : f32
        %add3A_217 = vector.broadcast %add3A_216 : f32 to vector<16xf32>
        %add3A_218 = arith.addf %mul3A_215, %add3A_217 : vector<16xf32>
        %mul3A_219 = arith.mulf %add3A_218, %exp3A_195 : vector<16xf32>
        %add3A_220 = arith.constant 0.331333667 : f32
        %add3A_221 = vector.broadcast %add3A_220 : f32 to vector<16xf32>
        %add3A_222 = arith.addf %mul3A_219, %add3A_221 : vector<16xf32>
        %mul3A_223 = arith.mulf %add3A_222, %exp3A_195 : vector<16xf32>
        %add3A_224 = arith.constant -0.499801099 : f32
        %add3A_225 = vector.broadcast %add3A_224 : f32 to vector<16xf32>
        %add3A_226 = arith.addf %mul3A_223, %add3A_225 : vector<16xf32>
        %mul3A_227 = arith.mulf %add3A_226, %exp3A_195 : vector<16xf32>
        %add3A_228 = arith.constant 0.999991476 : f32
        %add3A_229 = vector.broadcast %add3A_228 : f32 to vector<16xf32>
        %add3A_230 = arith.addf %mul3A_227, %add3A_229 : vector<16xf32>
        %mul3A_231 = arith.mulf %add3A_230, %exp3A_195 : vector<16xf32>
        %add3A_232 = arith.constant 9.09903334E-8 : f32
        %add3A_233 = vector.broadcast %add3A_232 : f32 to vector<16xf32>
        %add3A_234 = arith.addf %mul3A_231, %add3A_233 : vector<16xf32>
        %add3A_235 = arith.addf %sub3A_200, %add3A_234 : vector<16xf32>
        %mul3A_236 = arith.mulf %add3A_235, %get3A_190 : vector<16xf32>
        %add3A_237 = arith.addf %add3A_176, %mul3A_236 : vector<16xf32>
        %add3A_238 = arith.addf %add3A_177, %add3A_235 : vector<16xf32>
        %add3A_239 = arith.addf %add3A_178, %get3A_190 : vector<16xf32>
        %mul3A_240 = arith.constant 8 : i32
        %mul3A_241 = arith.muli %scan3A_120, %mul3A_240 : i32
        %add3A_242 = arith.constant 2 : i32
        %add3A_243 = arith.addi %mul3A_241, %add3A_242 : i32
        %mul3A_244 = arith.constant 16 : i32
        %mul3A_245 = arith.muli %add3A_243, %mul3A_244 : i32
        %get3A_246 = arith.index_cast %mul3A_245 : i32 to index
        %get3A_247 = tpu.vector_load %arg6[%get3A_246] {strides = array<i32>} : memref<16384xf32, #tpu.memory_space<vmem>>, vector<16xf32>,
        %get3A_248 = vector.shape_cast %get3A_247 : vector<16xf32> to vector<16xf32>
        %get3A_249 = arith.index_cast %mul3A_245 : i32 to index
        %get3A_250 = tpu.vector_load %arg8[%get3A_249] {strides = array<i32>} : memref<16384xf32, #tpu.memory_space<vmem>>, vector<16xf32>,
        %get3A_251 = vector.shape_cast %get3A_250 : vector<16xf32> to vector<16xf32>
        %abs3A_252 = math.absf %get3A_248 : vector<16xf32>
        %neg3A_253 = arith.constant 0.000000e+00 : f32
        %neg3A_254 = vector.broadcast %neg3A_253 : f32 to vector<16xf32>
        %neg3A_255 = arith.subf %neg3A_254, %abs3A_252 : vector<16xf32>
        %exp3A_256 = math.exp %neg3A_255 : vector<16xf32>
        %max3A_257 = arith.constant 0.000000e+00 : f32
        %max3A_258 = vector.broadcast %max3A_257 : f32 to vector<16xf32>
        %max3A_259 = arith.maximumf %get3A_248, %max3A_258 : vector<16xf32>
        %mul3A_260 = arith.mulf %get3A_251, %get3A_248 : vector<16xf32>
        %sub3A_261 = arith.subf %max3A_259, %mul3A_260 : vector<16xf32>
        %mul3A_262 = arith.constant -0.00607475266 : f32
        %mul3A_263 = vector.broadcast %mul3A_262 : f32 to vector<16xf32>
        %mul3A_264 = arith.mulf %mul3A_263, %exp3A_256 : vector<16xf32>
        %add3A_265 = arith.constant 0.0344179124 : f32
        %add3A_266 = vector.broadcast %add3A_265 : f32 to vector<16xf32>
        %add3A_267 = arith.addf %mul3A_264, %add3A_266 : vector<16xf32>
        %mul3A_268 = arith.mulf %add3A_267, %exp3A_256 : vector<16xf32>
        %add3A_269 = arith.constant -0.0923123061 : f32
        %add3A_270 = vector.broadcast %add3A_269 : f32 to vector<16xf32>
        %add3A_271 = arith.addf %mul3A_268, %add3A_270 : vector<16xf32>
        %mul3A_272 = arith.mulf %add3A_271, %exp3A_256 : vector<16xf32>
        %add3A_273 = arith.constant 0.164781883 : f32
        %add3A_274 = vector.broadcast %add3A_273 : f32 to vector<16xf32>
        %add3A_275 = arith.addf %mul3A_272, %add3A_274 : vector<16xf32>
        %mul3A_276 = arith.mulf %add3A_275, %exp3A_256 : vector<16xf32>
        %add3A_277 = arith.constant -0.239189729 : f32
        %add3A_278 = vector.broadcast %add3A_277 : f32 to vector<16xf32>
        %add3A_279 = arith.addf %mul3A_276, %add3A_278 : vector<16xf32>
        %mul3A_280 = arith.mulf %add3A_279, %exp3A_256 : vector<16xf32>
        %add3A_281 = arith.constant 0.331333667 : f32
        %add3A_282 = vector.broadcast %add3A_281 : f32 to vector<16xf32>
        %add3A_283 = arith.addf %mul3A_280, %add3A_282 : vector<16xf32>
        %mul3A_284 = arith.mulf %add3A_283, %exp3A_256 : vector<16xf32>
        %add3A_285 = arith.constant -0.499801099 : f32
        %add3A_286 = vector.broadcast %add3A_285 : f32 to vector<16xf32>
        %add3A_287 = arith.addf %mul3A_284, %add3A_286 : vector<16xf32>
        %mul3A_288 = arith.mulf %add3A_287, %exp3A_256 : vector<16xf32>
        %add3A_289 = arith.constant 0.999991476 : f32
        %add3A_290 = vector.broadcast %add3A_289 : f32 to vector<16xf32>
        %add3A_291 = arith.addf %mul3A_288, %add3A_290 : vector<16xf32>
        %mul3A_292 = arith.mulf %add3A_291, %exp3A_256 : vector<16xf32>
        %add3A_293 = arith.constant 9.09903334E-8 : f32
        %add3A_294 = vector.broadcast %add3A_293 : f32 to vector<16xf32>
        %add3A_295 = arith.addf %mul3A_292, %add3A_294 : vector<16xf32>
        %add3A_296 = arith.addf %sub3A_261, %add3A_295 : vector<16xf32>
        %mul3A_297 = arith.mulf %add3A_296, %get3A_251 : vector<16xf32>
        %add3A_298 = arith.addf %add3A_237, %mul3A_297 : vector<16xf32>
        %add3A_299 = arith.addf %add3A_238, %add3A_296 : vector<16xf32>
        %add3A_300 = arith.addf %add3A_239, %get3A_251 : vector<16xf32>
        %mul3A_301 = arith.constant 8 : i32
        %mul3A_302 = arith.muli %scan3A_120, %mul3A_301 : i32
        %add3A_303 = arith.constant 3 : i32
        %add3A_304 = arith.addi %mul3A_302, %add3A_303 : i32
        %mul3A_305 = arith.constant 16 : i32
        %mul3A_306 = arith.muli %add3A_304, %mul3A_305 : i32
        %get3A_307 = arith.index_cast %mul3A_306 : i32 to index
        %get3A_308 = tpu.vector_load %arg6[%get3A_307] {strides = array<i32>} : memref<16384xf32, #tpu.memory_space<vmem>>, vector<16xf32>,
        %get3A_309 = vector.shape_cast %get3A_308 : vector<16xf32> to vector<16xf32>
        %get3A_310 = arith.index_cast %mul3A_306 : i32 to index
        %get3A_311 = tpu.vector_load %arg8[%get3A_310] {strides = array<i32>} : memref<16384xf32, #tpu.memory_space<vmem>>, vector<16xf32>,
        %get3A_312 = vector.shape_cast %get3A_311 : vector<16xf32> to vector<16xf32>
        %abs3A_313 = math.absf %get3A_309 : vector<16xf32>
        %neg3A_314 = arith.constant 0.000000e+00 : f32
        %neg3A_315 = vector.broadcast %neg3A_314 : f32 to vector<16xf32>
        %neg3A_316 = arith.subf %neg3A_315, %abs3A_313 : vector<16xf32>
        %exp3A_317 = math.exp %neg3A_316 : vector<16xf32>
        %max3A_318 = arith.constant 0.000000e+00 : f32
        %max3A_319 = vector.broadcast %max3A_318 : f32 to vector<16xf32>
        %max3A_320 = arith.maximumf %get3A_309, %max3A_319 : vector<16xf32>
        %mul3A_321 = arith.mulf %get3A_312, %get3A_309 : vector<16xf32>
        %sub3A_322 = arith.subf %max3A_320, %mul3A_321 : vector<16xf32>
        %mul3A_323 = arith.constant -0.00607475266 : f32
        %mul3A_324 = vector.broadcast %mul3A_323 : f32 to vector<16xf32>
        %mul3A_325 = arith.mulf %mul3A_324, %exp3A_317 : vector<16xf32>
        %add3A_326 = arith.constant 0.0344179124 : f32
        %add3A_327 = vector.broadcast %add3A_326 : f32 to vector<16xf32>
        %add3A_328 = arith.addf %mul3A_325, %add3A_327 : vector<16xf32>
        %mul3A_329 = arith.mulf %add3A_328, %exp3A_317 : vector<16xf32>
        %add3A_330 = arith.constant -0.0923123061 : f32
        %add3A_331 = vector.broadcast %add3A_330 : f32 to vector<16xf32>
        %add3A_332 = arith.addf %mul3A_329, %add3A_331 : vector<16xf32>
        %mul3A_333 = arith.mulf %add3A_332, %exp3A_317 : vector<16xf32>
        %add3A_334 = arith.constant 0.164781883 : f32
        %add3A_335 = vector.broadcast %add3A_334 : f32 to vector<16xf32>
        %add3A_336 = arith.addf %mul3A_333, %add3A_335 : vector<16xf32>
        %mul3A_337 = arith.mulf %add3A_336, %exp3A_317 : vector<16xf32>
        %add3A_338 = arith.constant -0.239189729 : f32
        %add3A_339 = vector.broadcast %add3A_338 : f32 to vector<16xf32>
        %add3A_340 = arith.addf %mul3A_337, %add3A_339 : vector<16xf32>
        %mul3A_341 = arith.mulf %add3A_340, %exp3A_317 : vector<16xf32>
        %add3A_342 = arith.constant 0.331333667 : f32
        %add3A_343 = vector.broadcast %add3A_342 : f32 to vector<16xf32>
        %add3A_344 = arith.addf %mul3A_341, %add3A_343 : vector<16xf32>
        %mul3A_345 = arith.mulf %add3A_344, %exp3A_317 : vector<16xf32>
        %add3A_346 = arith.constant -0.499801099 : f32
        %add3A_347 = vector.broadcast %add3A_346 : f32 to vector<16xf32>
        %add3A_348 = arith.addf %mul3A_345, %add3A_347 : vector<16xf32>
        %mul3A_349 = arith.mulf %add3A_348, %exp3A_317 : vector<16xf32>
        %add3A_350 = arith.constant 0.999991476 : f32
        %add3A_351 = vector.broadcast %add3A_350 : f32 to vector<16xf32>
        %add3A_352 = arith.addf %mul3A_349, %add3A_351 : vector<16xf32>
        %mul3A_353 = arith.mulf %add3A_352, %exp3A_317 : vector<16xf32>
        %add3A_354 = arith.constant 9.09903334E-8 : f32
        %add3A_355 = vector.broadcast %add3A_354 : f32 to vector<16xf32>
        %add3A_356 = arith.addf %mul3A_353, %add3A_355 : vector<16xf32>
        %add3A_357 = arith.addf %sub3A_322, %add3A_356 : vector<16xf32>
        %mul3A_358 = arith.mulf %add3A_357, %get3A_312 : vector<16xf32>
        %add3A_359 = arith.addf %add3A_298, %mul3A_358 : vector<16xf32>
        %add3A_360 = arith.addf %add3A_299, %add3A_357 : vector<16xf32>
        %add3A_361 = arith.addf %add3A_300, %get3A_312 : vector<16xf32>
        %mul3A_362 = arith.constant 8 : i32
        %mul3A_363 = arith.muli %scan3A_120, %mul3A_362 : i32
        %add3A_364 = arith.constant 4 : i32
        %add3A_365 = arith.addi %mul3A_363, %add3A_364 : i32
        %mul3A_366 = arith.constant 16 : i32
        %mul3A_367 = arith.muli %add3A_365, %mul3A_366 : i32
        %get3A_368 = arith.index_cast %mul3A_367 : i32 to index
        %get3A_369 = tpu.vector_load %arg6[%get3A_368] {strides = array<i32>} : memref<16384xf32, #tpu.memory_space<vmem>>, vector<16xf32>,
        %get3A_370 = vector.shape_cast %get3A_369 : vector<16xf32> to vector<16xf32>
        %get3A_371 = arith.index_cast %mul3A_367 : i32 to index
        %get3A_372 = tpu.vector_load %arg8[%get3A_371] {strides = array<i32>} : memref<16384xf32, #tpu.memory_space<vmem>>, vector<16xf32>,
        %get3A_373 = vector.shape_cast %get3A_372 : vector<16xf32> to vector<16xf32>
        %abs3A_374 = math.absf %get3A_370 : vector<16xf32>
        %neg3A_375 = arith.constant 0.000000e+00 : f32
        %neg3A_376 = vector.broadcast %neg3A_375 : f32 to vector<16xf32>
        %neg3A_377 = arith.subf %neg3A_376, %abs3A_374 : vector<16xf32>
        %exp3A_378 = math.exp %neg3A_377 : vector<16xf32>
        %max3A_379 = arith.constant 0.000000e+00 : f32
        %max3A_380 = vector.broadcast %max3A_379 : f32 to vector<16xf32>
        %max3A_381 = arith.maximumf %get3A_370, %max3A_380 : vector<16xf32>
        %mul3A_382 = arith.mulf %get3A_373, %get3A_370 : vector<16xf32>
        %sub3A_383 = arith.subf %max3A_381, %mul3A_382 : vector<16xf32>
        %mul3A_384 = arith.constant -0.00607475266 : f32
        %mul3A_385 = vector.broadcast %mul3A_384 : f32 to vector<16xf32>
        %mul3A_386 = arith.mulf %mul3A_385, %exp3A_378 : vector<16xf32>
        %add3A_387 = arith.constant 0.0344179124 : f32
        %add3A_388 = vector.broadcast %add3A_387 : f32 to vector<16xf32>
        %add3A_389 = arith.addf %mul3A_386, %add3A_388 : vector<16xf32>
        %mul3A_390 = arith.mulf %add3A_389, %exp3A_378 : vector<16xf32>
        %add3A_391 = arith.constant -0.0923123061 : f32
        %add3A_392 = vector.broadcast %add3A_391 : f32 to vector<16xf32>
        %add3A_393 = arith.addf %mul3A_390, %add3A_392 : vector<16xf32>
        %mul3A_394 = arith.mulf %add3A_393, %exp3A_378 : vector<16xf32>
        %add3A_395 = arith.constant 0.164781883 : f32
        %add3A_396 = vector.broadcast %add3A_395 : f32 to vector<16xf32>
        %add3A_397 = arith.addf %mul3A_394, %add3A_396 : vector<16xf32>
        %mul3A_398 = arith.mulf %add3A_397, %exp3A_378 : vector<16xf32>
        %add3A_399 = arith.constant -0.239189729 : f32
        %add3A_400 = vector.broadcast %add3A_399 : f32 to vector<16xf32>
        %add3A_401 = arith.addf %mul3A_398, %add3A_400 : vector<16xf32>
        %mul3A_402 = arith.mulf %add3A_401, %exp3A_378 : vector<16xf32>
        %add3A_403 = arith.constant 0.331333667 : f32
        %add3A_404 = vector.broadcast %add3A_403 : f32 to vector<16xf32>
        %add3A_405 = arith.addf %mul3A_402, %add3A_404 : vector<16xf32>
        %mul3A_406 = arith.mulf %add3A_405, %exp3A_378 : vector<16xf32>
        %add3A_407 = arith.constant -0.499801099 : f32
        %add3A_408 = vector.broadcast %add3A_407 : f32 to vector<16xf32>
        %add3A_409 = arith.addf %mul3A_406, %add3A_408 : vector<16xf32>
        %mul3A_410 = arith.mulf %add3A_409, %exp3A_378 : vector<16xf32>
        %add3A_411 = arith.constant 0.999991476 : f32
        %add3A_412 = vector.broadcast %add3A_411 : f32 to vector<16xf32>
        %add3A_413 = arith.addf %mul3A_410, %add3A_412 : vector<16xf32>
        %mul3A_414 = arith.mulf %add3A_413, %exp3A_378 : vector<16xf32>
        %add3A_415 = arith.constant 9.09903334E-8 : f32
        %add3A_416 = vector.broadcast %add3A_415 : f32 to vector<16xf32>
        %add3A_417 = arith.addf %mul3A_414, %add3A_416 : vector<16xf32>
        %add3A_418 = arith.addf %sub3A_383, %add3A_417 : vector<16xf32>
        %mul3A_419 = arith.mulf %add3A_418, %get3A_373 : vector<16xf32>
        %add3A_420 = arith.addf %add3A_359, %mul3A_419 : vector<16xf32>
        %add3A_421 = arith.addf %add3A_360, %add3A_418 : vector<16xf32>
        %add3A_422 = arith.addf %add3A_361, %get3A_373 : vector<16xf32>
        %mul3A_423 = arith.constant 8 : i32
        %mul3A_424 = arith.muli %scan3A_120, %mul3A_423 : i32
        %add3A_425 = arith.constant 5 : i32
        %add3A_426 = arith.addi %mul3A_424, %add3A_425 : i32
        %mul3A_427 = arith.constant 16 : i32
        %mul3A_428 = arith.muli %add3A_426, %mul3A_427 : i32
        %get3A_429 = arith.index_cast %mul3A_428 : i32 to index
        %get3A_430 = tpu.vector_load %arg6[%get3A_429] {strides = array<i32>} : memref<16384xf32, #tpu.memory_space<vmem>>, vector<16xf32>,
        %get3A_431 = vector.shape_cast %get3A_430 : vector<16xf32> to vector<16xf32>
        %get3A_432 = arith.index_cast %mul3A_428 : i32 to index
        %get3A_433 = tpu.vector_load %arg8[%get3A_432] {strides = array<i32>} : memref<16384xf32, #tpu.memory_space<vmem>>, vector<16xf32>,
        %get3A_434 = vector.shape_cast %get3A_433 : vector<16xf32> to vector<16xf32>
        %abs3A_435 = math.absf %get3A_431 : vector<16xf32>
        %neg3A_436 = arith.constant 0.000000e+00 : f32
        %neg3A_437 = vector.broadcast %neg3A_436 : f32 to vector<16xf32>
        %neg3A_438 = arith.subf %neg3A_437, %abs3A_435 : vector<16xf32>
        %exp3A_439 = math.exp %neg3A_438 : vector<16xf32>
        %max3A_440 = arith.constant 0.000000e+00 : f32
        %max3A_441 = vector.broadcast %max3A_440 : f32 to vector<16xf32>
        %max3A_442 = arith.maximumf %get3A_431, %max3A_441 : vector<16xf32>
        %mul3A_443 = arith.mulf %get3A_434, %get3A_431 : vector<16xf32>
        %sub3A_444 = arith.subf %max3A_442, %mul3A_443 : vector<16xf32>
        %mul3A_445 = arith.constant -0.00607475266 : f32
        %mul3A_446 = vector.broadcast %mul3A_445 : f32 to vector<16xf32>
        %mul3A_447 = arith.mulf %mul3A_446, %exp3A_439 : vector<16xf32>
        %add3A_448 = arith.constant 0.0344179124 : f32
        %add3A_449 = vector.broadcast %add3A_448 : f32 to vector<16xf32>
        %add3A_450 = arith.addf %mul3A_447, %add3A_449 : vector<16xf32>
        %mul3A_451 = arith.mulf %add3A_450, %exp3A_439 : vector<16xf32>
        %add3A_452 = arith.constant -0.0923123061 : f32
        %add3A_453 = vector.broadcast %add3A_452 : f32 to vector<16xf32>
        %add3A_454 = arith.addf %mul3A_451, %add3A_453 : vector<16xf32>
        %mul3A_455 = arith.mulf %add3A_454, %exp3A_439 : vector<16xf32>
        %add3A_456 = arith.constant 0.164781883 : f32
        %add3A_457 = vector.broadcast %add3A_456 : f32 to vector<16xf32>
        %add3A_458 = arith.addf %mul3A_455, %add3A_457 : vector<16xf32>
        %mul3A_459 = arith.mulf %add3A_458, %exp3A_439 : vector<16xf32>
        %add3A_460 = arith.constant -0.239189729 : f32
        %add3A_461 = vector.broadcast %add3A_460 : f32 to vector<16xf32>
        %add3A_462 = arith.addf %mul3A_459, %add3A_461 : vector<16xf32>
        %mul3A_463 = arith.mulf %add3A_462, %exp3A_439 : vector<16xf32>
        %add3A_464 = arith.constant 0.331333667 : f32
        %add3A_465 = vector.broadcast %add3A_464 : f32 to vector<16xf32>
        %add3A_466 = arith.addf %mul3A_463, %add3A_465 : vector<16xf32>
        %mul3A_467 = arith.mulf %add3A_466, %exp3A_439 : vector<16xf32>
        %add3A_468 = arith.constant -0.499801099 : f32
        %add3A_469 = vector.broadcast %add3A_468 : f32 to vector<16xf32>
        %add3A_470 = arith.addf %mul3A_467, %add3A_469 : vector<16xf32>
        %mul3A_471 = arith.mulf %add3A_470, %exp3A_439 : vector<16xf32>
        %add3A_472 = arith.constant 0.999991476 : f32
        %add3A_473 = vector.broadcast %add3A_472 : f32 to vector<16xf32>
        %add3A_474 = arith.addf %mul3A_471, %add3A_473 : vector<16xf32>
        %mul3A_475 = arith.mulf %add3A_474, %exp3A_439 : vector<16xf32>
        %add3A_476 = arith.constant 9.09903334E-8 : f32
        %add3A_477 = vector.broadcast %add3A_476 : f32 to vector<16xf32>
        %add3A_478 = arith.addf %mul3A_475, %add3A_477 : vector<16xf32>
        %add3A_479 = arith.addf %sub3A_444, %add3A_478 : vector<16xf32>
        %mul3A_480 = arith.mulf %add3A_479, %get3A_434 : vector<16xf32>
        %add3A_481 = arith.addf %add3A_420, %mul3A_480 : vector<16xf32>
        %add3A_482 = arith.addf %add3A_421, %add3A_479 : vector<16xf32>
        %add3A_483 = arith.addf %add3A_422, %get3A_434 : vector<16xf32>
        %mul3A_484 = arith.constant 8 : i32
        %mul3A_485 = arith.muli %scan3A_120, %mul3A_484 : i32
        %add3A_486 = arith.constant 6 : i32
        %add3A_487 = arith.addi %mul3A_485, %add3A_486 : i32
        %mul3A_488 = arith.constant 16 : i32
        %mul3A_489 = arith.muli %add3A_487, %mul3A_488 : i32
        %get3A_490 = arith.index_cast %mul3A_489 : i32 to index
        %get3A_491 = tpu.vector_load %arg6[%get3A_490] {strides = array<i32>} : memref<16384xf32, #tpu.memory_space<vmem>>, vector<16xf32>,
        %get3A_492 = vector.shape_cast %get3A_491 : vector<16xf32> to vector<16xf32>
        %get3A_493 = arith.index_cast %mul3A_489 : i32 to index
        %get3A_494 = tpu.vector_load %arg8[%get3A_493] {strides = array<i32>} : memref<16384xf32, #tpu.memory_space<vmem>>, vector<16xf32>,
        %get3A_495 = vector.shape_cast %get3A_494 : vector<16xf32> to vector<16xf32>
        %abs3A_496 = math.absf %get3A_492 : vector<16xf32>
        %neg3A_497 = arith.constant 0.000000e+00 : f32
        %neg3A_498 = vector.broadcast %neg3A_497 : f32 to vector<16xf32>
        %neg3A_499 = arith.subf %neg3A_498, %abs3A_496 : vector<16xf32>
        %exp3A_500 = math.exp %neg3A_499 : vector<16xf32>
        %max3A_501 = arith.constant 0.000000e+00 : f32
        %max3A_502 = vector.broadcast %max3A_501 : f32 to vector<16xf32>
        %max3A_503 = arith.maximumf %get3A_492, %max3A_502 : vector<16xf32>
        %mul3A_504 = arith.mulf %get3A_495, %get3A_492 : vector<16xf32>
        %sub3A_505 = arith.subf %max3A_503, %mul3A_504 : vector<16xf32>
        %mul3A_506 = arith.constant -0.00607475266 : f32
        %mul3A_507 = vector.broadcast %mul3A_506 : f32 to vector<16xf32>
        %mul3A_508 = arith.mulf %mul3A_507, %exp3A_500 : vector<16xf32>
        %add3A_509 = arith.constant 0.0344179124 : f32
        %add3A_510 = vector.broadcast %add3A_509 : f32 to vector<16xf32>
        %add3A_511 = arith.addf %mul3A_508, %add3A_510 : vector<16xf32>
        %mul3A_512 = arith.mulf %add3A_511, %exp3A_500 : vector<16xf32>
        %add3A_513 = arith.constant -0.0923123061 : f32
        %add3A_514 = vector.broadcast %add3A_513 : f32 to vector<16xf32>
        %add3A_515 = arith.addf %mul3A_512, %add3A_514 : vector<16xf32>
        %mul3A_516 = arith.mulf %add3A_515, %exp3A_500 : vector<16xf32>
        %add3A_517 = arith.constant 0.164781883 : f32
        %add3A_518 = vector.broadcast %add3A_517 : f32 to vector<16xf32>
        %add3A_519 = arith.addf %mul3A_516, %add3A_518 : vector<16xf32>
        %mul3A_520 = arith.mulf %add3A_519, %exp3A_500 : vector<16xf32>
        %add3A_521 = arith.constant -0.239189729 : f32
        %add3A_522 = vector.broadcast %add3A_521 : f32 to vector<16xf32>
        %add3A_523 = arith.addf %mul3A_520, %add3A_522 : vector<16xf32>
        %mul3A_524 = arith.mulf %add3A_523, %exp3A_500 : vector<16xf32>
        %add3A_525 = arith.constant 0.331333667 : f32
        %add3A_526 = vector.broadcast %add3A_525 : f32 to vector<16xf32>
        %add3A_527 = arith.addf %mul3A_524, %add3A_526 : vector<16xf32>
        %mul3A_528 = arith.mulf %add3A_527, %exp3A_500 : vector<16xf32>
        %add3A_529 = arith.constant -0.499801099 : f32
        %add3A_530 = vector.broadcast %add3A_529 : f32 to vector<16xf32>
        %add3A_531 = arith.addf %mul3A_528, %add3A_530 : vector<16xf32>
        %mul3A_532 = arith.mulf %add3A_531, %exp3A_500 : vector<16xf32>
        %add3A_533 = arith.constant 0.999991476 : f32
        %add3A_534 = vector.broadcast %add3A_533 : f32 to vector<16xf32>
        %add3A_535 = arith.addf %mul3A_532, %add3A_534 : vector<16xf32>
        %mul3A_536 = arith.mulf %add3A_535, %exp3A_500 : vector<16xf32>
        %add3A_537 = arith.constant 9.09903334E-8 : f32
        %add3A_538 = vector.broadcast %add3A_537 : f32 to vector<16xf32>
        %add3A_539 = arith.addf %mul3A_536, %add3A_538 : vector<16xf32>
        %add3A_540 = arith.addf %sub3A_505, %add3A_539 : vector<16xf32>
        %mul3A_541 = arith.mulf %add3A_540, %get3A_495 : vector<16xf32>
        %add3A_542 = arith.addf %add3A_481, %mul3A_541 : vector<16xf32>
        %add3A_543 = arith.addf %add3A_482, %add3A_540 : vector<16xf32>
        %add3A_544 = arith.addf %add3A_483, %get3A_495 : vector<16xf32>
        %mul3A_545 = arith.constant 8 : i32
        %mul3A_546 = arith.muli %scan3A_120, %mul3A_545 : i32
        %add3A_547 = arith.constant 7 : i32
        %add3A_548 = arith.addi %mul3A_546, %add3A_547 : i32
        %mul3A_549 = arith.constant 16 : i32
        %mul3A_550 = arith.muli %add3A_548, %mul3A_549 : i32
        %get3A_551 = arith.index_cast %mul3A_550 : i32 to index
        %get3A_552 = tpu.vector_load %arg6[%get3A_551] {strides = array<i32>} : memref<16384xf32, #tpu.memory_space<vmem>>, vector<16xf32>,
        %get3A_553 = vector.shape_cast %get3A_552 : vector<16xf32> to vector<16xf32>
        %get3A_554 = arith.index_cast %mul3A_550 : i32 to index
        %get3A_555 = tpu.vector_load %arg8[%get3A_554] {strides = array<i32>} : memref<16384xf32, #tpu.memory_space<vmem>>, vector<16xf32>,
        %get3A_556 = vector.shape_cast %get3A_555 : vector<16xf32> to vector<16xf32>
        %abs3A_557 = math.absf %get3A_553 : vector<16xf32>
        %neg3A_558 = arith.constant 0.000000e+00 : f32
        %neg3A_559 = vector.broadcast %neg3A_558 : f32 to vector<16xf32>
        %neg3A_560 = arith.subf %neg3A_559, %abs3A_557 : vector<16xf32>
        %exp3A_561 = math.exp %neg3A_560 : vector<16xf32>
        %max3A_562 = arith.constant 0.000000e+00 : f32
        %max3A_563 = vector.broadcast %max3A_562 : f32 to vector<16xf32>
        %max3A_564 = arith.maximumf %get3A_553, %max3A_563 : vector<16xf32>
        %mul3A_565 = arith.mulf %get3A_556, %get3A_553 : vector<16xf32>
        %sub3A_566 = arith.subf %max3A_564, %mul3A_565 : vector<16xf32>
        %mul3A_567 = arith.constant -0.00607475266 : f32
        %mul3A_568 = vector.broadcast %mul3A_567 : f32 to vector<16xf32>
        %mul3A_569 = arith.mulf %mul3A_568, %exp3A_561 : vector<16xf32>
        %add3A_570 = arith.constant 0.0344179124 : f32
        %add3A_571 = vector.broadcast %add3A_570 : f32 to vector<16xf32>
        %add3A_572 = arith.addf %mul3A_569, %add3A_571 : vector<16xf32>
        %mul3A_573 = arith.mulf %add3A_572, %exp3A_561 : vector<16xf32>
        %add3A_574 = arith.constant -0.0923123061 : f32
        %add3A_575 = vector.broadcast %add3A_574 : f32 to vector<16xf32>
        %add3A_576 = arith.addf %mul3A_573, %add3A_575 : vector<16xf32>
        %mul3A_577 = arith.mulf %add3A_576, %exp3A_561 : vector<16xf32>
        %add3A_578 = arith.constant 0.164781883 : f32
        %add3A_579 = vector.broadcast %add3A_578 : f32 to vector<16xf32>
        %add3A_580 = arith.addf %mul3A_577, %add3A_579 : vector<16xf32>
        %mul3A_581 = arith.mulf %add3A_580, %exp3A_561 : vector<16xf32>
        %add3A_582 = arith.constant -0.239189729 : f32
        %add3A_583 = vector.broadcast %add3A_582 : f32 to vector<16xf32>
        %add3A_584 = arith.addf %mul3A_581, %add3A_583 : vector<16xf32>
        %mul3A_585 = arith.mulf %add3A_584, %exp3A_561 : vector<16xf32>
        %add3A_586 = arith.constant 0.331333667 : f32
        %add3A_587 = vector.broadcast %add3A_586 : f32 to vector<16xf32>
        %add3A_588 = arith.addf %mul3A_585, %add3A_587 : vector<16xf32>
        %mul3A_589 = arith.mulf %add3A_588, %exp3A_561 : vector<16xf32>
        %add3A_590 = arith.constant -0.499801099 : f32
        %add3A_591 = vector.broadcast %add3A_590 : f32 to vector<16xf32>
        %add3A_592 = arith.addf %mul3A_589, %add3A_591 : vector<16xf32>
        %mul3A_593 = arith.mulf %add3A_592, %exp3A_561 : vector<16xf32>
        %add3A_594 = arith.constant 0.999991476 : f32
        %add3A_595 = vector.broadcast %add3A_594 : f32 to vector<16xf32>
        %add3A_596 = arith.addf %mul3A_593, %add3A_595 : vector<16xf32>
        %mul3A_597 = arith.mulf %add3A_596, %exp3A_561 : vector<16xf32>
        %add3A_598 = arith.constant 9.09903334E-8 : f32
        %add3A_599 = vector.broadcast %add3A_598 : f32 to vector<16xf32>
        %add3A_600 = arith.addf %mul3A_597, %add3A_599 : vector<16xf32>
        %add3A_601 = arith.addf %sub3A_566, %add3A_600 : vector<16xf32>
        %mul3A_602 = arith.mulf %add3A_601, %get3A_556 : vector<16xf32>
        %add3A_603 = arith.addf %add3A_542, %mul3A_602 : vector<16xf32>
        %add3A_604 = arith.addf %add3A_543, %add3A_601 : vector<16xf32>
        %add3A_605 = arith.addf %add3A_544, %get3A_556 : vector<16xf32>
        scf.yield %add3A_603, %add3A_604, %add3A_605 : vector<16xf32>, vector<16xf32>, vector<16xf32>
      }
      %scan3A_108 = arith.constant 128 : i32
      %mul3A_109 = arith.constant 2 : i32
      %mul3A_110 = arith.muli %mul3A_109, %scan3A_66 : i32
      %add3A_111 = arith.constant 3 : i32
      %add3A_112 = arith.addi %mul3A_110, %add3A_111 : i32
      %mul3A_113 = arith.constant 16384 : i32
      %mul3A_114 = arith.muli %add3A_112, %mul3A_113 : i32
      %add3A_115 = arith.addi %add3A_4, %mul3A_114 : i32
      %dma_start3A_116 = tpu.memref_slice %arg2[%add3A_115] : memref<8388608xf32, #tpu.memory_space<hbm>> -> memref<16384xf32, #tpu.memory_space<hbm>>
      %dma_start3A_117 = tpu.memref_slice %arg2[%add3A_115] : memref<8388608xf32, #tpu.memory_space<hbm>> -> memref<16384xf32, #tpu.memory_space<hbm>>
      tpu.enqueue_dma source(%dma_start3A_117 : memref<16384xf32, #tpu.memory_space<hbm>>) target(%arg6 : memref<16384xf32, #tpu.memory_space<vmem>>) target_semaphore(%arg11 : memref<!tpu.dma_semaphore, #tpu.memory_space<semaphore_mem>>)
      %dma_start3A_118 = tpu.memref_slice %arg3[%add3A_115] : memref<8388608xf32, #tpu.memory_space<hbm>> -> memref<16384xf32, #tpu.memory_space<hbm>>
      %dma_start3A_119 = tpu.memref_slice %arg3[%add3A_115] : memref<8388608xf32, #tpu.memory_space<hbm>> -> memref<16384xf32, #tpu.memory_space<hbm>>
      tpu.enqueue_dma source(%dma_start3A_119 : memref<16384xf32, #tpu.memory_space<hbm>>) target(%arg8 : memref<16384xf32, #tpu.memory_space<vmem>>) target_semaphore(%arg11 : memref<!tpu.dma_semaphore, #tpu.memory_space<semaphore_mem>>)
      scf.yield %scan3A_107#0, %scan3A_107#1, %scan3A_107#2 : vector<16xf32>, vector<16xf32>, vector<16xf32>
    }
    %scan3A_21 = arith.constant 3 : i32
    %dma_wait3A = arith.constant 0 : i32
    %dma_wait3A_22 = tpu.memref_slice %arg2[%dma_wait3A] : memref<8388608xf32, #tpu.memory_space<hbm>> -> memref<16384xf32, #tpu.memory_space<hbm>>
    %dma_wait3A_23 = arith.constant 0 : i32
    %dma_wait3A_24 = tpu.memref_slice %arg2[%dma_wait3A_23] : memref<8388608xf32, #tpu.memory_space<hbm>> -> memref<16384xf32, #tpu.memory_space<hbm>>
    tpu.wait_dma2 semaphore(%arg10 : memref<!tpu.dma_semaphore, #tpu.memory_space<semaphore_mem>>) src(%dma_wait3A_24 : memref<16384xf32, #tpu.memory_space<hbm>>) dst(%arg5 : memref<16384xf32, #tpu.memory_space<vmem>>)
    %dma_wait3A_25 = arith.constant 0 : i32
    %dma_wait3A_26 = tpu.memref_slice %arg3[%dma_wait3A_25] : memref<8388608xf32, #tpu.memory_space<hbm>> -> memref<16384xf32, #tpu.memory_space<hbm>>
    %dma_wait3A_27 = arith.constant 0 : i32
    %dma_wait3A_28 = tpu.memref_slice %arg3[%dma_wait3A_27] : memref<8388608xf32, #tpu.memory_space<hbm>> -> memref<16384xf32, #tpu.memory_space<hbm>>
    tpu.wait_dma2 semaphore(%arg10 : memref<!tpu.dma_semaphore, #tpu.memory_space<semaphore_mem>>) src(%dma_wait3A_28 : memref<16384xf32, #tpu.memory_space<hbm>>) dst(%arg7 : memref<16384xf32, #tpu.memory_space<vmem>>)
    %scan3A_29 = arith.constant 0 : i32
    %scan3A_30 = arith.constant 128 : i32
    %scan3A_31 = arith.addi %scan3A_29, %scan3A_30 : i32
    %scan3A_32 = arith.constant 1 : i32
    %scan3A_33:3 = scf.for %scan3A_66 = %scan3A_29 to %scan3A_31 step %scan3A_32 iter_args(%scan3A_67 = %scan3A_20#0, %scan3A_68 = %scan3A_20#1, %scan3A_69 = %scan3A_20#2) -> (vector<16xf32>, vector<16xf32>, vector<16xf32>)  : i32 {
      %mul3A_70 = arith.constant 8 : i32
      %mul3A_71 = arith.muli %scan3A_66, %mul3A_70 : i32
      %add3A_72 = arith.constant 0 : i32
      %add3A_73 = arith.addi %mul3A_71, %add3A_72 : i32
      %mul3A_74 = arith.constant 16 : i32
      %mul3A_75 = arith.muli %add3A_73, %mul3A_74 : i32
      %get3A = arith.index_cast %mul3A_75 : i32 to index
      %get3A_76 = tpu.vector_load %arg5[%get3A] {strides = array<i32>} : memref<16384xf32, #tpu.memory_space<vmem>>, vector<16xf32>,
      %get3A_77 = vector.shape_cast %get3A_76 : vector<16xf32> to vector<16xf32>
      %get3A_78 = arith.index_cast %mul3A_75 : i32 to index
      %get3A_79 = tpu.vector_load %arg7[%get3A_78] {strides = array<i32>} : memref<16384xf32, #tpu.memory_space<vmem>>, vector<16xf32>,
      %get3A_80 = vector.shape_cast %get3A_79 : vector<16xf32> to vector<16xf32>
      %abs3A = math.absf %get3A_77 : vector<16xf32>
      %neg3A = arith.constant 0.000000e+00 : f32
      %neg3A_81 = vector.broadcast %neg3A : f32 to vector<16xf32>
      %neg3A_82 = arith.subf %neg3A_81, %abs3A : vector<16xf32>
      %exp3A = math.exp %neg3A_82 : vector<16xf32>
      %max3A = arith.constant 0.000000e+00 : f32
      %max3A_83 = vector.broadcast %max3A : f32 to vector<16xf32>
      %max3A_84 = arith.maximumf %get3A_77, %max3A_83 : vector<16xf32>
      %mul3A_85 = arith.mulf %get3A_80, %get3A_77 : vector<16xf32>
      %sub3A = arith.subf %max3A_84, %mul3A_85 : vector<16xf32>
      %mul3A_86 = arith.constant -0.00607475266 : f32
      %mul3A_87 = vector.broadcast %mul3A_86 : f32 to vector<16xf32>
      %mul3A_88 = arith.mulf %mul3A_87, %exp3A : vector<16xf32>
      %add3A_89 = arith.constant 0.0344179124 : f32
      %add3A_90 = vector.broadcast %add3A_89 : f32 to vector<16xf32>
      %add3A_91 = arith.addf %mul3A_88, %add3A_90 : vector<16xf32>
      %mul3A_92 = arith.mulf %add3A_91, %exp3A : vector<16xf32>
      %add3A_93 = arith.constant -0.0923123061 : f32
      %add3A_94 = vector.broadcast %add3A_93 : f32 to vector<16xf32>
      %add3A_95 = arith.addf %mul3A_92, %add3A_94 : vector<16xf32>
      %mul3A_96 = arith.mulf %add3A_95, %exp3A : vector<16xf32>
      %add3A_97 = arith.constant 0.164781883 : f32
      %add3A_98 = vector.broadcast %add3A_97 : f32 to vector<16xf32>
      %add3A_99 = arith.addf %mul3A_96, %add3A_98 : vector<16xf32>
      %mul3A_100 = arith.mulf %add3A_99, %exp3A : vector<16xf32>
      %add3A_101 = arith.constant -0.239189729 : f32
      %add3A_102 = vector.broadcast %add3A_101 : f32 to vector<16xf32>
      %add3A_103 = arith.addf %mul3A_100, %add3A_102 : vector<16xf32>
      %mul3A_104 = arith.mulf %add3A_103, %exp3A : vector<16xf32>
      %add3A_105 = arith.constant 0.331333667 : f32
      %add3A_106 = vector.broadcast %add3A_105 : f32 to vector<16xf32>
      %add3A_107 = arith.addf %mul3A_104, %add3A_106 : vector<16xf32>
      %mul3A_108 = arith.mulf %add3A_107, %exp3A : vector<16xf32>
      %add3A_109 = arith.constant -0.499801099 : f32
      %add3A_110 = vector.broadcast %add3A_109 : f32 to vector<16xf32>
      %add3A_111 = arith.addf %mul3A_108, %add3A_110 : vector<16xf32>
      %mul3A_112 = arith.mulf %add3A_111, %exp3A : vector<16xf32>
      %add3A_113 = arith.constant 0.999991476 : f32
      %add3A_114 = vector.broadcast %add3A_113 : f32 to vector<16xf32>
      %add3A_115 = arith.addf %mul3A_112, %add3A_114 : vector<16xf32>
      %mul3A_116 = arith.mulf %add3A_115, %exp3A : vector<16xf32>
      %add3A_117 = arith.constant 9.09903334E-8 : f32
      %add3A_118 = vector.broadcast %add3A_117 : f32 to vector<16xf32>
      %add3A_119 = arith.addf %mul3A_116, %add3A_118 : vector<16xf32>
      %add3A_120 = arith.addf %sub3A, %add3A_119 : vector<16xf32>
      %mul3A_121 = arith.mulf %add3A_120, %get3A_80 : vector<16xf32>
      %add3A_122 = arith.addf %scan3A_67, %mul3A_121 : vector<16xf32>
      %add3A_123 = arith.addf %scan3A_68, %add3A_120 : vector<16xf32>
      %add3A_124 = arith.addf %scan3A_69, %get3A_80 : vector<16xf32>
      %mul3A_125 = arith.constant 8 : i32
      %mul3A_126 = arith.muli %scan3A_66, %mul3A_125 : i32
      %add3A_127 = arith.constant 1 : i32
      %add3A_128 = arith.addi %mul3A_126, %add3A_127 : i32
      %mul3A_129 = arith.constant 16 : i32
      %mul3A_130 = arith.muli %add3A_128, %mul3A_129 : i32
      %get3A_131 = arith.index_cast %mul3A_130 : i32 to index
      %get3A_132 = tpu.vector_load %arg5[%get3A_131] {strides = array<i32>} : memref<16384xf32, #tpu.memory_space<vmem>>, vector<16xf32>,
      %get3A_133 = vector.shape_cast %get3A_132 : vector<16xf32> to vector<16xf32>
      %get3A_134 = arith.index_cast %mul3A_130 : i32 to index
      %get3A_135 = tpu.vector_load %arg7[%get3A_134] {strides = array<i32>} : memref<16384xf32, #tpu.memory_space<vmem>>, vector<16xf32>,
      %get3A_136 = vector.shape_cast %get3A_135 : vector<16xf32> to vector<16xf32>
      %abs3A_137 = math.absf %get3A_133 : vector<16xf32>
      %neg3A_138 = arith.constant 0.000000e+00 : f32
      %neg3A_139 = vector.broadcast %neg3A_138 : f32 to vector<16xf32>
      %neg3A_140 = arith.subf %neg3A_139, %abs3A_137 : vector<16xf32>
      %exp3A_141 = math.exp %neg3A_140 : vector<16xf32>
      %max3A_142 = arith.constant 0.000000e+00 : f32
      %max3A_143 = vector.broadcast %max3A_142 : f32 to vector<16xf32>
      %max3A_144 = arith.maximumf %get3A_133, %max3A_143 : vector<16xf32>
      %mul3A_145 = arith.mulf %get3A_136, %get3A_133 : vector<16xf32>
      %sub3A_146 = arith.subf %max3A_144, %mul3A_145 : vector<16xf32>
      %mul3A_147 = arith.constant -0.00607475266 : f32
      %mul3A_148 = vector.broadcast %mul3A_147 : f32 to vector<16xf32>
      %mul3A_149 = arith.mulf %mul3A_148, %exp3A_141 : vector<16xf32>
      %add3A_150 = arith.constant 0.0344179124 : f32
      %add3A_151 = vector.broadcast %add3A_150 : f32 to vector<16xf32>
      %add3A_152 = arith.addf %mul3A_149, %add3A_151 : vector<16xf32>
      %mul3A_153 = arith.mulf %add3A_152, %exp3A_141 : vector<16xf32>
      %add3A_154 = arith.constant -0.0923123061 : f32
      %add3A_155 = vector.broadcast %add3A_154 : f32 to vector<16xf32>
      %add3A_156 = arith.addf %mul3A_153, %add3A_155 : vector<16xf32>
      %mul3A_157 = arith.mulf %add3A_156, %exp3A_141 : vector<16xf32>
      %add3A_158 = arith.constant 0.164781883 : f32
      %add3A_159 = vector.broadcast %add3A_158 : f32 to vector<16xf32>
      %add3A_160 = arith.addf %mul3A_157, %add3A_159 : vector<16xf32>
      %mul3A_161 = arith.mulf %add3A_160, %exp3A_141 : vector<16xf32>
      %add3A_162 = arith.constant -0.239189729 : f32
      %add3A_163 = vector.broadcast %add3A_162 : f32 to vector<16xf32>
      %add3A_164 = arith.addf %mul3A_161, %add3A_163 : vector<16xf32>
      %mul3A_165 = arith.mulf %add3A_164, %exp3A_141 : vector<16xf32>
      %add3A_166 = arith.constant 0.331333667 : f32
      %add3A_167 = vector.broadcast %add3A_166 : f32 to vector<16xf32>
      %add3A_168 = arith.addf %mul3A_165, %add3A_167 : vector<16xf32>
      %mul3A_169 = arith.mulf %add3A_168, %exp3A_141 : vector<16xf32>
      %add3A_170 = arith.constant -0.499801099 : f32
      %add3A_171 = vector.broadcast %add3A_170 : f32 to vector<16xf32>
      %add3A_172 = arith.addf %mul3A_169, %add3A_171 : vector<16xf32>
      %mul3A_173 = arith.mulf %add3A_172, %exp3A_141 : vector<16xf32>
      %add3A_174 = arith.constant 0.999991476 : f32
      %add3A_175 = vector.broadcast %add3A_174 : f32 to vector<16xf32>
      %add3A_176 = arith.addf %mul3A_173, %add3A_175 : vector<16xf32>
      %mul3A_177 = arith.mulf %add3A_176, %exp3A_141 : vector<16xf32>
      %add3A_178 = arith.constant 9.09903334E-8 : f32
      %add3A_179 = vector.broadcast %add3A_178 : f32 to vector<16xf32>
      %add3A_180 = arith.addf %mul3A_177, %add3A_179 : vector<16xf32>
      %add3A_181 = arith.addf %sub3A_146, %add3A_180 : vector<16xf32>
      %mul3A_182 = arith.mulf %add3A_181, %get3A_136 : vector<16xf32>
      %add3A_183 = arith.addf %add3A_122, %mul3A_182 : vector<16xf32>
      %add3A_184 = arith.addf %add3A_123, %add3A_181 : vector<16xf32>
      %add3A_185 = arith.addf %add3A_124, %get3A_136 : vector<16xf32>
      %mul3A_186 = arith.constant 8 : i32
      %mul3A_187 = arith.muli %scan3A_66, %mul3A_186 : i32
      %add3A_188 = arith.constant 2 : i32
      %add3A_189 = arith.addi %mul3A_187, %add3A_188 : i32
      %mul3A_190 = arith.constant 16 : i32
      %mul3A_191 = arith.muli %add3A_189, %mul3A_190 : i32
      %get3A_192 = arith.index_cast %mul3A_191 : i32 to index
      %get3A_193 = tpu.vector_load %arg5[%get3A_192] {strides = array<i32>} : memref<16384xf32, #tpu.memory_space<vmem>>, vector<16xf32>,
      %get3A_194 = vector.shape_cast %get3A_193 : vector<16xf32> to vector<16xf32>
      %get3A_195 = arith.index_cast %mul3A_191 : i32 to index
      %get3A_196 = tpu.vector_load %arg7[%get3A_195] {strides = array<i32>} : memref<16384xf32, #tpu.memory_space<vmem>>, vector<16xf32>,
      %get3A_197 = vector.shape_cast %get3A_196 : vector<16xf32> to vector<16xf32>
      %abs3A_198 = math.absf %get3A_194 : vector<16xf32>
      %neg3A_199 = arith.constant 0.000000e+00 : f32
      %neg3A_200 = vector.broadcast %neg3A_199 : f32 to vector<16xf32>
      %neg3A_201 = arith.subf %neg3A_200, %abs3A_198 : vector<16xf32>
      %exp3A_202 = math.exp %neg3A_201 : vector<16xf32>
      %max3A_203 = arith.constant 0.000000e+00 : f32
      %max3A_204 = vector.broadcast %max3A_203 : f32 to vector<16xf32>
      %max3A_205 = arith.maximumf %get3A_194, %max3A_204 : vector<16xf32>
      %mul3A_206 = arith.mulf %get3A_197, %get3A_194 : vector<16xf32>
      %sub3A_207 = arith.subf %max3A_205, %mul3A_206 : vector<16xf32>
      %mul3A_208 = arith.constant -0.00607475266 : f32
      %mul3A_209 = vector.broadcast %mul3A_208 : f32 to vector<16xf32>
      %mul3A_210 = arith.mulf %mul3A_209, %exp3A_202 : vector<16xf32>
      %add3A_211 = arith.constant 0.0344179124 : f32
      %add3A_212 = vector.broadcast %add3A_211 : f32 to vector<16xf32>
      %add3A_213 = arith.addf %mul3A_210, %add3A_212 : vector<16xf32>
      %mul3A_214 = arith.mulf %add3A_213, %exp3A_202 : vector<16xf32>
      %add3A_215 = arith.constant -0.0923123061 : f32
      %add3A_216 = vector.broadcast %add3A_215 : f32 to vector<16xf32>
      %add3A_217 = arith.addf %mul3A_214, %add3A_216 : vector<16xf32>
      %mul3A_218 = arith.mulf %add3A_217, %exp3A_202 : vector<16xf32>
      %add3A_219 = arith.constant 0.164781883 : f32
      %add3A_220 = vector.broadcast %add3A_219 : f32 to vector<16xf32>
      %add3A_221 = arith.addf %mul3A_218, %add3A_220 : vector<16xf32>
      %mul3A_222 = arith.mulf %add3A_221, %exp3A_202 : vector<16xf32>
      %add3A_223 = arith.constant -0.239189729 : f32
      %add3A_224 = vector.broadcast %add3A_223 : f32 to vector<16xf32>
      %add3A_225 = arith.addf %mul3A_222, %add3A_224 : vector<16xf32>
      %mul3A_226 = arith.mulf %add3A_225, %exp3A_202 : vector<16xf32>
      %add3A_227 = arith.constant 0.331333667 : f32
      %add3A_228 = vector.broadcast %add3A_227 : f32 to vector<16xf32>
      %add3A_229 = arith.addf %mul3A_226, %add3A_228 : vector<16xf32>
      %mul3A_230 = arith.mulf %add3A_229, %exp3A_202 : vector<16xf32>
      %add3A_231 = arith.constant -0.499801099 : f32
      %add3A_232 = vector.broadcast %add3A_231 : f32 to vector<16xf32>
      %add3A_233 = arith.addf %mul3A_230, %add3A_232 : vector<16xf32>
      %mul3A_234 = arith.mulf %add3A_233, %exp3A_202 : vector<16xf32>
      %add3A_235 = arith.constant 0.999991476 : f32
      %add3A_236 = vector.broadcast %add3A_235 : f32 to vector<16xf32>
      %add3A_237 = arith.addf %mul3A_234, %add3A_236 : vector<16xf32>
      %mul3A_238 = arith.mulf %add3A_237, %exp3A_202 : vector<16xf32>
      %add3A_239 = arith.constant 9.09903334E-8 : f32
      %add3A_240 = vector.broadcast %add3A_239 : f32 to vector<16xf32>
      %add3A_241 = arith.addf %mul3A_238, %add3A_240 : vector<16xf32>
      %add3A_242 = arith.addf %sub3A_207, %add3A_241 : vector<16xf32>
      %mul3A_243 = arith.mulf %add3A_242, %get3A_197 : vector<16xf32>
      %add3A_244 = arith.addf %add3A_183, %mul3A_243 : vector<16xf32>
      %add3A_245 = arith.addf %add3A_184, %add3A_242 : vector<16xf32>
      %add3A_246 = arith.addf %add3A_185, %get3A_197 : vector<16xf32>
      %mul3A_247 = arith.constant 8 : i32
      %mul3A_248 = arith.muli %scan3A_66, %mul3A_247 : i32
      %add3A_249 = arith.constant 3 : i32
      %add3A_250 = arith.addi %mul3A_248, %add3A_249 : i32
      %mul3A_251 = arith.constant 16 : i32
      %mul3A_252 = arith.muli %add3A_250, %mul3A_251 : i32
      %get3A_253 = arith.index_cast %mul3A_252 : i32 to index
      %get3A_254 = tpu.vector_load %arg5[%get3A_253] {strides = array<i32>} : memref<16384xf32, #tpu.memory_space<vmem>>, vector<16xf32>,
      %get3A_255 = vector.shape_cast %get3A_254 : vector<16xf32> to vector<16xf32>
      %get3A_256 = arith.index_cast %mul3A_252 : i32 to index
      %get3A_257 = tpu.vector_load %arg7[%get3A_256] {strides = array<i32>} : memref<16384xf32, #tpu.memory_space<vmem>>, vector<16xf32>,
      %get3A_258 = vector.shape_cast %get3A_257 : vector<16xf32> to vector<16xf32>
      %abs3A_259 = math.absf %get3A_255 : vector<16xf32>
      %neg3A_260 = arith.constant 0.000000e+00 : f32
      %neg3A_261 = vector.broadcast %neg3A_260 : f32 to vector<16xf32>
      %neg3A_262 = arith.subf %neg3A_261, %abs3A_259 : vector<16xf32>
      %exp3A_263 = math.exp %neg3A_262 : vector<16xf32>
      %max3A_264 = arith.constant 0.000000e+00 : f32
      %max3A_265 = vector.broadcast %max3A_264 : f32 to vector<16xf32>
      %max3A_266 = arith.maximumf %get3A_255, %max3A_265 : vector<16xf32>
      %mul3A_267 = arith.mulf %get3A_258, %get3A_255 : vector<16xf32>
      %sub3A_268 = arith.subf %max3A_266, %mul3A_267 : vector<16xf32>
      %mul3A_269 = arith.constant -0.00607475266 : f32
      %mul3A_270 = vector.broadcast %mul3A_269 : f32 to vector<16xf32>
      %mul3A_271 = arith.mulf %mul3A_270, %exp3A_263 : vector<16xf32>
      %add3A_272 = arith.constant 0.0344179124 : f32
      %add3A_273 = vector.broadcast %add3A_272 : f32 to vector<16xf32>
      %add3A_274 = arith.addf %mul3A_271, %add3A_273 : vector<16xf32>
      %mul3A_275 = arith.mulf %add3A_274, %exp3A_263 : vector<16xf32>
      %add3A_276 = arith.constant -0.0923123061 : f32
      %add3A_277 = vector.broadcast %add3A_276 : f32 to vector<16xf32>
      %add3A_278 = arith.addf %mul3A_275, %add3A_277 : vector<16xf32>
      %mul3A_279 = arith.mulf %add3A_278, %exp3A_263 : vector<16xf32>
      %add3A_280 = arith.constant 0.164781883 : f32
      %add3A_281 = vector.broadcast %add3A_280 : f32 to vector<16xf32>
      %add3A_282 = arith.addf %mul3A_279, %add3A_281 : vector<16xf32>
      %mul3A_283 = arith.mulf %add3A_282, %exp3A_263 : vector<16xf32>
      %add3A_284 = arith.constant -0.239189729 : f32
      %add3A_285 = vector.broadcast %add3A_284 : f32 to vector<16xf32>
      %add3A_286 = arith.addf %mul3A_283, %add3A_285 : vector<16xf32>
      %mul3A_287 = arith.mulf %add3A_286, %exp3A_263 : vector<16xf32>
      %add3A_288 = arith.constant 0.331333667 : f32
      %add3A_289 = vector.broadcast %add3A_288 : f32 to vector<16xf32>
      %add3A_290 = arith.addf %mul3A_287, %add3A_289 : vector<16xf32>
      %mul3A_291 = arith.mulf %add3A_290, %exp3A_263 : vector<16xf32>
      %add3A_292 = arith.constant -0.499801099 : f32
      %add3A_293 = vector.broadcast %add3A_292 : f32 to vector<16xf32>
      %add3A_294 = arith.addf %mul3A_291, %add3A_293 : vector<16xf32>
      %mul3A_295 = arith.mulf %add3A_294, %exp3A_263 : vector<16xf32>
      %add3A_296 = arith.constant 0.999991476 : f32
      %add3A_297 = vector.broadcast %add3A_296 : f32 to vector<16xf32>
      %add3A_298 = arith.addf %mul3A_295, %add3A_297 : vector<16xf32>
      %mul3A_299 = arith.mulf %add3A_298, %exp3A_263 : vector<16xf32>
      %add3A_300 = arith.constant 9.09903334E-8 : f32
      %add3A_301 = vector.broadcast %add3A_300 : f32 to vector<16xf32>
      %add3A_302 = arith.addf %mul3A_299, %add3A_301 : vector<16xf32>
      %add3A_303 = arith.addf %sub3A_268, %add3A_302 : vector<16xf32>
      %mul3A_304 = arith.mulf %add3A_303, %get3A_258 : vector<16xf32>
      %add3A_305 = arith.addf %add3A_244, %mul3A_304 : vector<16xf32>
      %add3A_306 = arith.addf %add3A_245, %add3A_303 : vector<16xf32>
      %add3A_307 = arith.addf %add3A_246, %get3A_258 : vector<16xf32>
      %mul3A_308 = arith.constant 8 : i32
      %mul3A_309 = arith.muli %scan3A_66, %mul3A_308 : i32
      %add3A_310 = arith.constant 4 : i32
      %add3A_311 = arith.addi %mul3A_309, %add3A_310 : i32
      %mul3A_312 = arith.constant 16 : i32
      %mul3A_313 = arith.muli %add3A_311, %mul3A_312 : i32
      %get3A_314 = arith.index_cast %mul3A_313 : i32 to index
      %get3A_315 = tpu.vector_load %arg5[%get3A_314] {strides = array<i32>} : memref<16384xf32, #tpu.memory_space<vmem>>, vector<16xf32>,
      %get3A_316 = vector.shape_cast %get3A_315 : vector<16xf32> to vector<16xf32>
      %get3A_317 = arith.index_cast %mul3A_313 : i32 to index
      %get3A_318 = tpu.vector_load %arg7[%get3A_317] {strides = array<i32>} : memref<16384xf32, #tpu.memory_space<vmem>>, vector<16xf32>,
      %get3A_319 = vector.shape_cast %get3A_318 : vector<16xf32> to vector<16xf32>
      %abs3A_320 = math.absf %get3A_316 : vector<16xf32>
      %neg3A_321 = arith.constant 0.000000e+00 : f32
      %neg3A_322 = vector.broadcast %neg3A_321 : f32 to vector<16xf32>
      %neg3A_323 = arith.subf %neg3A_322, %abs3A_320 : vector<16xf32>
      %exp3A_324 = math.exp %neg3A_323 : vector<16xf32>
      %max3A_325 = arith.constant 0.000000e+00 : f32
      %max3A_326 = vector.broadcast %max3A_325 : f32 to vector<16xf32>
      %max3A_327 = arith.maximumf %get3A_316, %max3A_326 : vector<16xf32>
      %mul3A_328 = arith.mulf %get3A_319, %get3A_316 : vector<16xf32>
      %sub3A_329 = arith.subf %max3A_327, %mul3A_328 : vector<16xf32>
      %mul3A_330 = arith.constant -0.00607475266 : f32
      %mul3A_331 = vector.broadcast %mul3A_330 : f32 to vector<16xf32>
      %mul3A_332 = arith.mulf %mul3A_331, %exp3A_324 : vector<16xf32>
      %add3A_333 = arith.constant 0.0344179124 : f32
      %add3A_334 = vector.broadcast %add3A_333 : f32 to vector<16xf32>
      %add3A_335 = arith.addf %mul3A_332, %add3A_334 : vector<16xf32>
      %mul3A_336 = arith.mulf %add3A_335, %exp3A_324 : vector<16xf32>
      %add3A_337 = arith.constant -0.0923123061 : f32
      %add3A_338 = vector.broadcast %add3A_337 : f32 to vector<16xf32>
      %add3A_339 = arith.addf %mul3A_336, %add3A_338 : vector<16xf32>
      %mul3A_340 = arith.mulf %add3A_339, %exp3A_324 : vector<16xf32>
      %add3A_341 = arith.constant 0.164781883 : f32
      %add3A_342 = vector.broadcast %add3A_341 : f32 to vector<16xf32>
      %add3A_343 = arith.addf %mul3A_340, %add3A_342 : vector<16xf32>
      %mul3A_344 = arith.mulf %add3A_343, %exp3A_324 : vector<16xf32>
      %add3A_345 = arith.constant -0.239189729 : f32
      %add3A_346 = vector.broadcast %add3A_345 : f32 to vector<16xf32>
      %add3A_347 = arith.addf %mul3A_344, %add3A_346 : vector<16xf32>
      %mul3A_348 = arith.mulf %add3A_347, %exp3A_324 : vector<16xf32>
      %add3A_349 = arith.constant 0.331333667 : f32
      %add3A_350 = vector.broadcast %add3A_349 : f32 to vector<16xf32>
      %add3A_351 = arith.addf %mul3A_348, %add3A_350 : vector<16xf32>
      %mul3A_352 = arith.mulf %add3A_351, %exp3A_324 : vector<16xf32>
      %add3A_353 = arith.constant -0.499801099 : f32
      %add3A_354 = vector.broadcast %add3A_353 : f32 to vector<16xf32>
      %add3A_355 = arith.addf %mul3A_352, %add3A_354 : vector<16xf32>
      %mul3A_356 = arith.mulf %add3A_355, %exp3A_324 : vector<16xf32>
      %add3A_357 = arith.constant 0.999991476 : f32
      %add3A_358 = vector.broadcast %add3A_357 : f32 to vector<16xf32>
      %add3A_359 = arith.addf %mul3A_356, %add3A_358 : vector<16xf32>
      %mul3A_360 = arith.mulf %add3A_359, %exp3A_324 : vector<16xf32>
      %add3A_361 = arith.constant 9.09903334E-8 : f32
      %add3A_362 = vector.broadcast %add3A_361 : f32 to vector<16xf32>
      %add3A_363 = arith.addf %mul3A_360, %add3A_362 : vector<16xf32>
      %add3A_364 = arith.addf %sub3A_329, %add3A_363 : vector<16xf32>
      %mul3A_365 = arith.mulf %add3A_364, %get3A_319 : vector<16xf32>
      %add3A_366 = arith.addf %add3A_305, %mul3A_365 : vector<16xf32>
      %add3A_367 = arith.addf %add3A_306, %add3A_364 : vector<16xf32>
      %add3A_368 = arith.addf %add3A_307, %get3A_319 : vector<16xf32>
      %mul3A_369 = arith.constant 8 : i32
      %mul3A_370 = arith.muli %scan3A_66, %mul3A_369 : i32
      %add3A_371 = arith.constant 5 : i32
      %add3A_372 = arith.addi %mul3A_370, %add3A_371 : i32
      %mul3A_373 = arith.constant 16 : i32
      %mul3A_374 = arith.muli %add3A_372, %mul3A_373 : i32
      %get3A_375 = arith.index_cast %mul3A_374 : i32 to index
      %get3A_376 = tpu.vector_load %arg5[%get3A_375] {strides = array<i32>} : memref<16384xf32, #tpu.memory_space<vmem>>, vector<16xf32>,
      %get3A_377 = vector.shape_cast %get3A_376 : vector<16xf32> to vector<16xf32>
      %get3A_378 = arith.index_cast %mul3A_374 : i32 to index
      %get3A_379 = tpu.vector_load %arg7[%get3A_378] {strides = array<i32>} : memref<16384xf32, #tpu.memory_space<vmem>>, vector<16xf32>,
      %get3A_380 = vector.shape_cast %get3A_379 : vector<16xf32> to vector<16xf32>
      %abs3A_381 = math.absf %get3A_377 : vector<16xf32>
      %neg3A_382 = arith.constant 0.000000e+00 : f32
      %neg3A_383 = vector.broadcast %neg3A_382 : f32 to vector<16xf32>
      %neg3A_384 = arith.subf %neg3A_383, %abs3A_381 : vector<16xf32>
      %exp3A_385 = math.exp %neg3A_384 : vector<16xf32>
      %max3A_386 = arith.constant 0.000000e+00 : f32
      %max3A_387 = vector.broadcast %max3A_386 : f32 to vector<16xf32>
      %max3A_388 = arith.maximumf %get3A_377, %max3A_387 : vector<16xf32>
      %mul3A_389 = arith.mulf %get3A_380, %get3A_377 : vector<16xf32>
      %sub3A_390 = arith.subf %max3A_388, %mul3A_389 : vector<16xf32>
      %mul3A_391 = arith.constant -0.00607475266 : f32
      %mul3A_392 = vector.broadcast %mul3A_391 : f32 to vector<16xf32>
      %mul3A_393 = arith.mulf %mul3A_392, %exp3A_385 : vector<16xf32>
      %add3A_394 = arith.constant 0.0344179124 : f32
      %add3A_395 = vector.broadcast %add3A_394 : f32 to vector<16xf32>
      %add3A_396 = arith.addf %mul3A_393, %add3A_395 : vector<16xf32>
      %mul3A_397 = arith.mulf %add3A_396, %exp3A_385 : vector<16xf32>
      %add3A_398 = arith.constant -0.0923123061 : f32
      %add3A_399 = vector.broadcast %add3A_398 : f32 to vector<16xf32>
      %add3A_400 = arith.addf %mul3A_397, %add3A_399 : vector<16xf32>
      %mul3A_401 = arith.mulf %add3A_400, %exp3A_385 : vector<16xf32>
      %add3A_402 = arith.constant 0.164781883 : f32
      %add3A_403 = vector.broadcast %add3A_402 : f32 to vector<16xf32>
      %add3A_404 = arith.addf %mul3A_401, %add3A_403 : vector<16xf32>
      %mul3A_405 = arith.mulf %add3A_404, %exp3A_385 : vector<16xf32>
      %add3A_406 = arith.constant -0.239189729 : f32
      %add3A_407 = vector.broadcast %add3A_406 : f32 to vector<16xf32>
      %add3A_408 = arith.addf %mul3A_405, %add3A_407 : vector<16xf32>
      %mul3A_409 = arith.mulf %add3A_408, %exp3A_385 : vector<16xf32>
      %add3A_410 = arith.constant 0.331333667 : f32
      %add3A_411 = vector.broadcast %add3A_410 : f32 to vector<16xf32>
      %add3A_412 = arith.addf %mul3A_409, %add3A_411 : vector<16xf32>
      %mul3A_413 = arith.mulf %add3A_412, %exp3A_385 : vector<16xf32>
      %add3A_414 = arith.constant -0.499801099 : f32
      %add3A_415 = vector.broadcast %add3A_414 : f32 to vector<16xf32>
      %add3A_416 = arith.addf %mul3A_413, %add3A_415 : vector<16xf32>
      %mul3A_417 = arith.mulf %add3A_416, %exp3A_385 : vector<16xf32>
      %add3A_418 = arith.constant 0.999991476 : f32
      %add3A_419 = vector.broadcast %add3A_418 : f32 to vector<16xf32>
      %add3A_420 = arith.addf %mul3A_417, %add3A_419 : vector<16xf32>
      %mul3A_421 = arith.mulf %add3A_420, %exp3A_385 : vector<16xf32>
      %add3A_422 = arith.constant 9.09903334E-8 : f32
      %add3A_423 = vector.broadcast %add3A_422 : f32 to vector<16xf32>
      %add3A_424 = arith.addf %mul3A_421, %add3A_423 : vector<16xf32>
      %add3A_425 = arith.addf %sub3A_390, %add3A_424 : vector<16xf32>
      %mul3A_426 = arith.mulf %add3A_425, %get3A_380 : vector<16xf32>
      %add3A_427 = arith.addf %add3A_366, %mul3A_426 : vector<16xf32>
      %add3A_428 = arith.addf %add3A_367, %add3A_425 : vector<16xf32>
      %add3A_429 = arith.addf %add3A_368, %get3A_380 : vector<16xf32>
      %mul3A_430 = arith.constant 8 : i32
      %mul3A_431 = arith.muli %scan3A_66, %mul3A_430 : i32
      %add3A_432 = arith.constant 6 : i32
      %add3A_433 = arith.addi %mul3A_431, %add3A_432 : i32
      %mul3A_434 = arith.constant 16 : i32
      %mul3A_435 = arith.muli %add3A_433, %mul3A_434 : i32
      %get3A_436 = arith.index_cast %mul3A_435 : i32 to index
      %get3A_437 = tpu.vector_load %arg5[%get3A_436] {strides = array<i32>} : memref<16384xf32, #tpu.memory_space<vmem>>, vector<16xf32>,
      %get3A_438 = vector.shape_cast %get3A_437 : vector<16xf32> to vector<16xf32>
      %get3A_439 = arith.index_cast %mul3A_435 : i32 to index
      %get3A_440 = tpu.vector_load %arg7[%get3A_439] {strides = array<i32>} : memref<16384xf32, #tpu.memory_space<vmem>>, vector<16xf32>,
      %get3A_441 = vector.shape_cast %get3A_440 : vector<16xf32> to vector<16xf32>
      %abs3A_442 = math.absf %get3A_438 : vector<16xf32>
      %neg3A_443 = arith.constant 0.000000e+00 : f32
      %neg3A_444 = vector.broadcast %neg3A_443 : f32 to vector<16xf32>
      %neg3A_445 = arith.subf %neg3A_444, %abs3A_442 : vector<16xf32>
      %exp3A_446 = math.exp %neg3A_445 : vector<16xf32>
      %max3A_447 = arith.constant 0.000000e+00 : f32
      %max3A_448 = vector.broadcast %max3A_447 : f32 to vector<16xf32>
      %max3A_449 = arith.maximumf %get3A_438, %max3A_448 : vector<16xf32>
      %mul3A_450 = arith.mulf %get3A_441, %get3A_438 : vector<16xf32>
      %sub3A_451 = arith.subf %max3A_449, %mul3A_450 : vector<16xf32>
      %mul3A_452 = arith.constant -0.00607475266 : f32
      %mul3A_453 = vector.broadcast %mul3A_452 : f32 to vector<16xf32>
      %mul3A_454 = arith.mulf %mul3A_453, %exp3A_446 : vector<16xf32>
      %add3A_455 = arith.constant 0.0344179124 : f32
      %add3A_456 = vector.broadcast %add3A_455 : f32 to vector<16xf32>
      %add3A_457 = arith.addf %mul3A_454, %add3A_456 : vector<16xf32>
      %mul3A_458 = arith.mulf %add3A_457, %exp3A_446 : vector<16xf32>
      %add3A_459 = arith.constant -0.0923123061 : f32
      %add3A_460 = vector.broadcast %add3A_459 : f32 to vector<16xf32>
      %add3A_461 = arith.addf %mul3A_458, %add3A_460 : vector<16xf32>
      %mul3A_462 = arith.mulf %add3A_461, %exp3A_446 : vector<16xf32>
      %add3A_463 = arith.constant 0.164781883 : f32
      %add3A_464 = vector.broadcast %add3A_463 : f32 to vector<16xf32>
      %add3A_465 = arith.addf %mul3A_462, %add3A_464 : vector<16xf32>
      %mul3A_466 = arith.mulf %add3A_465, %exp3A_446 : vector<16xf32>
      %add3A_467 = arith.constant -0.239189729 : f32
      %add3A_468 = vector.broadcast %add3A_467 : f32 to vector<16xf32>
      %add3A_469 = arith.addf %mul3A_466, %add3A_468 : vector<16xf32>
      %mul3A_470 = arith.mulf %add3A_469, %exp3A_446 : vector<16xf32>
      %add3A_471 = arith.constant 0.331333667 : f32
      %add3A_472 = vector.broadcast %add3A_471 : f32 to vector<16xf32>
      %add3A_473 = arith.addf %mul3A_470, %add3A_472 : vector<16xf32>
      %mul3A_474 = arith.mulf %add3A_473, %exp3A_446 : vector<16xf32>
      %add3A_475 = arith.constant -0.499801099 : f32
      %add3A_476 = vector.broadcast %add3A_475 : f32 to vector<16xf32>
      %add3A_477 = arith.addf %mul3A_474, %add3A_476 : vector<16xf32>
      %mul3A_478 = arith.mulf %add3A_477, %exp3A_446 : vector<16xf32>
      %add3A_479 = arith.constant 0.999991476 : f32
      %add3A_480 = vector.broadcast %add3A_479 : f32 to vector<16xf32>
      %add3A_481 = arith.addf %mul3A_478, %add3A_480 : vector<16xf32>
      %mul3A_482 = arith.mulf %add3A_481, %exp3A_446 : vector<16xf32>
      %add3A_483 = arith.constant 9.09903334E-8 : f32
      %add3A_484 = vector.broadcast %add3A_483 : f32 to vector<16xf32>
      %add3A_485 = arith.addf %mul3A_482, %add3A_484 : vector<16xf32>
      %add3A_486 = arith.addf %sub3A_451, %add3A_485 : vector<16xf32>
      %mul3A_487 = arith.mulf %add3A_486, %get3A_441 : vector<16xf32>
      %add3A_488 = arith.addf %add3A_427, %mul3A_487 : vector<16xf32>
      %add3A_489 = arith.addf %add3A_428, %add3A_486 : vector<16xf32>
      %add3A_490 = arith.addf %add3A_429, %get3A_441 : vector<16xf32>
      %mul3A_491 = arith.constant 8 : i32
      %mul3A_492 = arith.muli %scan3A_66, %mul3A_491 : i32
      %add3A_493 = arith.constant 7 : i32
      %add3A_494 = arith.addi %mul3A_492, %add3A_493 : i32
      %mul3A_495 = arith.constant 16 : i32
      %mul3A_496 = arith.muli %add3A_494, %mul3A_495 : i32
      %get3A_497 = arith.index_cast %mul3A_496 : i32 to index
      %get3A_498 = tpu.vector_load %arg5[%get3A_497] {strides = array<i32>} : memref<16384xf32, #tpu.memory_space<vmem>>, vector<16xf32>,
      %get3A_499 = vector.shape_cast %get3A_498 : vector<16xf32> to vector<16xf32>
      %get3A_500 = arith.index_cast %mul3A_496 : i32 to index
      %get3A_501 = tpu.vector_load %arg7[%get3A_500] {strides = array<i32>} : memref<16384xf32, #tpu.memory_space<vmem>>, vector<16xf32>,
      %get3A_502 = vector.shape_cast %get3A_501 : vector<16xf32> to vector<16xf32>
      %abs3A_503 = math.absf %get3A_499 : vector<16xf32>
      %neg3A_504 = arith.constant 0.000000e+00 : f32
      %neg3A_505 = vector.broadcast %neg3A_504 : f32 to vector<16xf32>
      %neg3A_506 = arith.subf %neg3A_505, %abs3A_503 : vector<16xf32>
      %exp3A_507 = math.exp %neg3A_506 : vector<16xf32>
      %max3A_508 = arith.constant 0.000000e+00 : f32
      %max3A_509 = vector.broadcast %max3A_508 : f32 to vector<16xf32>
      %max3A_510 = arith.maximumf %get3A_499, %max3A_509 : vector<16xf32>
      %mul3A_511 = arith.mulf %get3A_502, %get3A_499 : vector<16xf32>
      %sub3A_512 = arith.subf %max3A_510, %mul3A_511 : vector<16xf32>
      %mul3A_513 = arith.constant -0.00607475266 : f32
      %mul3A_514 = vector.broadcast %mul3A_513 : f32 to vector<16xf32>
      %mul3A_515 = arith.mulf %mul3A_514, %exp3A_507 : vector<16xf32>
      %add3A_516 = arith.constant 0.0344179124 : f32
      %add3A_517 = vector.broadcast %add3A_516 : f32 to vector<16xf32>
      %add3A_518 = arith.addf %mul3A_515, %add3A_517 : vector<16xf32>
      %mul3A_519 = arith.mulf %add3A_518, %exp3A_507 : vector<16xf32>
      %add3A_520 = arith.constant -0.0923123061 : f32
      %add3A_521 = vector.broadcast %add3A_520 : f32 to vector<16xf32>
      %add3A_522 = arith.addf %mul3A_519, %add3A_521 : vector<16xf32>
      %mul3A_523 = arith.mulf %add3A_522, %exp3A_507 : vector<16xf32>
      %add3A_524 = arith.constant 0.164781883 : f32
      %add3A_525 = vector.broadcast %add3A_524 : f32 to vector<16xf32>
      %add3A_526 = arith.addf %mul3A_523, %add3A_525 : vector<16xf32>
      %mul3A_527 = arith.mulf %add3A_526, %exp3A_507 : vector<16xf32>
      %add3A_528 = arith.constant -0.239189729 : f32
      %add3A_529 = vector.broadcast %add3A_528 : f32 to vector<16xf32>
      %add3A_530 = arith.addf %mul3A_527, %add3A_529 : vector<16xf32>
      %mul3A_531 = arith.mulf %add3A_530, %exp3A_507 : vector<16xf32>
      %add3A_532 = arith.constant 0.331333667 : f32
      %add3A_533 = vector.broadcast %add3A_532 : f32 to vector<16xf32>
      %add3A_534 = arith.addf %mul3A_531, %add3A_533 : vector<16xf32>
      %mul3A_535 = arith.mulf %add3A_534, %exp3A_507 : vector<16xf32>
      %add3A_536 = arith.constant -0.499801099 : f32
      %add3A_537 = vector.broadcast %add3A_536 : f32 to vector<16xf32>
      %add3A_538 = arith.addf %mul3A_535, %add3A_537 : vector<16xf32>
      %mul3A_539 = arith.mulf %add3A_538, %exp3A_507 : vector<16xf32>
      %add3A_540 = arith.constant 0.999991476 : f32
      %add3A_541 = vector.broadcast %add3A_540 : f32 to vector<16xf32>
      %add3A_542 = arith.addf %mul3A_539, %add3A_541 : vector<16xf32>
      %mul3A_543 = arith.mulf %add3A_542, %exp3A_507 : vector<16xf32>
      %add3A_544 = arith.constant 9.09903334E-8 : f32
      %add3A_545 = vector.broadcast %add3A_544 : f32 to vector<16xf32>
      %add3A_546 = arith.addf %mul3A_543, %add3A_545 : vector<16xf32>
      %add3A_547 = arith.addf %sub3A_512, %add3A_546 : vector<16xf32>
      %mul3A_548 = arith.mulf %add3A_547, %get3A_502 : vector<16xf32>
      %add3A_549 = arith.addf %add3A_488, %mul3A_548 : vector<16xf32>
      %add3A_550 = arith.addf %add3A_489, %add3A_547 : vector<16xf32>
      %add3A_551 = arith.addf %add3A_490, %get3A_502 : vector<16xf32>
      scf.yield %add3A_549, %add3A_550, %add3A_551 : vector<16xf32>, vector<16xf32>, vector<16xf32>
    }
    %scan3A_34 = arith.constant 128 : i32
    %dma_wait3A_35 = arith.constant 0 : i32
    %dma_wait3A_36 = tpu.memref_slice %arg2[%dma_wait3A_35] : memref<8388608xf32, #tpu.memory_space<hbm>> -> memref<16384xf32, #tpu.memory_space<hbm>>
    %dma_wait3A_37 = arith.constant 0 : i32
    %dma_wait3A_38 = tpu.memref_slice %arg2[%dma_wait3A_37] : memref<8388608xf32, #tpu.memory_space<hbm>> -> memref<16384xf32, #tpu.memory_space<hbm>>
    tpu.wait_dma2 semaphore(%arg11 : memref<!tpu.dma_semaphore, #tpu.memory_space<semaphore_mem>>) src(%dma_wait3A_38 : memref<16384xf32, #tpu.memory_space<hbm>>) dst(%arg6 : memref<16384xf32, #tpu.memory_space<vmem>>)
    %dma_wait3A_39 = arith.constant 0 : i32
    %dma_wait3A_40 = tpu.memref_slice %arg3[%dma_wait3A_39] : memref<8388608xf32, #tpu.memory_space<hbm>> -> memref<16384xf32, #tpu.memory_space<hbm>>
    %dma_wait3A_41 = arith.constant 0 : i32
    %dma_wait3A_42 = tpu.memref_slice %arg3[%dma_wait3A_41] : memref<8388608xf32, #tpu.memory_space<hbm>> -> memref<16384xf32, #tpu.memory_space<hbm>>
    tpu.wait_dma2 semaphore(%arg11 : memref<!tpu.dma_semaphore, #tpu.memory_space<semaphore_mem>>) src(%dma_wait3A_42 : memref<16384xf32, #tpu.memory_space<hbm>>) dst(%arg8 : memref<16384xf32, #tpu.memory_space<vmem>>)
    %scan3A_43 = arith.constant 0 : i32
    %scan3A_44 = arith.constant 128 : i32
    %scan3A_45 = arith.addi %scan3A_43, %scan3A_44 : i32
    %scan3A_46 = arith.constant 1 : i32
    %scan3A_47:3 = scf.for %scan3A_66 = %scan3A_43 to %scan3A_45 step %scan3A_46 iter_args(%scan3A_67 = %scan3A_33#0, %scan3A_68 = %scan3A_33#1, %scan3A_69 = %scan3A_33#2) -> (vector<16xf32>, vector<16xf32>, vector<16xf32>)  : i32 {
      %mul3A_70 = arith.constant 8 : i32
      %mul3A_71 = arith.muli %scan3A_66, %mul3A_70 : i32
      %add3A_72 = arith.constant 0 : i32
      %add3A_73 = arith.addi %mul3A_71, %add3A_72 : i32
      %mul3A_74 = arith.constant 16 : i32
      %mul3A_75 = arith.muli %add3A_73, %mul3A_74 : i32
      %get3A = arith.index_cast %mul3A_75 : i32 to index
      %get3A_76 = tpu.vector_load %arg6[%get3A] {strides = array<i32>} : memref<16384xf32, #tpu.memory_space<vmem>>, vector<16xf32>,
      %get3A_77 = vector.shape_cast %get3A_76 : vector<16xf32> to vector<16xf32>
      %get3A_78 = arith.index_cast %mul3A_75 : i32 to index
      %get3A_79 = tpu.vector_load %arg8[%get3A_78] {strides = array<i32>} : memref<16384xf32, #tpu.memory_space<vmem>>, vector<16xf32>,
      %get3A_80 = vector.shape_cast %get3A_79 : vector<16xf32> to vector<16xf32>
      %abs3A = math.absf %get3A_77 : vector<16xf32>
      %neg3A = arith.constant 0.000000e+00 : f32
      %neg3A_81 = vector.broadcast %neg3A : f32 to vector<16xf32>
      %neg3A_82 = arith.subf %neg3A_81, %abs3A : vector<16xf32>
      %exp3A = math.exp %neg3A_82 : vector<16xf32>
      %max3A = arith.constant 0.000000e+00 : f32
      %max3A_83 = vector.broadcast %max3A : f32 to vector<16xf32>
      %max3A_84 = arith.maximumf %get3A_77, %max3A_83 : vector<16xf32>
      %mul3A_85 = arith.mulf %get3A_80, %get3A_77 : vector<16xf32>
      %sub3A = arith.subf %max3A_84, %mul3A_85 : vector<16xf32>
      %mul3A_86 = arith.constant -0.00607475266 : f32
      %mul3A_87 = vector.broadcast %mul3A_86 : f32 to vector<16xf32>
      %mul3A_88 = arith.mulf %mul3A_87, %exp3A : vector<16xf32>
      %add3A_89 = arith.constant 0.0344179124 : f32
      %add3A_90 = vector.broadcast %add3A_89 : f32 to vector<16xf32>
      %add3A_91 = arith.addf %mul3A_88, %add3A_90 : vector<16xf32>
      %mul3A_92 = arith.mulf %add3A_91, %exp3A : vector<16xf32>
      %add3A_93 = arith.constant -0.0923123061 : f32
      %add3A_94 = vector.broadcast %add3A_93 : f32 to vector<16xf32>
      %add3A_95 = arith.addf %mul3A_92, %add3A_94 : vector<16xf32>
      %mul3A_96 = arith.mulf %add3A_95, %exp3A : vector<16xf32>
      %add3A_97 = arith.constant 0.164781883 : f32
      %add3A_98 = vector.broadcast %add3A_97 : f32 to vector<16xf32>
      %add3A_99 = arith.addf %mul3A_96, %add3A_98 : vector<16xf32>
      %mul3A_100 = arith.mulf %add3A_99, %exp3A : vector<16xf32>
      %add3A_101 = arith.constant -0.239189729 : f32
      %add3A_102 = vector.broadcast %add3A_101 : f32 to vector<16xf32>
      %add3A_103 = arith.addf %mul3A_100, %add3A_102 : vector<16xf32>
      %mul3A_104 = arith.mulf %add3A_103, %exp3A : vector<16xf32>
      %add3A_105 = arith.constant 0.331333667 : f32
      %add3A_106 = vector.broadcast %add3A_105 : f32 to vector<16xf32>
      %add3A_107 = arith.addf %mul3A_104, %add3A_106 : vector<16xf32>
      %mul3A_108 = arith.mulf %add3A_107, %exp3A : vector<16xf32>
      %add3A_109 = arith.constant -0.499801099 : f32
      %add3A_110 = vector.broadcast %add3A_109 : f32 to vector<16xf32>
      %add3A_111 = arith.addf %mul3A_108, %add3A_110 : vector<16xf32>
      %mul3A_112 = arith.mulf %add3A_111, %exp3A : vector<16xf32>
      %add3A_113 = arith.constant 0.999991476 : f32
      %add3A_114 = vector.broadcast %add3A_113 : f32 to vector<16xf32>
      %add3A_115 = arith.addf %mul3A_112, %add3A_114 : vector<16xf32>
      %mul3A_116 = arith.mulf %add3A_115, %exp3A : vector<16xf32>
      %add3A_117 = arith.constant 9.09903334E-8 : f32
      %add3A_118 = vector.broadcast %add3A_117 : f32 to vector<16xf32>
      %add3A_119 = arith.addf %mul3A_116, %add3A_118 : vector<16xf32>
      %add3A_120 = arith.addf %sub3A, %add3A_119 : vector<16xf32>
      %mul3A_121 = arith.mulf %add3A_120, %get3A_80 : vector<16xf32>
      %add3A_122 = arith.addf %scan3A_67, %mul3A_121 : vector<16xf32>
      %add3A_123 = arith.addf %scan3A_68, %add3A_120 : vector<16xf32>
      %add3A_124 = arith.addf %scan3A_69, %get3A_80 : vector<16xf32>
      %mul3A_125 = arith.constant 8 : i32
      %mul3A_126 = arith.muli %scan3A_66, %mul3A_125 : i32
      %add3A_127 = arith.constant 1 : i32
      %add3A_128 = arith.addi %mul3A_126, %add3A_127 : i32
      %mul3A_129 = arith.constant 16 : i32
      %mul3A_130 = arith.muli %add3A_128, %mul3A_129 : i32
      %get3A_131 = arith.index_cast %mul3A_130 : i32 to index
      %get3A_132 = tpu.vector_load %arg6[%get3A_131] {strides = array<i32>} : memref<16384xf32, #tpu.memory_space<vmem>>, vector<16xf32>,
      %get3A_133 = vector.shape_cast %get3A_132 : vector<16xf32> to vector<16xf32>
      %get3A_134 = arith.index_cast %mul3A_130 : i32 to index
      %get3A_135 = tpu.vector_load %arg8[%get3A_134] {strides = array<i32>} : memref<16384xf32, #tpu.memory_space<vmem>>, vector<16xf32>,
      %get3A_136 = vector.shape_cast %get3A_135 : vector<16xf32> to vector<16xf32>
      %abs3A_137 = math.absf %get3A_133 : vector<16xf32>
      %neg3A_138 = arith.constant 0.000000e+00 : f32
      %neg3A_139 = vector.broadcast %neg3A_138 : f32 to vector<16xf32>
      %neg3A_140 = arith.subf %neg3A_139, %abs3A_137 : vector<16xf32>
      %exp3A_141 = math.exp %neg3A_140 : vector<16xf32>
      %max3A_142 = arith.constant 0.000000e+00 : f32
      %max3A_143 = vector.broadcast %max3A_142 : f32 to vector<16xf32>
      %max3A_144 = arith.maximumf %get3A_133, %max3A_143 : vector<16xf32>
      %mul3A_145 = arith.mulf %get3A_136, %get3A_133 : vector<16xf32>
      %sub3A_146 = arith.subf %max3A_144, %mul3A_145 : vector<16xf32>
      %mul3A_147 = arith.constant -0.00607475266 : f32
      %mul3A_148 = vector.broadcast %mul3A_147 : f32 to vector<16xf32>
      %mul3A_149 = arith.mulf %mul3A_148, %exp3A_141 : vector<16xf32>
      %add3A_150 = arith.constant 0.0344179124 : f32
      %add3A_151 = vector.broadcast %add3A_150 : f32 to vector<16xf32>
      %add3A_152 = arith.addf %mul3A_149, %add3A_151 : vector<16xf32>
      %mul3A_153 = arith.mulf %add3A_152, %exp3A_141 : vector<16xf32>
      %add3A_154 = arith.constant -0.0923123061 : f32
      %add3A_155 = vector.broadcast %add3A_154 : f32 to vector<16xf32>
      %add3A_156 = arith.addf %mul3A_153, %add3A_155 : vector<16xf32>
      %mul3A_157 = arith.mulf %add3A_156, %exp3A_141 : vector<16xf32>
      %add3A_158 = arith.constant 0.164781883 : f32
      %add3A_159 = vector.broadcast %add3A_158 : f32 to vector<16xf32>
      %add3A_160 = arith.addf %mul3A_157, %add3A_159 : vector<16xf32>
      %mul3A_161 = arith.mulf %add3A_160, %exp3A_141 : vector<16xf32>
      %add3A_162 = arith.constant -0.239189729 : f32
      %add3A_163 = vector.broadcast %add3A_162 : f32 to vector<16xf32>
      %add3A_164 = arith.addf %mul3A_161, %add3A_163 : vector<16xf32>
      %mul3A_165 = arith.mulf %add3A_164, %exp3A_141 : vector<16xf32>
      %add3A_166 = arith.constant 0.331333667 : f32
      %add3A_167 = vector.broadcast %add3A_166 : f32 to vector<16xf32>
      %add3A_168 = arith.addf %mul3A_165, %add3A_167 : vector<16xf32>
      %mul3A_169 = arith.mulf %add3A_168, %exp3A_141 : vector<16xf32>
      %add3A_170 = arith.constant -0.499801099 : f32
      %add3A_171 = vector.broadcast %add3A_170 : f32 to vector<16xf32>
      %add3A_172 = arith.addf %mul3A_169, %add3A_171 : vector<16xf32>
      %mul3A_173 = arith.mulf %add3A_172, %exp3A_141 : vector<16xf32>
      %add3A_174 = arith.constant 0.999991476 : f32
      %add3A_175 = vector.broadcast %add3A_174 : f32 to vector<16xf32>
      %add3A_176 = arith.addf %mul3A_173, %add3A_175 : vector<16xf32>
      %mul3A_177 = arith.mulf %add3A_176, %exp3A_141 : vector<16xf32>
      %add3A_178 = arith.constant 9.09903334E-8 : f32
      %add3A_179 = vector.broadcast %add3A_178 : f32 to vector<16xf32>
      %add3A_180 = arith.addf %mul3A_177, %add3A_179 : vector<16xf32>
      %add3A_181 = arith.addf %sub3A_146, %add3A_180 : vector<16xf32>
      %mul3A_182 = arith.mulf %add3A_181, %get3A_136 : vector<16xf32>
      %add3A_183 = arith.addf %add3A_122, %mul3A_182 : vector<16xf32>
      %add3A_184 = arith.addf %add3A_123, %add3A_181 : vector<16xf32>
      %add3A_185 = arith.addf %add3A_124, %get3A_136 : vector<16xf32>
      %mul3A_186 = arith.constant 8 : i32
      %mul3A_187 = arith.muli %scan3A_66, %mul3A_186 : i32
      %add3A_188 = arith.constant 2 : i32
      %add3A_189 = arith.addi %mul3A_187, %add3A_188 : i32
      %mul3A_190 = arith.constant 16 : i32
      %mul3A_191 = arith.muli %add3A_189, %mul3A_190 : i32
      %get3A_192 = arith.index_cast %mul3A_191 : i32 to index
      %get3A_193 = tpu.vector_load %arg6[%get3A_192] {strides = array<i32>} : memref<16384xf32, #tpu.memory_space<vmem>>, vector<16xf32>,
      %get3A_194 = vector.shape_cast %get3A_193 : vector<16xf32> to vector<16xf32>
      %get3A_195 = arith.index_cast %mul3A_191 : i32 to index
      %get3A_196 = tpu.vector_load %arg8[%get3A_195] {strides = array<i32>} : memref<16384xf32, #tpu.memory_space<vmem>>, vector<16xf32>,
      %get3A_197 = vector.shape_cast %get3A_196 : vector<16xf32> to vector<16xf32>
      %abs3A_198 = math.absf %get3A_194 : vector<16xf32>
      %neg3A_199 = arith.constant 0.000000e+00 : f32
      %neg3A_200 = vector.broadcast %neg3A_199 : f32 to vector<16xf32>
      %neg3A_201 = arith.subf %neg3A_200, %abs3A_198 : vector<16xf32>
      %exp3A_202 = math.exp %neg3A_201 : vector<16xf32>
      %max3A_203 = arith.constant 0.000000e+00 : f32
      %max3A_204 = vector.broadcast %max3A_203 : f32 to vector<16xf32>
      %max3A_205 = arith.maximumf %get3A_194, %max3A_204 : vector<16xf32>
      %mul3A_206 = arith.mulf %get3A_197, %get3A_194 : vector<16xf32>
      %sub3A_207 = arith.subf %max3A_205, %mul3A_206 : vector<16xf32>
      %mul3A_208 = arith.constant -0.00607475266 : f32
      %mul3A_209 = vector.broadcast %mul3A_208 : f32 to vector<16xf32>
      %mul3A_210 = arith.mulf %mul3A_209, %exp3A_202 : vector<16xf32>
      %add3A_211 = arith.constant 0.0344179124 : f32
      %add3A_212 = vector.broadcast %add3A_211 : f32 to vector<16xf32>
      %add3A_213 = arith.addf %mul3A_210, %add3A_212 : vector<16xf32>
      %mul3A_214 = arith.mulf %add3A_213, %exp3A_202 : vector<16xf32>
      %add3A_215 = arith.constant -0.0923123061 : f32
      %add3A_216 = vector.broadcast %add3A_215 : f32 to vector<16xf32>
      %add3A_217 = arith.addf %mul3A_214, %add3A_216 : vector<16xf32>
      %mul3A_218 = arith.mulf %add3A_217, %exp3A_202 : vector<16xf32>
      %add3A_219 = arith.constant 0.164781883 : f32
      %add3A_220 = vector.broadcast %add3A_219 : f32 to vector<16xf32>
      %add3A_221 = arith.addf %mul3A_218, %add3A_220 : vector<16xf32>
      %mul3A_222 = arith.mulf %add3A_221, %exp3A_202 : vector<16xf32>
      %add3A_223 = arith.constant -0.239189729 : f32
      %add3A_224 = vector.broadcast %add3A_223 : f32 to vector<16xf32>
      %add3A_225 = arith.addf %mul3A_222, %add3A_224 : vector<16xf32>
      %mul3A_226 = arith.mulf %add3A_225, %exp3A_202 : vector<16xf32>
      %add3A_227 = arith.constant 0.331333667 : f32
      %add3A_228 = vector.broadcast %add3A_227 : f32 to vector<16xf32>
      %add3A_229 = arith.addf %mul3A_226, %add3A_228 : vector<16xf32>
      %mul3A_230 = arith.mulf %add3A_229, %exp3A_202 : vector<16xf32>
      %add3A_231 = arith.constant -0.499801099 : f32
      %add3A_232 = vector.broadcast %add3A_231 : f32 to vector<16xf32>
      %add3A_233 = arith.addf %mul3A_230, %add3A_232 : vector<16xf32>
      %mul3A_234 = arith.mulf %add3A_233, %exp3A_202 : vector<16xf32>
      %add3A_235 = arith.constant 0.999991476 : f32
      %add3A_236 = vector.broadcast %add3A_235 : f32 to vector<16xf32>
      %add3A_237 = arith.addf %mul3A_234, %add3A_236 : vector<16xf32>
      %mul3A_238 = arith.mulf %add3A_237, %exp3A_202 : vector<16xf32>
      %add3A_239 = arith.constant 9.09903334E-8 : f32
      %add3A_240 = vector.broadcast %add3A_239 : f32 to vector<16xf32>
      %add3A_241 = arith.addf %mul3A_238, %add3A_240 : vector<16xf32>
      %add3A_242 = arith.addf %sub3A_207, %add3A_241 : vector<16xf32>
      %mul3A_243 = arith.mulf %add3A_242, %get3A_197 : vector<16xf32>
      %add3A_244 = arith.addf %add3A_183, %mul3A_243 : vector<16xf32>
      %add3A_245 = arith.addf %add3A_184, %add3A_242 : vector<16xf32>
      %add3A_246 = arith.addf %add3A_185, %get3A_197 : vector<16xf32>
      %mul3A_247 = arith.constant 8 : i32
      %mul3A_248 = arith.muli %scan3A_66, %mul3A_247 : i32
      %add3A_249 = arith.constant 3 : i32
      %add3A_250 = arith.addi %mul3A_248, %add3A_249 : i32
      %mul3A_251 = arith.constant 16 : i32
      %mul3A_252 = arith.muli %add3A_250, %mul3A_251 : i32
      %get3A_253 = arith.index_cast %mul3A_252 : i32 to index
      %get3A_254 = tpu.vector_load %arg6[%get3A_253] {strides = array<i32>} : memref<16384xf32, #tpu.memory_space<vmem>>, vector<16xf32>,
      %get3A_255 = vector.shape_cast %get3A_254 : vector<16xf32> to vector<16xf32>
      %get3A_256 = arith.index_cast %mul3A_252 : i32 to index
      %get3A_257 = tpu.vector_load %arg8[%get3A_256] {strides = array<i32>} : memref<16384xf32, #tpu.memory_space<vmem>>, vector<16xf32>,
      %get3A_258 = vector.shape_cast %get3A_257 : vector<16xf32> to vector<16xf32>
      %abs3A_259 = math.absf %get3A_255 : vector<16xf32>
      %neg3A_260 = arith.constant 0.000000e+00 : f32
      %neg3A_261 = vector.broadcast %neg3A_260 : f32 to vector<16xf32>
      %neg3A_262 = arith.subf %neg3A_261, %abs3A_259 : vector<16xf32>
      %exp3A_263 = math.exp %neg3A_262 : vector<16xf32>
      %max3A_264 = arith.constant 0.000000e+00 : f32
      %max3A_265 = vector.broadcast %max3A_264 : f32 to vector<16xf32>
      %max3A_266 = arith.maximumf %get3A_255, %max3A_265 : vector<16xf32>
      %mul3A_267 = arith.mulf %get3A_258, %get3A_255 : vector<16xf32>
      %sub3A_268 = arith.subf %max3A_266, %mul3A_267 : vector<16xf32>
      %mul3A_269 = arith.constant -0.00607475266 : f32
      %mul3A_270 = vector.broadcast %mul3A_269 : f32 to vector<16xf32>
      %mul3A_271 = arith.mulf %mul3A_270, %exp3A_263 : vector<16xf32>
      %add3A_272 = arith.constant 0.0344179124 : f32
      %add3A_273 = vector.broadcast %add3A_272 : f32 to vector<16xf32>
      %add3A_274 = arith.addf %mul3A_271, %add3A_273 : vector<16xf32>
      %mul3A_275 = arith.mulf %add3A_274, %exp3A_263 : vector<16xf32>
      %add3A_276 = arith.constant -0.0923123061 : f32
      %add3A_277 = vector.broadcast %add3A_276 : f32 to vector<16xf32>
      %add3A_278 = arith.addf %mul3A_275, %add3A_277 : vector<16xf32>
      %mul3A_279 = arith.mulf %add3A_278, %exp3A_263 : vector<16xf32>
      %add3A_280 = arith.constant 0.164781883 : f32
      %add3A_281 = vector.broadcast %add3A_280 : f32 to vector<16xf32>
      %add3A_282 = arith.addf %mul3A_279, %add3A_281 : vector<16xf32>
      %mul3A_283 = arith.mulf %add3A_282, %exp3A_263 : vector<16xf32>
      %add3A_284 = arith.constant -0.239189729 : f32
      %add3A_285 = vector.broadcast %add3A_284 : f32 to vector<16xf32>
      %add3A_286 = arith.addf %mul3A_283, %add3A_285 : vector<16xf32>
      %mul3A_287 = arith.mulf %add3A_286, %exp3A_263 : vector<16xf32>
      %add3A_288 = arith.constant 0.331333667 : f32
      %add3A_289 = vector.broadcast %add3A_288 : f32 to vector<16xf32>
      %add3A_290 = arith.addf %mul3A_287, %add3A_289 : vector<16xf32>
      %mul3A_291 = arith.mulf %add3A_290, %exp3A_263 : vector<16xf32>
      %add3A_292 = arith.constant -0.499801099 : f32
      %add3A_293 = vector.broadcast %add3A_292 : f32 to vector<16xf32>
      %add3A_294 = arith.addf %mul3A_291, %add3A_293 : vector<16xf32>
      %mul3A_295 = arith.mulf %add3A_294, %exp3A_263 : vector<16xf32>
      %add3A_296 = arith.constant 0.999991476 : f32
      %add3A_297 = vector.broadcast %add3A_296 : f32 to vector<16xf32>
      %add3A_298 = arith.addf %mul3A_295, %add3A_297 : vector<16xf32>
      %mul3A_299 = arith.mulf %add3A_298, %exp3A_263 : vector<16xf32>
      %add3A_300 = arith.constant 9.09903334E-8 : f32
      %add3A_301 = vector.broadcast %add3A_300 : f32 to vector<16xf32>
      %add3A_302 = arith.addf %mul3A_299, %add3A_301 : vector<16xf32>
      %add3A_303 = arith.addf %sub3A_268, %add3A_302 : vector<16xf32>
      %mul3A_304 = arith.mulf %add3A_303, %get3A_258 : vector<16xf32>
      %add3A_305 = arith.addf %add3A_244, %mul3A_304 : vector<16xf32>
      %add3A_306 = arith.addf %add3A_245, %add3A_303 : vector<16xf32>
      %add3A_307 = arith.addf %add3A_246, %get3A_258 : vector<16xf32>
      %mul3A_308 = arith.constant 8 : i32
      %mul3A_309 = arith.muli %scan3A_66, %mul3A_308 : i32
      %add3A_310 = arith.constant 4 : i32
      %add3A_311 = arith.addi %mul3A_309, %add3A_310 : i32
      %mul3A_312 = arith.constant 16 : i32
      %mul3A_313 = arith.muli %add3A_311, %mul3A_312 : i32
      %get3A_314 = arith.index_cast %mul3A_313 : i32 to index
      %get3A_315 = tpu.vector_load %arg6[%get3A_314] {strides = array<i32>} : memref<16384xf32, #tpu.memory_space<vmem>>, vector<16xf32>,
      %get3A_316 = vector.shape_cast %get3A_315 : vector<16xf32> to vector<16xf32>
      %get3A_317 = arith.index_cast %mul3A_313 : i32 to index
      %get3A_318 = tpu.vector_load %arg8[%get3A_317] {strides = array<i32>} : memref<16384xf32, #tpu.memory_space<vmem>>, vector<16xf32>,
      %get3A_319 = vector.shape_cast %get3A_318 : vector<16xf32> to vector<16xf32>
      %abs3A_320 = math.absf %get3A_316 : vector<16xf32>
      %neg3A_321 = arith.constant 0.000000e+00 : f32
      %neg3A_322 = vector.broadcast %neg3A_321 : f32 to vector<16xf32>
      %neg3A_323 = arith.subf %neg3A_322, %abs3A_320 : vector<16xf32>
      %exp3A_324 = math.exp %neg3A_323 : vector<16xf32>
      %max3A_325 = arith.constant 0.000000e+00 : f32
      %max3A_326 = vector.broadcast %max3A_325 : f32 to vector<16xf32>
      %max3A_327 = arith.maximumf %get3A_316, %max3A_326 : vector<16xf32>
      %mul3A_328 = arith.mulf %get3A_319, %get3A_316 : vector<16xf32>
      %sub3A_329 = arith.subf %max3A_327, %mul3A_328 : vector<16xf32>
      %mul3A_330 = arith.constant -0.00607475266 : f32
      %mul3A_331 = vector.broadcast %mul3A_330 : f32 to vector<16xf32>
      %mul3A_332 = arith.mulf %mul3A_331, %exp3A_324 : vector<16xf32>
      %add3A_333 = arith.constant 0.0344179124 : f32
      %add3A_334 = vector.broadcast %add3A_333 : f32 to vector<16xf32>
      %add3A_335 = arith.addf %mul3A_332, %add3A_334 : vector<16xf32>
      %mul3A_336 = arith.mulf %add3A_335, %exp3A_324 : vector<16xf32>
      %add3A_337 = arith.constant -0.0923123061 : f32
      %add3A_338 = vector.broadcast %add3A_337 : f32 to vector<16xf32>
      %add3A_339 = arith.addf %mul3A_336, %add3A_338 : vector<16xf32>
      %mul3A_340 = arith.mulf %add3A_339, %exp3A_324 : vector<16xf32>
      %add3A_341 = arith.constant 0.164781883 : f32
      %add3A_342 = vector.broadcast %add3A_341 : f32 to vector<16xf32>
      %add3A_343 = arith.addf %mul3A_340, %add3A_342 : vector<16xf32>
      %mul3A_344 = arith.mulf %add3A_343, %exp3A_324 : vector<16xf32>
      %add3A_345 = arith.constant -0.239189729 : f32
      %add3A_346 = vector.broadcast %add3A_345 : f32 to vector<16xf32>
      %add3A_347 = arith.addf %mul3A_344, %add3A_346 : vector<16xf32>
      %mul3A_348 = arith.mulf %add3A_347, %exp3A_324 : vector<16xf32>
      %add3A_349 = arith.constant 0.331333667 : f32
      %add3A_350 = vector.broadcast %add3A_349 : f32 to vector<16xf32>
      %add3A_351 = arith.addf %mul3A_348, %add3A_350 : vector<16xf32>
      %mul3A_352 = arith.mulf %add3A_351, %exp3A_324 : vector<16xf32>
      %add3A_353 = arith.constant -0.499801099 : f32
      %add3A_354 = vector.broadcast %add3A_353 : f32 to vector<16xf32>
      %add3A_355 = arith.addf %mul3A_352, %add3A_354 : vector<16xf32>
      %mul3A_356 = arith.mulf %add3A_355, %exp3A_324 : vector<16xf32>
      %add3A_357 = arith.constant 0.999991476 : f32
      %add3A_358 = vector.broadcast %add3A_357 : f32 to vector<16xf32>
      %add3A_359 = arith.addf %mul3A_356, %add3A_358 : vector<16xf32>
      %mul3A_360 = arith.mulf %add3A_359, %exp3A_324 : vector<16xf32>
      %add3A_361 = arith.constant 9.09903334E-8 : f32
      %add3A_362 = vector.broadcast %add3A_361 : f32 to vector<16xf32>
      %add3A_363 = arith.addf %mul3A_360, %add3A_362 : vector<16xf32>
      %add3A_364 = arith.addf %sub3A_329, %add3A_363 : vector<16xf32>
      %mul3A_365 = arith.mulf %add3A_364, %get3A_319 : vector<16xf32>
      %add3A_366 = arith.addf %add3A_305, %mul3A_365 : vector<16xf32>
      %add3A_367 = arith.addf %add3A_306, %add3A_364 : vector<16xf32>
      %add3A_368 = arith.addf %add3A_307, %get3A_319 : vector<16xf32>
      %mul3A_369 = arith.constant 8 : i32
      %mul3A_370 = arith.muli %scan3A_66, %mul3A_369 : i32
      %add3A_371 = arith.constant 5 : i32
      %add3A_372 = arith.addi %mul3A_370, %add3A_371 : i32
      %mul3A_373 = arith.constant 16 : i32
      %mul3A_374 = arith.muli %add3A_372, %mul3A_373 : i32
      %get3A_375 = arith.index_cast %mul3A_374 : i32 to index
      %get3A_376 = tpu.vector_load %arg6[%get3A_375] {strides = array<i32>} : memref<16384xf32, #tpu.memory_space<vmem>>, vector<16xf32>,
      %get3A_377 = vector.shape_cast %get3A_376 : vector<16xf32> to vector<16xf32>
      %get3A_378 = arith.index_cast %mul3A_374 : i32 to index
      %get3A_379 = tpu.vector_load %arg8[%get3A_378] {strides = array<i32>} : memref<16384xf32, #tpu.memory_space<vmem>>, vector<16xf32>,
      %get3A_380 = vector.shape_cast %get3A_379 : vector<16xf32> to vector<16xf32>
      %abs3A_381 = math.absf %get3A_377 : vector<16xf32>
      %neg3A_382 = arith.constant 0.000000e+00 : f32
      %neg3A_383 = vector.broadcast %neg3A_382 : f32 to vector<16xf32>
      %neg3A_384 = arith.subf %neg3A_383, %abs3A_381 : vector<16xf32>
      %exp3A_385 = math.exp %neg3A_384 : vector<16xf32>
      %max3A_386 = arith.constant 0.000000e+00 : f32
      %max3A_387 = vector.broadcast %max3A_386 : f32 to vector<16xf32>
      %max3A_388 = arith.maximumf %get3A_377, %max3A_387 : vector<16xf32>
      %mul3A_389 = arith.mulf %get3A_380, %get3A_377 : vector<16xf32>
      %sub3A_390 = arith.subf %max3A_388, %mul3A_389 : vector<16xf32>
      %mul3A_391 = arith.constant -0.00607475266 : f32
      %mul3A_392 = vector.broadcast %mul3A_391 : f32 to vector<16xf32>
      %mul3A_393 = arith.mulf %mul3A_392, %exp3A_385 : vector<16xf32>
      %add3A_394 = arith.constant 0.0344179124 : f32
      %add3A_395 = vector.broadcast %add3A_394 : f32 to vector<16xf32>
      %add3A_396 = arith.addf %mul3A_393, %add3A_395 : vector<16xf32>
      %mul3A_397 = arith.mulf %add3A_396, %exp3A_385 : vector<16xf32>
      %add3A_398 = arith.constant -0.0923123061 : f32
      %add3A_399 = vector.broadcast %add3A_398 : f32 to vector<16xf32>
      %add3A_400 = arith.addf %mul3A_397, %add3A_399 : vector<16xf32>
      %mul3A_401 = arith.mulf %add3A_400, %exp3A_385 : vector<16xf32>
      %add3A_402 = arith.constant 0.164781883 : f32
      %add3A_403 = vector.broadcast %add3A_402 : f32 to vector<16xf32>
      %add3A_404 = arith.addf %mul3A_401, %add3A_403 : vector<16xf32>
      %mul3A_405 = arith.mulf %add3A_404, %exp3A_385 : vector<16xf32>
      %add3A_406 = arith.constant -0.239189729 : f32
      %add3A_407 = vector.broadcast %add3A_406 : f32 to vector<16xf32>
      %add3A_408 = arith.addf %mul3A_405, %add3A_407 : vector<16xf32>
      %mul3A_409 = arith.mulf %add3A_408, %exp3A_385 : vector<16xf32>
      %add3A_410 = arith.constant 0.331333667 : f32
      %add3A_411 = vector.broadcast %add3A_410 : f32 to vector<16xf32>
      %add3A_412 = arith.addf %mul3A_409, %add3A_411 : vector<16xf32>
      %mul3A_413 = arith.mulf %add3A_412, %exp3A_385 : vector<16xf32>
      %add3A_414 = arith.constant -0.499801099 : f32
      %add3A_415 = vector.broadcast %add3A_414 : f32 to vector<16xf32>
      %add3A_416 = arith.addf %mul3A_413, %add3A_415 : vector<16xf32>
      %mul3A_417 = arith.mulf %add3A_416, %exp3A_385 : vector<16xf32>
      %add3A_418 = arith.constant 0.999991476 : f32
      %add3A_419 = vector.broadcast %add3A_418 : f32 to vector<16xf32>
      %add3A_420 = arith.addf %mul3A_417, %add3A_419 : vector<16xf32>
      %mul3A_421 = arith.mulf %add3A_420, %exp3A_385 : vector<16xf32>
      %add3A_422 = arith.constant 9.09903334E-8 : f32
      %add3A_423 = vector.broadcast %add3A_422 : f32 to vector<16xf32>
      %add3A_424 = arith.addf %mul3A_421, %add3A_423 : vector<16xf32>
      %add3A_425 = arith.addf %sub3A_390, %add3A_424 : vector<16xf32>
      %mul3A_426 = arith.mulf %add3A_425, %get3A_380 : vector<16xf32>
      %add3A_427 = arith.addf %add3A_366, %mul3A_426 : vector<16xf32>
      %add3A_428 = arith.addf %add3A_367, %add3A_425 : vector<16xf32>
      %add3A_429 = arith.addf %add3A_368, %get3A_380 : vector<16xf32>
      %mul3A_430 = arith.constant 8 : i32
      %mul3A_431 = arith.muli %scan3A_66, %mul3A_430 : i32
      %add3A_432 = arith.constant 6 : i32
      %add3A_433 = arith.addi %mul3A_431, %add3A_432 : i32
      %mul3A_434 = arith.constant 16 : i32
      %mul3A_435 = arith.muli %add3A_433, %mul3A_434 : i32
      %get3A_436 = arith.index_cast %mul3A_435 : i32 to index
      %get3A_437 = tpu.vector_load %arg6[%get3A_436] {strides = array<i32>} : memref<16384xf32, #tpu.memory_space<vmem>>, vector<16xf32>,
      %get3A_438 = vector.shape_cast %get3A_437 : vector<16xf32> to vector<16xf32>
      %get3A_439 = arith.index_cast %mul3A_435 : i32 to index
      %get3A_440 = tpu.vector_load %arg8[%get3A_439] {strides = array<i32>} : memref<16384xf32, #tpu.memory_space<vmem>>, vector<16xf32>,
      %get3A_441 = vector.shape_cast %get3A_440 : vector<16xf32> to vector<16xf32>
      %abs3A_442 = math.absf %get3A_438 : vector<16xf32>
      %neg3A_443 = arith.constant 0.000000e+00 : f32
      %neg3A_444 = vector.broadcast %neg3A_443 : f32 to vector<16xf32>
      %neg3A_445 = arith.subf %neg3A_444, %abs3A_442 : vector<16xf32>
      %exp3A_446 = math.exp %neg3A_445 : vector<16xf32>
      %max3A_447 = arith.constant 0.000000e+00 : f32
      %max3A_448 = vector.broadcast %max3A_447 : f32 to vector<16xf32>
      %max3A_449 = arith.maximumf %get3A_438, %max3A_448 : vector<16xf32>
      %mul3A_450 = arith.mulf %get3A_441, %get3A_438 : vector<16xf32>
      %sub3A_451 = arith.subf %max3A_449, %mul3A_450 : vector<16xf32>
      %mul3A_452 = arith.constant -0.00607475266 : f32
      %mul3A_453 = vector.broadcast %mul3A_452 : f32 to vector<16xf32>
      %mul3A_454 = arith.mulf %mul3A_453, %exp3A_446 : vector<16xf32>
      %add3A_455 = arith.constant 0.0344179124 : f32
      %add3A_456 = vector.broadcast %add3A_455 : f32 to vector<16xf32>
      %add3A_457 = arith.addf %mul3A_454, %add3A_456 : vector<16xf32>
      %mul3A_458 = arith.mulf %add3A_457, %exp3A_446 : vector<16xf32>
      %add3A_459 = arith.constant -0.0923123061 : f32
      %add3A_460 = vector.broadcast %add3A_459 : f32 to vector<16xf32>
      %add3A_461 = arith.addf %mul3A_458, %add3A_460 : vector<16xf32>
      %mul3A_462 = arith.mulf %add3A_461, %exp3A_446 : vector<16xf32>
      %add3A_463 = arith.constant 0.164781883 : f32
      %add3A_464 = vector.broadcast %add3A_463 : f32 to vector<16xf32>
      %add3A_465 = arith.addf %mul3A_462, %add3A_464 : vector<16xf32>
      %mul3A_466 = arith.mulf %add3A_465, %exp3A_446 : vector<16xf32>
      %add3A_467 = arith.constant -0.239189729 : f32
      %add3A_468 = vector.broadcast %add3A_467 : f32 to vector<16xf32>
      %add3A_469 = arith.addf %mul3A_466, %add3A_468 : vector<16xf32>
      %mul3A_470 = arith.mulf %add3A_469, %exp3A_446 : vector<16xf32>
      %add3A_471 = arith.constant 0.331333667 : f32
      %add3A_472 = vector.broadcast %add3A_471 : f32 to vector<16xf32>
      %add3A_473 = arith.addf %mul3A_470, %add3A_472 : vector<16xf32>
      %mul3A_474 = arith.mulf %add3A_473, %exp3A_446 : vector<16xf32>
      %add3A_475 = arith.constant -0.499801099 : f32
      %add3A_476 = vector.broadcast %add3A_475 : f32 to vector<16xf32>
      %add3A_477 = arith.addf %mul3A_474, %add3A_476 : vector<16xf32>
      %mul3A_478 = arith.mulf %add3A_477, %exp3A_446 : vector<16xf32>
      %add3A_479 = arith.constant 0.999991476 : f32
      %add3A_480 = vector.broadcast %add3A_479 : f32 to vector<16xf32>
      %add3A_481 = arith.addf %mul3A_478, %add3A_480 : vector<16xf32>
      %mul3A_482 = arith.mulf %add3A_481, %exp3A_446 : vector<16xf32>
      %add3A_483 = arith.constant 9.09903334E-8 : f32
      %add3A_484 = vector.broadcast %add3A_483 : f32 to vector<16xf32>
      %add3A_485 = arith.addf %mul3A_482, %add3A_484 : vector<16xf32>
      %add3A_486 = arith.addf %sub3A_451, %add3A_485 : vector<16xf32>
      %mul3A_487 = arith.mulf %add3A_486, %get3A_441 : vector<16xf32>
      %add3A_488 = arith.addf %add3A_427, %mul3A_487 : vector<16xf32>
      %add3A_489 = arith.addf %add3A_428, %add3A_486 : vector<16xf32>
      %add3A_490 = arith.addf %add3A_429, %get3A_441 : vector<16xf32>
      %mul3A_491 = arith.constant 8 : i32
      %mul3A_492 = arith.muli %scan3A_66, %mul3A_491 : i32
      %add3A_493 = arith.constant 7 : i32
      %add3A_494 = arith.addi %mul3A_492, %add3A_493 : i32
      %mul3A_495 = arith.constant 16 : i32
      %mul3A_496 = arith.muli %add3A_494, %mul3A_495 : i32
      %get3A_497 = arith.index_cast %mul3A_496 : i32 to index
      %get3A_498 = tpu.vector_load %arg6[%get3A_497] {strides = array<i32>} : memref<16384xf32, #tpu.memory_space<vmem>>, vector<16xf32>,
      %get3A_499 = vector.shape_cast %get3A_498 : vector<16xf32> to vector<16xf32>
      %get3A_500 = arith.index_cast %mul3A_496 : i32 to index
      %get3A_501 = tpu.vector_load %arg8[%get3A_500] {strides = array<i32>} : memref<16384xf32, #tpu.memory_space<vmem>>, vector<16xf32>,
      %get3A_502 = vector.shape_cast %get3A_501 : vector<16xf32> to vector<16xf32>
      %abs3A_503 = math.absf %get3A_499 : vector<16xf32>
      %neg3A_504 = arith.constant 0.000000e+00 : f32
      %neg3A_505 = vector.broadcast %neg3A_504 : f32 to vector<16xf32>
      %neg3A_506 = arith.subf %neg3A_505, %abs3A_503 : vector<16xf32>
      %exp3A_507 = math.exp %neg3A_506 : vector<16xf32>
      %max3A_508 = arith.constant 0.000000e+00 : f32
      %max3A_509 = vector.broadcast %max3A_508 : f32 to vector<16xf32>
      %max3A_510 = arith.maximumf %get3A_499, %max3A_509 : vector<16xf32>
      %mul3A_511 = arith.mulf %get3A_502, %get3A_499 : vector<16xf32>
      %sub3A_512 = arith.subf %max3A_510, %mul3A_511 : vector<16xf32>
      %mul3A_513 = arith.constant -0.00607475266 : f32
      %mul3A_514 = vector.broadcast %mul3A_513 : f32 to vector<16xf32>
      %mul3A_515 = arith.mulf %mul3A_514, %exp3A_507 : vector<16xf32>
      %add3A_516 = arith.constant 0.0344179124 : f32
      %add3A_517 = vector.broadcast %add3A_516 : f32 to vector<16xf32>
      %add3A_518 = arith.addf %mul3A_515, %add3A_517 : vector<16xf32>
      %mul3A_519 = arith.mulf %add3A_518, %exp3A_507 : vector<16xf32>
      %add3A_520 = arith.constant -0.0923123061 : f32
      %add3A_521 = vector.broadcast %add3A_520 : f32 to vector<16xf32>
      %add3A_522 = arith.addf %mul3A_519, %add3A_521 : vector<16xf32>
      %mul3A_523 = arith.mulf %add3A_522, %exp3A_507 : vector<16xf32>
      %add3A_524 = arith.constant 0.164781883 : f32
      %add3A_525 = vector.broadcast %add3A_524 : f32 to vector<16xf32>
      %add3A_526 = arith.addf %mul3A_523, %add3A_525 : vector<16xf32>
      %mul3A_527 = arith.mulf %add3A_526, %exp3A_507 : vector<16xf32>
      %add3A_528 = arith.constant -0.239189729 : f32
      %add3A_529 = vector.broadcast %add3A_528 : f32 to vector<16xf32>
      %add3A_530 = arith.addf %mul3A_527, %add3A_529 : vector<16xf32>
      %mul3A_531 = arith.mulf %add3A_530, %exp3A_507 : vector<16xf32>
      %add3A_532 = arith.constant 0.331333667 : f32
      %add3A_533 = vector.broadcast %add3A_532 : f32 to vector<16xf32>
      %add3A_534 = arith.addf %mul3A_531, %add3A_533 : vector<16xf32>
      %mul3A_535 = arith.mulf %add3A_534, %exp3A_507 : vector<16xf32>
      %add3A_536 = arith.constant -0.499801099 : f32
      %add3A_537 = vector.broadcast %add3A_536 : f32 to vector<16xf32>
      %add3A_538 = arith.addf %mul3A_535, %add3A_537 : vector<16xf32>
      %mul3A_539 = arith.mulf %add3A_538, %exp3A_507 : vector<16xf32>
      %add3A_540 = arith.constant 0.999991476 : f32
      %add3A_541 = vector.broadcast %add3A_540 : f32 to vector<16xf32>
      %add3A_542 = arith.addf %mul3A_539, %add3A_541 : vector<16xf32>
      %mul3A_543 = arith.mulf %add3A_542, %exp3A_507 : vector<16xf32>
      %add3A_544 = arith.constant 9.09903334E-8 : f32
      %add3A_545 = vector.broadcast %add3A_544 : f32 to vector<16xf32>
      %add3A_546 = arith.addf %mul3A_543, %add3A_545 : vector<16xf32>
      %add3A_547 = arith.addf %sub3A_512, %add3A_546 : vector<16xf32>
      %mul3A_548 = arith.mulf %add3A_547, %get3A_502 : vector<16xf32>
      %add3A_549 = arith.addf %add3A_488, %mul3A_548 : vector<16xf32>
      %add3A_550 = arith.addf %add3A_489, %add3A_547 : vector<16xf32>
      %add3A_551 = arith.addf %add3A_490, %get3A_502 : vector<16xf32>
      scf.yield %add3A_549, %add3A_550, %add3A_551 : vector<16xf32>, vector<16xf32>, vector<16xf32>
    }
    %scan3A_48 = arith.constant 128 : i32
    %swap3A = arith.constant 0 : i32
    %swap3A_49 = arith.index_cast %swap3A : i32 to index
    %swap3A_50 = arith.constant 0 : index
    %swap3A_51 = tpu.vector_load %arg9[%swap3A_49, %swap3A_50] {strides = array<i32>} : memref<3x16xf32, #tpu.memory_space<vmem>>, vector<1x16xf32>,
    %swap3A_52 = vector.shape_cast %swap3A_51 : vector<1x16xf32> to vector<16xf32>
    %swap3A_53 = vector.shape_cast %scan3A_47#0 : vector<16xf32> to vector<1x16xf32>
    tpu.vector_store %arg9[%swap3A_49, %swap3A_50], %swap3A_53 {strides = array<i32>} : memref<3x16xf32, #tpu.memory_space<vmem>>, vector<1x16xf32>,
    %swap3A_54 = arith.constant 1 : i32
    %swap3A_55 = arith.index_cast %swap3A_54 : i32 to index
    %swap3A_56 = arith.constant 0 : index
    %swap3A_57 = tpu.vector_load %arg9[%swap3A_55, %swap3A_56] {strides = array<i32>} : memref<3x16xf32, #tpu.memory_space<vmem>>, vector<1x16xf32>,
    %swap3A_58 = vector.shape_cast %swap3A_57 : vector<1x16xf32> to vector<16xf32>
    %swap3A_59 = vector.shape_cast %scan3A_47#1 : vector<16xf32> to vector<1x16xf32>
    tpu.vector_store %arg9[%swap3A_55, %swap3A_56], %swap3A_59 {strides = array<i32>} : memref<3x16xf32, #tpu.memory_space<vmem>>, vector<1x16xf32>,
    %swap3A_60 = arith.constant 2 : i32
    %swap3A_61 = arith.index_cast %swap3A_60 : i32 to index
    %swap3A_62 = arith.constant 0 : index
    %swap3A_63 = tpu.vector_load %arg9[%swap3A_61, %swap3A_62] {strides = array<i32>} : memref<3x16xf32, #tpu.memory_space<vmem>>, vector<1x16xf32>,
    %swap3A_64 = vector.shape_cast %swap3A_63 : vector<1x16xf32> to vector<16xf32>
    %swap3A_65 = vector.shape_cast %scan3A_47#2 : vector<16xf32> to vector<1x16xf32>
    tpu.vector_store %arg9[%swap3A_61, %swap3A_62], %swap3A_65 {strides = array<i32>} : memref<3x16xf32, #tpu.memory_space<vmem>>, vector<1x16xf32>,
    "tpu.region"() ({
      %run_scoped3A = tpu.sem_alloc : memref<!tpu.dma_semaphore, #tpu.memory_space<semaphore_mem>>
      %dma_start3A_66 = arith.constant 0 : i32
      %dma_start3A_67 = arith.constant 0 : i32
      %dma_start3A_68 = tpu.memref_slice %arg4[%add3A, %dma_start3A_66, %dma_start3A_67] : memref<32x3x16xf32, #tpu.memory_space<hbm>> -> memref<1x3x16xf32, #tpu.memory_space<hbm>>
      %dma_start3A_69 = tpu.memref_squeeze %dma_start3A_68 : memref<1x3x16xf32, #tpu.memory_space<hbm>> -> memref<3x16xf32, #tpu.memory_space<hbm>>
      %dma_start3A_70 = arith.constant 0 : i32
      %dma_start3A_71 = arith.constant 0 : i32
      %dma_start3A_72 = tpu.memref_slice %arg4[%add3A, %dma_start3A_70, %dma_start3A_71] : memref<32x3x16xf32, #tpu.memory_space<hbm>> -> memref<1x3x16xf32, #tpu.memory_space<hbm>>
      %dma_start3A_73 = tpu.memref_squeeze %dma_start3A_72 : memref<1x3x16xf32, #tpu.memory_space<hbm>> -> memref<3x16xf32, #tpu.memory_space<hbm>>
      tpu.enqueue_dma source(%arg9 : memref<3x16xf32, #tpu.memory_space<vmem>>) target(%dma_start3A_73 : memref<3x16xf32, #tpu.memory_space<hbm>>) target_semaphore(%run_scoped3A : memref<!tpu.dma_semaphore, #tpu.memory_space<semaphore_mem>>)
      %dma_wait3A_74 = arith.constant 0 : i32
      %dma_wait3A_75 = arith.constant 0 : i32
      %dma_wait3A_76 = tpu.memref_slice %arg4[%add3A, %dma_wait3A_74, %dma_wait3A_75] : memref<32x3x16xf32, #tpu.memory_space<hbm>> -> memref<1x3x16xf32, #tpu.memory_space<hbm>>
      %dma_wait3A_77 = tpu.memref_squeeze %dma_wait3A_76 : memref<1x3x16xf32, #tpu.memory_space<hbm>> -> memref<3x16xf32, #tpu.memory_space<hbm>>
      %dma_wait3A_78 = arith.constant 0 : i32
      %dma_wait3A_79 = arith.constant 0 : i32
      %dma_wait3A_80 = tpu.memref_slice %arg4[%add3A, %dma_wait3A_78, %dma_wait3A_79] : memref<32x3x16xf32, #tpu.memory_space<hbm>> -> memref<1x3x16xf32, #tpu.memory_space<hbm>>
      %dma_wait3A_81 = tpu.memref_squeeze %dma_wait3A_80 : memref<1x3x16xf32, #tpu.memory_space<hbm>> -> memref<3x16xf32, #tpu.memory_space<hbm>>
      tpu.wait_dma2 semaphore(%run_scoped3A : memref<!tpu.dma_semaphore, #tpu.memory_space<semaphore_mem>>) src(%arg9 : memref<3x16xf32, #tpu.memory_space<vmem>>) dst(%dma_wait3A_81 : memref<3x16xf32, #tpu.memory_space<hbm>>)
      tpu.yield
    }) : () -> ()
    return
  }
}

module attributes {stable_mosaic.version = 14 : i64} {
  func.func @_tc_body(%arg0: i32, %arg1: memref<1024x512xf32, #tpu.memory_space<vmem>>, %arg2: memref<1024x512xf32, #tpu.memory_space<vmem>>, %arg3: memref<3xf32, #tpu.memory_space<smem>>, %arg4: memref<3xf32, #tpu.memory_space<smem>>) attributes {dimension_semantics = [#tpu.dimension_semantics<arbitrary>], iteration_bounds = array<i64: 8>, scalar_prefetch = 0 : i64, scratch_operands = 1 : i64, tpu.core_type = #tpu.core_type<tc>, window_params = [{transform_indices = @transform_0, window_bounds = array<i64: 1024, 512>}, {transform_indices = @transform_1, window_bounds = array<i64: 1024, 512>}, {transform_indices = @transform_2, window_bounds = array<i64: 3>}]} {
    %eq3A = arith.constant 0 : i32
    %eq3A_0 = arith.cmpi eq, %arg0, %eq3A : i32
    %convert_element_type3A = arith.extui %eq3A_0 : i1 to i32
    %cond3A = arith.constant 0 : i32
    %cond3A_1 = arith.cmpi ne, %convert_element_type3A, %cond3A : i32
    scf.if %cond3A_1 {
      %swap3A_55 = arith.constant 0.000000e+00 : f32
      %swap3A_56 = arith.constant 0 : index
      %swap3A_57 = memref.load %arg4[%swap3A_56] : memref<3xf32, #tpu.memory_space<smem>>
      memref.store %swap3A_55, %arg4[%swap3A_56] : memref<3xf32, #tpu.memory_space<smem>>
      %swap3A_58 = arith.constant 0.000000e+00 : f32
      %swap3A_59 = arith.constant 1 : index
      %swap3A_60 = memref.load %arg4[%swap3A_59] : memref<3xf32, #tpu.memory_space<smem>>
      memref.store %swap3A_58, %arg4[%swap3A_59] : memref<3xf32, #tpu.memory_space<smem>>
      %swap3A_61 = arith.constant 0.000000e+00 : f32
      %swap3A_62 = arith.constant 2 : index
      %swap3A_63 = memref.load %arg4[%swap3A_62] : memref<3xf32, #tpu.memory_space<smem>>
      memref.store %swap3A_61, %arg4[%swap3A_62] : memref<3xf32, #tpu.memory_space<smem>>
    } else {
    }
    %get3A = arith.constant 0 : index
    %get3A_2 = arith.constant 0 : index
    %get3A_3 = vector.load %arg1[%get3A, %get3A_2] : memref<1024x512xf32, #tpu.memory_space<vmem>>, vector<1024x512xf32>
    %get3A_4 = arith.constant 0 : index
    %get3A_5 = arith.constant 0 : index
    %get3A_6 = vector.load %arg2[%get3A_4, %get3A_5] : memref<1024x512xf32, #tpu.memory_space<vmem>>, vector<1024x512xf32>
    %max3A = arith.constant 0.000000e+00 : f32
    %max3A_7 = vector.broadcast %max3A : f32 to vector<1024x512xf32>
    %max3A_8 = arith.maximumf %get3A_3, %max3A_7 : vector<1024x512xf32>
    %mul3A = arith.mulf %get3A_6, %get3A_3 : vector<1024x512xf32>
    %sub3A = arith.subf %max3A_8, %mul3A : vector<1024x512xf32>
    %abs3A = math.absf %get3A_3 : vector<1024x512xf32>
    %mul3A_9 = arith.constant -1.44269502 : f32
    %mul3A_10 = vector.broadcast %mul3A_9 : f32 to vector<1024x512xf32>
    %mul3A_11 = arith.mulf %mul3A_10, %abs3A : vector<1024x512xf32>
    %exp23A = math.exp2 %mul3A_11 : vector<1024x512xf32>
    %add3A = arith.constant 1.000000e+00 : f32
    %add3A_12 = vector.broadcast %add3A : f32 to vector<1024x512xf32>
    %add3A_13 = arith.addf %add3A_12, %exp23A : vector<1024x512xf32>
    %log3A = math.log %add3A_13 : vector<1024x512xf32>
    %log3A_14 = arith.constant 2.000000e+00 : f32
    %log3A_15 = math.log %log3A_14 : f32
    %div3A = vector.broadcast %log3A_15 : f32 to vector<1024x512xf32>
    %div3A_16 = arith.divf %log3A, %div3A : vector<1024x512xf32>
    %mul3A_17 = arith.constant 0.693147182 : f32
    %mul3A_18 = vector.broadcast %mul3A_17 : f32 to vector<1024x512xf32>
    %mul3A_19 = arith.mulf %mul3A_18, %div3A_16 : vector<1024x512xf32>
    %add3A_20 = arith.addf %sub3A, %mul3A_19 : vector<1024x512xf32>
    %get3A_21 = arith.constant 0 : index
    %get3A_22 = memref.load %arg4[%get3A_21] : memref<3xf32, #tpu.memory_space<smem>>
    %mul3A_23 = arith.mulf %add3A_20, %get3A_6 : vector<1024x512xf32>
    %reduce_sum3A = vector.shape_cast %mul3A_23 : vector<1024x512xf32> to vector<1x1024x512xf32>
    %reduce_sum3A_24 = arith.constant dense<0.000000e+00> : vector<1xf32>
    %reduce_sum3A_25 = vector.multi_reduction <add>, %reduce_sum3A, %reduce_sum3A_24 [1, 2] : vector<1x1024x512xf32> to vector<1xf32>
    %reduce_sum3A_26 = vector.shape_cast %reduce_sum3A_25 : vector<1xf32> to vector<1x1x1xf32>
    %reduce_sum3A_27 = vector.extract %reduce_sum3A_26[0, 0, 0] : f32 from vector<1x1x1xf32>
    %add3A_28 = arith.addf %get3A_22, %reduce_sum3A_27 : f32
    %swap3A = arith.constant 0 : index
    %swap3A_29 = memref.load %arg4[%swap3A] : memref<3xf32, #tpu.memory_space<smem>>
    memref.store %add3A_28, %arg4[%swap3A] : memref<3xf32, #tpu.memory_space<smem>>
    %get3A_30 = arith.constant 1 : index
    %get3A_31 = memref.load %arg4[%get3A_30] : memref<3xf32, #tpu.memory_space<smem>>
    %reduce_sum3A_32 = vector.shape_cast %add3A_20 : vector<1024x512xf32> to vector<1x1024x512xf32>
    %reduce_sum3A_33 = arith.constant dense<0.000000e+00> : vector<1xf32>
    %reduce_sum3A_34 = vector.multi_reduction <add>, %reduce_sum3A_32, %reduce_sum3A_33 [1, 2] : vector<1x1024x512xf32> to vector<1xf32>
    %reduce_sum3A_35 = vector.shape_cast %reduce_sum3A_34 : vector<1xf32> to vector<1x1x1xf32>
    %reduce_sum3A_36 = vector.extract %reduce_sum3A_35[0, 0, 0] : f32 from vector<1x1x1xf32>
    %add3A_37 = arith.addf %get3A_31, %reduce_sum3A_36 : f32
    %swap3A_38 = arith.constant 1 : index
    %swap3A_39 = memref.load %arg4[%swap3A_38] : memref<3xf32, #tpu.memory_space<smem>>
    memref.store %add3A_37, %arg4[%swap3A_38] : memref<3xf32, #tpu.memory_space<smem>>
    %get3A_40 = arith.constant 2 : index
    %get3A_41 = memref.load %arg4[%get3A_40] : memref<3xf32, #tpu.memory_space<smem>>
    %reduce_sum3A_42 = vector.shape_cast %get3A_6 : vector<1024x512xf32> to vector<1x1024x512xf32>
    %reduce_sum3A_43 = arith.constant dense<0.000000e+00> : vector<1xf32>
    %reduce_sum3A_44 = vector.multi_reduction <add>, %reduce_sum3A_42, %reduce_sum3A_43 [1, 2] : vector<1x1024x512xf32> to vector<1xf32>
    %reduce_sum3A_45 = vector.shape_cast %reduce_sum3A_44 : vector<1xf32> to vector<1x1x1xf32>
    %reduce_sum3A_46 = vector.extract %reduce_sum3A_45[0, 0, 0] : f32 from vector<1x1x1xf32>
    %add3A_47 = arith.addf %get3A_41, %reduce_sum3A_46 : f32
    %swap3A_48 = arith.constant 2 : index
    %swap3A_49 = memref.load %arg4[%swap3A_48] : memref<3xf32, #tpu.memory_space<smem>>
    memref.store %add3A_47, %arg4[%swap3A_48] : memref<3xf32, #tpu.memory_space<smem>>
    %eq3A_50 = arith.constant 7 : i32
    %eq3A_51 = arith.cmpi eq, %arg0, %eq3A_50 : i32
    %convert_element_type3A_52 = arith.extui %eq3A_51 : i1 to i32
    %cond3A_53 = arith.constant 0 : i32
    %cond3A_54 = arith.cmpi ne, %convert_element_type3A_52, %cond3A_53 : i32
    scf.if %cond3A_54 {
      %get3A_55 = arith.constant 0 : index
      %get3A_56 = memref.load %arg4[%get3A_55] : memref<3xf32, #tpu.memory_space<smem>>
      %swap3A_57 = arith.constant 0 : index
      %swap3A_58 = memref.load %arg3[%swap3A_57] : memref<3xf32, #tpu.memory_space<smem>>
      memref.store %get3A_56, %arg3[%swap3A_57] : memref<3xf32, #tpu.memory_space<smem>>
      %get3A_59 = arith.constant 1 : index
      %get3A_60 = memref.load %arg4[%get3A_59] : memref<3xf32, #tpu.memory_space<smem>>
      %swap3A_61 = arith.constant 1 : index
      %swap3A_62 = memref.load %arg3[%swap3A_61] : memref<3xf32, #tpu.memory_space<smem>>
      memref.store %get3A_60, %arg3[%swap3A_61] : memref<3xf32, #tpu.memory_space<smem>>
      %get3A_63 = arith.constant 2 : index
      %get3A_64 = memref.load %arg4[%get3A_63] : memref<3xf32, #tpu.memory_space<smem>>
      %swap3A_65 = arith.constant 2 : index
      %swap3A_66 = memref.load %arg3[%swap3A_65] : memref<3xf32, #tpu.memory_space<smem>>
      memref.store %get3A_64, %arg3[%swap3A_65] : memref<3xf32, #tpu.memory_space<smem>>
    } else {
    }
    return
  }
  func.func @transform_0(%arg0: i32) -> (i32, i32) {
    %c0_i32 = arith.constant 0 : i32
    %c0_i32_0 = arith.constant 0 : i32
    return %arg0, %c0_i32 : i32, i32
  }
  func.func @transform_1(%arg0: i32) -> (i32, i32) {
    %c0_i32 = arith.constant 0 : i32
    %c0_i32_0 = arith.constant 0 : i32
    return %arg0, %c0_i32 : i32, i32
  }
  func.func @transform_2(%arg0: i32) -> i32 {
    %c0_i32 = arith.constant 0 : i32
    %c0_i32_0 = arith.constant 0 : i32
    return %c0_i32 : i32
  }
}

</mosaic_0001>

<sc_bundles>
// kernel: kernel.4.cloned.1.call-start
scs
__scs_entry_jumppad:
0x0: {  	(pc) =	sbr.rel $0x88, $3  }
0x1: {  	(tag) =	ssettag $0x0;
	lr =	simm.s32 $0x1  }
0x2: {  	[smem:$0x3F9F] =	sst lr;
	_ =	strace $0xD0000000  }
0x3: {  	_ = 	snop  }
0x4: {  	_ = 	snop  }
0x5: {  	_ = 	snop  }
0x6: {  	_ = 	snop  }
0x7: {  	_ = 	snop  }
__scs_overlays_trampoline_lowered:
0x8: {  	[smem:$0x3FAE] =	sst s0  }
0x9: {  	[smem:$0x3FAF] =	sst s1  }
0xa: {  	[smem:$0x3FB0] =	sst s2  }
0xb: {  	[smem:$0x3FB1] =	sst s3  }
0xc: {  	[smem:$0x3FB2] =	sst s4  }
0xd: {  	[smem:$0x3FB3] =	sst s5  }
0xe: {  	[smem:$0x3FB4] =	sst s6  }
0xf: {  	[smem:$0x3FB5] =	sst s7  }
0x10: {  	[smem:$0x3FB6] =	sst s8  }
0x11: {  	[smem:$0x3FB7] =	sst s9;
	s0 =	simm.s32 @!p0 $0x0  }
0x12: {  	s1 =	sld [smem:$0x3F9D];
	s0 =	simm.s32 @p0 $0x1  }
0x13: {  	[smem:$0x3FB8] =	sst s0;
	s0 =	simm.s32 @!p1 $0x0  }
0x14: {  	s2 =	sld [smem:$0x3F9C];
	s0 =	simm.s32 @p1 $0x1  }
0x15: {  	[smem:$0x3FB9] =	sst s0;
	s0 =	simm.s32 @!p2 $0x0  }
0x16: {  	s3 =	sld [smem:$0x3FDB];
	s0 =	simm.s32 @p2 $0x1  }
0x17: {  	s4 =	simm.s32 $0x1BF5;
	[smem:$0x3FBB] =	sst s0  }
0x18: {  	s0 =	sld [smem:$0x3F9E];
	_ =	swait.ge [sflag:s4], $0x0  }
0x19: {  	s7 =	sld [smem:$0x3F9F]  }
0x1a: {  	s8 =	sadd.s32 $0xFFFFE003, lr  }
0x1b: {  	s9 =	sadd.s32 $0xFFFFFEF7, lr;
	s5 =	simm.s32 $0xFFFFFFFF;
	p2 =	slt.u32 s8, $0xFFFFF086  }
0x1c: {  	p1 =	slt.u32 s9, $0xF7A;
	s5 =	simm.s32 @!p2 $0x0  }
0x1d: {  	s5 =	simm.s32 @p1 $0x1;
	p0 =	seq.s32 s7, s2  }
0x1e: {  	s7 =	smul.u32 @!p0 $0xF7A, s2;
	p2 =	seq.s32 @!p0 s5, $0x0  }
0x1f: {  	s9 =	smul.u32 $0xF7A, s1;
	s8 =	simm.s32 @!p0 $0x1BF5;
	p2 =	por !p2, p0  }
0x20: {  	[sflag:s8] =	ssyncset.s32 @!p0 $0xFFFFF086;
	s6 =	sadd.s32 @!p0 s3, s7;
	s7 =	simm.s32 @!p0 $0x108  }
0x21: {  	s3 =	sadd.s32 s3, s9;
	s6 =	sadd.s32 @!p0 $0x88, s6;
	s7 =	simm.s32 @p2 $0x1082  }
0x22: {  	[simem:s7], [sflag:s8] =	dma.local @!p0 [hbm:s6], $0xF7A  }
0x23: {  	s9 =	sor.u32 $0xD0000000, s2;
	s6 =	simm.s32 $0x108;
	_ =	swait.ge @!p0 [sflag:s8], $0x0  }
0x24: {  	s3 =	sadd.s32 $0x88, s3;
	s6 =	simm.s32 @!p1 $0x1082;
	[sflag:s4] =	ssyncset.s32 $0xFFFFF086  }
0x25: {  	[simem:s6], [sflag:s4] =	dma.local [hbm:s3], $0xF7A  }
0x26: {  	[smem:$0x3F9F] =	sst s1;
	(tag) =	ssettag s2;
	_ =	strace s9  }
0x27: {  	s1 =	sld [smem:$0x3FAF]  }
0x28: {  	s2 =	sld [smem:$0x3FB0]  }
0x29: {  	s4 =	sld [smem:$0x3FB2]  }
0x2a: {  	p0 =	seq.s32 s5, $0x0;
	s5 =	sld [smem:$0x3FB3]  }
0x2b: {  	s6 =	sld [smem:$0x3FB4]  }
0x2c: {  	s7 =	sld [smem:$0x3FB5]  }
0x2d: {  	s3 =	simm.s32 $0x108;
	s8 =	sld [smem:$0x3FB6]  }
0x2e: {  	s3 =	simm.s32 @!p0 $0x1082;
	s9 =	sld [smem:$0x3FB7]  }
0x2f: {  	lr =	sadd.s32 s0, s3;
	s0 =	sld [smem:$0x3FAE]  }
0x30: {  	s3 =	sld [smem:$0x3FB1]  }
0x31: {  	[smem:$0x3FBA] =	sst s10  }
0x32: {  	s10 =	sld [smem:$0x3FB8];
	_ =	sdelay $0x3  }
0x33: {  	p0 =	seq.s32 s10, $0x1;
	s10 =	sld [smem:$0x3FBA];
	_ =	sdelay $0x3  }
0x34: {  	[smem:$0x3FBA] =	sst s10  }
0x35: {  	s10 =	sld [smem:$0x3FB9];
	_ =	sdelay $0x3  }
0x36: {  	p1 =	seq.s32 s10, $0x1;
	s10 =	sld [smem:$0x3FBA];
	_ =	sdelay $0x3  }
0x37: {  	[smem:$0x3FBA] =	sst s10  }
0x38: {  	s10 =	sld [smem:$0x3FBB]  }
0x39: {  	_ = 	snop;
	(pc) =	sbr.ind lr, $3  }
0x3a: {  	_ = 	snop  }
0x3b: {  	_ = 	snop  }
0x3c: {  	p2 =	seq.s32 s10, $0x1;
	s10 =	sld [smem:$0x3FBA]  }
0x3d: {  	_ =	shalt  }
0x3e: {  	_ =	shalt  }
0x3f: {  	_ =	shalt  }
0x40: {  	_ =	shalt  }
0x41: {  	_ =	shalt  }
0x42: {  	_ =	shalt  }
0x43: {  	_ =	shalt  }
0x44: {  	_ =	shalt  }
0x45: {  	_ =	shalt  }
0x46: {  	_ =	shalt  }
0x47: {  	_ =	shalt  }
0x48: {  	_ =	shalt  }
0x49: {  	_ =	shalt  }
0x4a: {  	_ =	shalt  }
0x4b: {  	_ =	shalt  }
0x4c: {  	_ =	shalt  }
0x4d: {  	_ =	shalt  }
0x4e: {  	_ =	shalt  }
0x4f: {  	_ =	shalt  }
0x50: {  	_ =	shalt  }
0x51: {  	_ =	shalt  }
0x52: {  	_ =	shalt  }
0x53: {  	_ =	shalt  }
0x54: {  	_ =	shalt  }
0x55: {  	_ =	shalt  }
0x56: {  	_ =	shalt  }
0x57: {  	_ =	shalt  }
0x58: {  	_ =	shalt  }
0x59: {  	_ =	shalt  }
0x5a: {  	_ =	shalt  }
0x5b: {  	_ =	shalt  }
0x5c: {  	_ =	shalt  }
0x5d: {  	_ =	shalt  }
0x5e: {  	_ =	shalt  }
0x5f: {  	_ =	shalt  }
0x60: {  	_ =	shalt  }
0x61: {  	_ =	shalt  }
0x62: {  	_ =	shalt  }
0x63: {  	_ =	shalt  }
0x64: {  	_ =	shalt  }
0x65: {  	_ =	shalt  }
0x66: {  	_ =	shalt  }
0x67: {  	_ =	shalt  }
0x68: {  	_ =	shalt  }
0x69: {  	_ =	shalt  }
0x6a: {  	_ =	shalt  }
0x6b: {  	_ =	shalt  }
0x6c: {  	_ =	shalt  }
0x6d: {  	_ =	shalt  }
0x6e: {  	_ =	shalt  }
0x6f: {  	_ =	shalt  }
0x70: {  	_ =	shalt  }
0x71: {  	_ =	shalt  }
0x72: {  	_ =	shalt  }
0x73: {  	_ =	shalt  }
0x74: {  	_ =	shalt  }
0x75: {  	_ =	shalt  }
0x76: {  	_ =	shalt  }
0x77: {  	_ =	shalt  }
0x78: {  	_ =	shalt  }
0x79: {  	_ =	shalt  }
0x7a: {  	_ =	shalt  }
0x7b: {  	_ =	shalt  }
0x7c: {  	_ =	shalt  }
0x7d: {  	_ =	shalt  }
0x7e: {  	_ =	shalt  }
0x7f: {  	_ =	shalt  }
0x80: {  	_ =	shalt  }
0x81: {  	_ =	shalt  }
0x82: {  	_ =	shalt  }
0x83: {  	_ =	shalt  }
0x84: {  	_ =	shalt  }
0x85: {  	_ =	shalt  }
0x86: {  	_ =	shalt  }
0x87: {  	_ =	shalt  }
.Lfunc_end0:
.L_simem_size_0:
called_computation.2_lowered:
.L_overlay_start_0:
0x88: {  	s2 =	sld [smem:$0x3FD9]  }
0x89: {  	s3 =	sld [smem:$0x3FFE];
	_ =	sdelay $0x1  }
0x8a: {  	s1 =	srdreg.scid  }
0x8b: {  	s0 =	sand.u32 $0x1, s1  }
0x8c: {  	s16 =	sshll.u32 s0, $0xA;
	s2 =	sadd.s32 s3, s2  }
0x8d: {  	s2 =	sadd.s32 s2, s16  }
0x8e: {  	[smem:$0x3FC6] =	sst s2  }
0x8f: {  	_ = 	snop  }
0x90: {  	(tm) =	ssettm $0x1  }
0x91: {  	s17 =	sld [smem:$0x3FFB];
	_ =	sdelay $0x3  }
0x92: {  	_ =	strace s17  }
0x93: {  	s2 =	sld [smem:$0x3FFC];
	_ =	sdelay $0x3  }
0x94: {  	_ =	strace s2  }
0x95: {  	s2 =	sld [smem:$0x3FFD];
	_ =	sdelay $0x3  }
0x96: {  	_ =	strace s2  }
0x97: {  	_ =	strace $0x8FFFFFFF  }
0x98: {  	s18 =	sld [smem:$0x3FDB];
	_ =	sdelay $0x1  }
0x99: {  	s19 =	simm.s32 $_scs_section_size  }
0x9a: {  	s4 =	simm.s32 $_size__tile_overlayer_lowered;
	s5 =	simm.s32 $_tile_overlayer_lowered  }
0x9b: {  	s22 =	simm.s32 $0x1BFF;
	s21 =	sshll.u32 s5, $0x1;
	s2 =	sadd.s32 s19, s18  }
0x9c: {  	s6 =	simm.s32 $0x0;
	s20 =	sshll.u32 s4, $0x1;
	s4 =	sadd.s32 s21, s2  }
0x9d: {  	[timem:s6], [sflag:s22] =	dma.local [hbm:s4], s20  }
0x9e: {  	_ =	swait.ge [sflag:s22], s20  }
0x9f: {  	s3 =	ssub.s32 $0x0, s20;
	[sflag:s22] =	ssyncset.done $0x0  }
0xa0: {  	[sflag:s22] =	ssyncadd.s32 s3;
	_ =	sdelay $0x1  }
0xa1: {  	s23 =	simm.s32 $0x1B8B  }
0xa2: {  	_ =	swait.ge [sflag:s23], $0x1  }
0xa3: {  	[sflag:s23] =	ssyncset.done $0x0  }
0xa4: {  	s25 =	simm.s32 $0x1B8E;
	s24 =	sld [smem:$0x3FFE];
	[sflag:s23] =	ssyncadd.s32 $0xFFFFFFFF  }
0xa5: {  	s26 =	simm.s32 $execute0_lowered;
	[smem:$0x3FD2] =	sst s25  }
0xa6: {  	s4 =	sshll.u32 s26, $0x1;
	_ =	strace $0x8000004C;
	[dreg:$0x1] =	wrdreg $0xFFFFFFFF  }
0xa7: {  	s28 =	simm.s32 $_size_execute0_lowered;
	s2 =	sadd.s32 s2, s4;
	[dreg:$0x0] =	wrdreg $0x0  }
0xa8: {  	s4 =	sshll.u32 s28, $0x1;
	[dreg:$0x2] =	wrdreg s2  }
0xa9: {  	[dreg:$0x3] =	wrdreg s4  }
0xaa: {  	[dreg:$0x4] =	wrdreg $0xC0  }
0xab: {  	_ =	task [dreg:s6], $0x5FFFF  }
0xac: {  	[dreg:$0x1] =	wrdreg $0xFFFFFFFF  }
0xad: {  	[dreg:$0x0] =	wrdreg $0x60  }
0xae: {  	[dreg:$0x2] =	wrdreg s24  }
0xaf: {  	[dreg:$0x3] =	wrdreg $0x9  }
0xb0: {  	_ =	task.clear_ibuf [dreg:s6], $0x4FFFF;
	_ =	strace $0x9000004C  }
0xb1: {  	s29 =	simm.s32 $0x9;
	_ =	strace $0x8000004E  }
0xb2: {  	_ =	swait.ge [sflag:s29], $0x1  }
0xb3: {  	[sflag:s29] =	ssyncadd.s32 $0xFFFFFFFF  }
0xb4: {  	_ =	strace $0x9000004E  }
0xb5: {  	_ =	sfence  }
0xb6: {  	s30 =	sld [smem:$0x0];
	_ =	sdelay $0x2  }
0xb7: {  	s31 =	sshll.u32 s1, $0xD;
	s1 =	sshrl.u32 s1, $0x2  }
0xb8: {  	s3 =	sand.u32 $0x4000, s31;
	s1 =	sadd.s32 s1, s30  }
0xb9: {  	s0 =	sor.u32 s3, s0;
	s1 =	sshll.u32 s1, $0x11  }
0xba: {  	s0 =	sor.u32 s1, s0  }
0xbb: {  	s0 =	sadd.s32 $0x8F2B, s0  }
0xbc: {  	[sflag:s0] =	ssyncadd.remote.s32 $0x1  }
0xbd: {  	_ =	sfence.sel $0xFFFF  }
0xbe: {  	[dreg:$0x0] =	wrdreg $0xFFFFFFFF;
	(pc) =	sbr.abs _section_cstart, $3  }
0xbf: {  	[dreg:$0x1] =	wrdreg $0xFFFFFFFF  }
0xc0: {  	_ =	task.clear_ibuf [dreg:s6], $0x2FFFF;
	_ =	strace $0x9FFFFFFF  }
0xc1: {  	(tm) =	ssettm $0x7FFFFFFF  }
tec
execute0_lowered:
.L_overlay_start_1:
0x0: {  	(tag) =	ssettag $0x1  }
0x1: {  	s1 =	rddreg [dreg:$0x0]  }
0x2: {  	s0 =	rddreg [dreg:$0x1];
	s3 =	simm.s32 $0x0  }
0x3: {  	s4 =	srdreg.scid;
	s2 =	stileid.u32;
	s13 =	simm.s32 $0x8000  }
0x4: {  	s14 =	simm.s32 $0x4000;
	s15 =	simm.s32 $0xC000;
	s16 =	simm.s32 $0x1  }
0x5: {  	s17 =	simm.s32 $0x2;
	s18 =	simm.s32 $0x10000;
	s19 =	simm.s32 $0x3  }
0x6: {  	s20 =	simm.s32 $0x0;
	s5 =	sand.u32 $0x1, s4;
	s6 =	sshll.u32 s2, $0x1  }
0x7: {  	[smem:$0x7FF] =	sst s3;
	s4 =	sadd.s32 $0x100000, s1;
	s6 =	sor.u32 s5, s6  }
0x8: {  	_ =	strace $0x8000004D;
	s5 =	ssub.s32 $0x2, s5;
	s7 =	sshll.u32 s6, $0x6  }
0x9: {  	s8 =	sshrl.u32 s5, $0x1;
	s9 =	sshll.u32 s6, $0xE;
	s10 =	sshll.u32 s6, $0x11  }
0xa: {  	s11 =	sadd.s32 s7, s1;
	s12 =	ssub.s32 s5, s8;
	s30 =	sor.u32 $0x80000, s9  }
0xb: {  	s31 =	sor.u32 $0x80800, s9;
	s9 =	sor.u32 $0x408000, s10;
	s10 =	sor.u32 $0x40C000, s10  }
0xc: {  	s5 =	sadd.s32 s1, s30;
	s6 =	sadd.s32 s4, s30;
	s7 =	sadd.s32 s1, s31  }
0xd: {  	s8 =	sadd.s32 s4, s31;
	s11 =	sadd.s32 $0x200000, s11;
	s12 =	smax.u32 s12, $0x1  }
.LBB2_1:
0xe: {  	[tilespmem:s3], [sflag:$0x1] =	stream.linear.gather [hbm4b:s5+s3], $0x4000, $0x38;
	[tilespmem:$0x10200] =	vst v63  }
0xf: {  	_ = 	snop  }
0x10: {  	[tilespmem:s13], [sflag:$0x1] =	stream.linear.gather [hbm4b:s6+s3], $0x4000, $0x38;
	[tilespmem:$0x10200] =	vst v63  }
0x11: {  	_ = 	snop  }
0x12: {  	[tilespmem:s14], [sflag:$0x2] =	stream.linear.gather [hbm4b:s7+s3], $0x4000, $0x38;
	[tilespmem:$0x10200] =	vst v63  }
0x13: {  	s21 =	simm.s32 $0x0  }
0x14: {  	v0 =	vimm.f32 $0.0e+00;
	v1 =	vimm.f32 $0.0e+00;
	v2 =	vimm.f32 $0.0e+00;
	[tilespmem:s15], [sflag:$0x2] =	stream.linear.gather [hbm4b:s8+s3], $0x4000, $0x38;
	[tilespmem:$0x10200] =	vst v63  }
.LBB2_2:
0x15: {  	_ =	swait.ge [sflag:s16], $0x4000  }
0x16: {  	[sflag:s16] =	ssyncset.done $0x0  }
0x17: {  	[sflag:s16] =	ssyncadd.s32 $0xFFFFC000  }
0x18: {  	_ =	swait.ge [sflag:s16], $0x4000  }
0x19: {  	[sflag:s16] =	ssyncset.done $0x0  }
0x1a: {  	s22 =	simm.s32 $0x0;
	[sflag:s16] =	ssyncadd.s32 $0xFFFFC000  }
0x1b: {  	v8 =	vld [tilespmem:s22+$0x70]  }
0x1c: {  	v3 =	vld [tilespmem:s22+$0x8070]  }
0x1d: {  	v4 =	vld [tilespmem:s22+$0x8060]  }
0x1e: {  	v20 =	vld [tilespmem:s22+$0x60]  }
0x1f: {  	v15 =	vld [tilespmem:s22+$0x50]  }
0x20: {  	v19 =	vld [tilespmem:s22+$0x40]  }
0x21: {  	v21 =	vld [tilespmem:s22+$0x30]  }
0x22: {  	v14 =	vld [tilespmem:s22+$0x20]  }
0x23: {  	v22 =	vld [tilespmem:s22+$0x10]  }
0x24: {  	v16 =	vld [tilespmem:s22+$0x0];
	v5 =	vand.u32 $0x7FFFFFFF, v8  }
0x25: {  	v18 =	vmul.f32 v3, v8;
	v17 =	vmul.f32 v4, v20;
	v6 =	vand.u32 $0x7FFFFFFF, v20  }
0x26: {  	v7 =	vand.u32 $0x7FFFFFFF, v15;
	v10 =	vand.u32 $0x7FFFFFFF, v19;
	v5 =	vsub.f32 $0.0e+00, v5  }
0x27: {  	v11 =	vand.u32 $0x7FFFFFFF, v21;
	v12 =	vand.u32 $0x7FFFFFFF, v14;
	v6 =	vsub.f32 $0.0e+00, v6  }
0x28: {  	v13 =	vand.u32 $0x7FFFFFFF, v22;
	v7 =	vsub.f32 $0.0e+00, v7;
	v23 =	vmul.f32 $1.442695020e+00, v5  }
0x29: {  	v9 =	vand.u32 $0x7FFFFFFF, v16;
	v10 =	vsub.f32 $0.0e+00, v10;
	v24 =	vmul.f32 $1.442695020e+00, v6  }
0x2a: {  	v25 =	vsub.f32 $0.0e+00, v11;
	v5 =	vld [tilespmem:s22+$0x8050];
	v26 =	vmul.f32 $1.442695020e+00, v7;
	(erf) = vpow2.f32 v23  }
0x2b: {  	v11 =	vsub.f32 $0.0e+00, v12;
	v6 =	vld [tilespmem:s22+$0x8040];
	v12 =	vmul.f32 $1.442695020e+00, v10;
	(erf) = vpow2.f32 v24  }
0x2c: {  	s23 =	simm.s32 $0x200;
	v13 =	vsub.f32 $0.0e+00, v13;
	v7 =	vld [tilespmem:s22+$0x8030];
	v23 =	vmul.f32 $1.442695020e+00, v25;
	(erf) = vpow2.f32 v26  }
.LBB2_3:
0x2d: {  	s24 =	sshra.s32 s23, $0x2;
	p0 =	sne.s32 s23, $0xFE00;
	v9 =	vsub.f32 $0.0e+00, v9;
	v10 =	vld [tilespmem:s22+$0x8020];
	v11 =	vmul.f32 $1.442695020e+00, v11;
	(erf) = vpow2.f32 v12  }
0x2e: {  	v24 =	vmax.f32 v8, $0.0e+00;
	v13 =	vmul.f32 $1.442695020e+00, v13;
	v8 =	vld [tilespmem:s24+$0x70];
	(erf) = vpow2.f32 v23  }
0x2f: {  	v23 =	vmax.f32 v20, $0.0e+00;
	v9 =	vmul.f32 $1.442695020e+00, v9;
	v12 =	vld [tilespmem:s22+$0x8010];
	(erf) = vpow2.f32 v11  }
0x30: {  	v25 =	vmax.f32 v15, $0.0e+00;
	v26 =	vmul.f32 v5, v15;
	(erf) = vpow2.f32 v13  }
0x31: {  	v27 =	vmax.f32 v19, $0.0e+00;
	v19 =	vmul.f32 v6, v19;
	v15 =	vld [tilespmem:s22+$0x8000];
	(erf) = vpow2.f32 v9;
	s22 =	smov.u32 s24  }
0x32: {  	v28 =	vmax.f32 v14, $0.0e+00;
	v29 =	vmax.f32 v21, $0.0e+00;
	v30 =	vmul.f32 v7, v21  }
0x33: {  	v31 =	vmax.f32 v22, $0.0e+00;
	v32 =	vmul.f32 v10, v14;
	v9 =	vand.u32 $0x7FFFFFFF, v8;
	v20 =	vpop (erf)  }
0x34: {  	v11 =	vsub.f32 v24, v18;
	v9 =	vsub.f32 $0.0e+00, v9;
	v33 =	vmul.f32 v12, v22;
	v21 =	vpop (erf)  }
0x35: {  	v34 =	vmax.f32 v16, $0.0e+00;
	v13 =	vsub.f32 v23, v17;
	v14 =	vsub.f32 v25, v26;
	v22 =	vpop (erf)  }
0x36: {  	v17 =	vsub.f32 v29, v30;
	v26 =	vmul.f32 v15, v16;
	v16 =	vsub.f32 v27, v19;
	v24 =	vpop (erf)  }
0x37: {  	v18 =	vsub.f32 v28, v32;
	v29 =	vmul.f32 $6.074752660e-03, v20;
	v36 =	vmul.f32 $6.074752660e-03, v21;
	v23 =	vpop (erf)  }
0x38: {  	v19 =	vsub.f32 v31, v33;
	v31 =	vmul.f32 $6.074752660e-03, v22;
	v30 =	vmul.f32 $6.074752660e-03, v24;
	v25 =	vpop (erf)  }
0x39: {  	v26 =	vsub.f32 v34, v26;
	v33 =	vmul.f32 $6.074752660e-03, v23;
	v32 =	vmul.f32 $6.074752660e-03, v25;
	v27 =	vpop (erf)  }
0x3a: {  	v29 =	vsub.f32 $3.441791240e-02, v29;
	v35 =	vsub.f32 $3.441791240e-02, v36;
	v34 =	vmul.f32 $6.074752660e-03, v27;
	v28 =	vpop (erf)  }
0x3b: {  	v31 =	vsub.f32 $3.441791240e-02, v31;
	v30 =	vsub.f32 $3.441791240e-02, v30;
	v36 =	vmul.f32 $6.074752660e-03, v28  }
0x3c: {  	v29 =	vmul.f32 v29, v20;
	v33 =	vsub.f32 $3.441791240e-02, v33;
	v32 =	vsub.f32 $3.441791240e-02, v32  }
0x3d: {  	v35 =	vmul.f32 v35, v21;
	v31 =	vmul.f32 v31, v22;
	v34 =	vsub.f32 $3.441791240e-02, v34  }
0x3e: {  	v30 =	vmul.f32 v30, v24;
	v33 =	vmul.f32 v33, v23;
	v36 =	vsub.f32 $3.441791240e-02, v36  }
0x3f: {  	v29 =	vadd.f32 $-9.231230610e-02, v29;
	v35 =	vadd.f32 $-9.231230610e-02, v35;
	v32 =	vmul.f32 v32, v25  }
0x40: {  	v31 =	vadd.f32 $-9.231230610e-02, v31;
	v30 =	vadd.f32 $-9.231230610e-02, v30;
	v34 =	vmul.f32 v34, v27  }
0x41: {  	v33 =	vadd.f32 $-9.231230610e-02, v33;
	v36 =	vmul.f32 v36, v28;
	v32 =	vadd.f32 $-9.231230610e-02, v32  }
0x42: {  	v29 =	vmul.f32 v29, v20;
	v35 =	vmul.f32 v35, v21;
	v34 =	vadd.f32 $-9.231230610e-02, v34  }
0x43: {  	v31 =	vmul.f32 v31, v22;
	v30 =	vmul.f32 v30, v24;
	v36 =	vadd.f32 $-9.231230610e-02, v36  }
0x44: {  	v29 =	vadd.f32 $1.647818830e-01, v29;
	v33 =	vmul.f32 v33, v23;
	v32 =	vmul.f32 v32, v25  }
0x45: {  	v35 =	vadd.f32 $1.647818830e-01, v35;
	v31 =	vadd.f32 $1.647818830e-01, v31;
	v34 =	vmul.f32 v34, v27  }
0x46: {  	v30 =	vadd.f32 $1.647818830e-01, v30;
	v33 =	vadd.f32 $1.647818830e-01, v33;
	v36 =	vmul.f32 v36, v28  }
0x47: {  	v29 =	vmul.f32 v29, v20;
	v35 =	vmul.f32 v35, v21;
	v32 =	vadd.f32 $1.647818830e-01, v32  }
0x48: {  	v31 =	vmul.f32 v31, v22;
	v30 =	vmul.f32 v30, v24;
	v34 =	vadd.f32 $1.647818830e-01, v34  }
0x49: {  	v33 =	vmul.f32 v33, v23;
	v36 =	vadd.f32 $1.647818830e-01, v36;
	v32 =	vmul.f32 v32, v25  }
0x4a: {  	v29 =	vadd.f32 $-2.391897290e-01, v29;
	v35 =	vadd.f32 $-2.391897290e-01, v35;
	v34 =	vmul.f32 v34, v27  }
0x4b: {  	v31 =	vadd.f32 $-2.391897290e-01, v31;
	v30 =	vadd.f32 $-2.391897290e-01, v30;
	v36 =	vmul.f32 v36, v28  }
0x4c: {  	v29 =	vmul.f32 v29, v20;
	v33 =	vadd.f32 $-2.391897290e-01, v33;
	v32 =	vadd.f32 $-2.391897290e-01, v32  }
0x4d: {  	v35 =	vmul.f32 v35, v21;
	v31 =	vmul.f32 v31, v22;
	v34 =	vadd.f32 $-2.391897290e-01, v34  }
0x4e: {  	v30 =	vmul.f32 v30, v24;
	v33 =	vmul.f32 v33, v23;
	v36 =	vadd.f32 $-2.391897290e-01, v36  }
0x4f: {  	v29 =	vadd.f32 $3.313336670e-01, v29;
	v35 =	vadd.f32 $3.313336670e-01, v35;
	v32 =	vmul.f32 v32, v25  }
0x50: {  	v31 =	vadd.f32 $3.313336670e-01, v31;
	v30 =	vadd.f32 $3.313336670e-01, v30;
	v36 =	vmul.f32 v36, v28  }
0x51: {  	v34 =	vmul.f32 v34, v27;
	v33 =	vadd.f32 $3.313336670e-01, v33;
	v32 =	vadd.f32 $3.313336670e-01, v32  }
0x52: {  	v29 =	vmul.f32 v29, v20;
	v35 =	vmul.f32 v35, v21;
	v36 =	vadd.f32 $3.313336670e-01, v36  }
0x53: {  	v31 =	vmul.f32 v31, v22;
	v30 =	vmul.f32 v30, v24;
	v34 =	vadd.f32 $3.313336670e-01, v34  }
0x54: {  	v29 =	vadd.f32 $-4.998010990e-01, v29;
	v33 =	vmul.f32 v33, v23;
	v36 =	vmul.f32 v36, v28  }
0x55: {  	v35 =	vadd.f32 $-4.998010990e-01, v35;
	v31 =	vadd.f32 $-4.998010990e-01, v31;
	v32 =	vmul.f32 v32, v25  }
0x56: {  	v30 =	vadd.f32 $-4.998010990e-01, v30;
	v34 =	vmul.f32 v34, v27;
	v36 =	vadd.f32 $-4.998010990e-01, v36  }
0x57: {  	v29 =	vmul.f32 v29, v20;
	v35 =	vmul.f32 v35, v21;
	v33 =	vadd.f32 $-4.998010990e-01, v33  }
0x58: {  	v31 =	vmul.f32 v31, v22;
	v34 =	vadd.f32 $-4.998010990e-01, v34;
	v36 =	vmul.f32 v36, v28  }
0x59: {  	v32 =	vadd.f32 $-4.998010990e-01, v32;
	v30 =	vmul.f32 v30, v24;
	v33 =	vmul.f32 v33, v23  }
0x5a: {  	v29 =	vadd.f32 $9.999914760e-01, v29;
	v34 =	vmul.f32 v34, v27;
	v36 =	vadd.f32 $9.999914760e-01, v36  }
0x5b: {  	v35 =	vadd.f32 $9.999914760e-01, v35;
	v31 =	vadd.f32 $9.999914760e-01, v31;
	v32 =	vmul.f32 v32, v25  }
0x5c: {  	v30 =	vadd.f32 $9.999914760e-01, v30;
	v34 =	vadd.f32 $9.999914760e-01, v34;
	v28 =	vmul.f32 v36, v28  }
0x5d: {  	v20 =	vmul.f32 v29, v20;
	v33 =	vadd.f32 $9.999914760e-01, v33;
	v32 =	vadd.f32 $9.999914760e-01, v32  }
0x5e: {  	v21 =	vmul.f32 v35, v21;
	v27 =	vmul.f32 v34, v27;
	v28 =	vadd.f32 $9.099033340e-08, v28  }
0x5f: {  	v22 =	vmul.f32 v31, v22;
	v29 =	vadd.f32 $9.099033340e-08, v20;
	v24 =	vmul.f32 v30, v24  }
0x60: {  	v25 =	vmul.f32 v32, v25;
	v27 =	vadd.f32 $9.099033340e-08, v27;
	v26 =	vadd.f32 v28, v26;
	v30 =	vld [tilespmem:s22+$0x8070]  }
0x61: {  	v31 =	vadd.f32 $9.099033340e-08, v21;
	v23 =	vmul.f32 v33, v23;
	v22 =	vadd.f32 $9.099033340e-08, v22;
	v28 =	vld [tilespmem:s22+$0x8060]  }
0x62: {  	v25 =	vadd.f32 $9.099033340e-08, v25;
	v19 =	vadd.f32 v27, v19;
	v21 =	vmul.f32 v26, v15;
	v20 =	vld [tilespmem:s22+$0x60]  }
0x63: {  	v24 =	vadd.f32 $9.099033340e-08, v24;
	v23 =	vadd.f32 $9.099033340e-08, v23  }
0x64: {  	v25 =	vadd.f32 v25, v18;
	v2 =	vadd.f32 v21, v2;
	v21 =	vmul.f32 v19, v12  }
0x65: {  	v0 =	vadd.f32 v15, v0;
	v1 =	vadd.f32 v26, v1;
	v18 =	vmul.f32 v30, v8  }
0x66: {  	v23 =	vadd.f32 v23, v17;
	v2 =	vadd.f32 v21, v2;
	v21 =	vmul.f32 v25, v10;
	v15 =	vld [tilespmem:s22+$0x50]  }
0x67: {  	v0 =	vadd.f32 v12, v0;
	v1 =	vadd.f32 v19, v1;
	v17 =	vmul.f32 v28, v20  }
0x68: {  	v16 =	vadd.f32 v24, v16;
	v12 =	vmul.f32 v23, v7;
	v2 =	vadd.f32 v21, v2;
	v19 =	vld [tilespmem:s22+$0x40]  }
0x69: {  	v0 =	vadd.f32 v10, v0;
	v1 =	vadd.f32 v25, v1;
	v24 =	vand.u32 $0x7FFFFFFF, v20  }
0x6a: {  	v10 =	vmul.f32 v16, v6;
	v2 =	vadd.f32 v12, v2;
	v12 =	vadd.f32 v22, v14;
	v21 =	vld [tilespmem:s22+$0x30]  }
0x6b: {  	v0 =	vadd.f32 v7, v0;
	v1 =	vadd.f32 v23, v1;
	v25 =	vand.u32 $0x7FFFFFFF, v15  }
0x6c: {  	v2 =	vadd.f32 v10, v2;
	v7 =	vmul.f32 v12, v5;
	v10 =	vadd.f32 v31, v13;
	v14 =	vld [tilespmem:s22+$0x20]  }
0x6d: {  	v0 =	vadd.f32 v6, v0;
	v1 =	vadd.f32 v16, v1;
	v22 =	vld [tilespmem:s22+$0x10];
	v13 =	vand.u32 $0x7FFFFFFF, v19  }
0x6e: {  	v2 =	vadd.f32 v7, v2;
	v6 =	vmul.f32 v10, v4;
	v7 =	vadd.f32 v29, v11  }
0x6f: {  	v0 =	vadd.f32 v5, v0;
	v1 =	vadd.f32 v12, v1;
	v16 =	vld [tilespmem:s22+$0x0];
	v11 =	vand.u32 $0x7FFFFFFF, v21  }
0x70: {  	v5 =	vsub.f32 $0.0e+00, v24;
	v2 =	vadd.f32 v6, v2;
	v6 =	vmul.f32 v7, v3  }
0x71: {  	v0 =	vadd.f32 v4, v0;
	v1 =	vadd.f32 v10, v1;
	v4 =	vmovc v28;
	v12 =	vand.u32 $0x7FFFFFFF, v14  }
0x72: {  	v23 =	vsub.f32 $0.0e+00, v25;
	v2 =	vadd.f32 v6, v2;
	v10 =	vand.u32 $0x7FFFFFFF, v22  }
.Ltmp0:
0x73: {  	v0 =	vadd.f32 v3, v0;
	v1 =	vadd.f32 v7, v1;
	v3 =	vmovc v30;
	v6 =	vmul.f32 $1.442695020e+00, v9;
	(pc) =	sbr.rel @p0 .LBB2_3-.Ltmp0, $4  }
0x74: {  	v7 =	vsub.f32 $0.0e+00, v13;
	v13 =	vmul.f32 $1.442695020e+00, v5;
	v9 =	vand.u32 $0x7FFFFFFF, v16  }
0x75: {  	v25 =	vmul.f32 $1.442695020e+00, v23;
	v24 =	vsub.f32 $0.0e+00, v11;
	v5 =	vld [tilespmem:s22+$0x8050];
	(erf) = vpow2.f32 v6  }
0x76: {  	v11 =	vsub.f32 $0.0e+00, v12;
	v12 =	vmul.f32 $1.442695020e+00, v7;
	v6 =	vld [tilespmem:s22+$0x8040];
	(erf) = vpow2.f32 v13  }
0x77: {  	s23 =	sadd.s32 $0x200, s23;
	v23 =	vmul.f32 $1.442695020e+00, v24;
	v13 =	vsub.f32 $0.0e+00, v10;
	v7 =	vld [tilespmem:s22+$0x8030];
	(erf) = vpow2.f32 v25  }
0x78: {  	v10 =	vsub.f32 $0.0e+00, v9;
	v24 =	vmul.f32 $1.442695020e+00, v11  }
0x79: {  	(erf) = vpow2.f32 v12;
	v8 =	vmax.f32 v8, $0.0e+00;
	v20 =	vmax.f32 v20, $0.0e+00  }
0x7a: {  	v9 =	vld [tilespmem:s22+$0x8020];
	v25 =	vmax.f32 v14, $0.0e+00;
	v12 =	vmul.f32 $1.442695020e+00, v13;
	(erf) = vpow2.f32 v23  }
0x7b: {  	v11 =	vld [tilespmem:s22+$0x8010];
	v26 =	vmax.f32 v21, $0.0e+00;
	v27 =	vmax.f32 v22, $0.0e+00;
	(erf) = vpow2.f32 v24  }
0x7c: {  	v29 =	vmax.f32 v16, $0.0e+00;
	v13 =	vld [tilespmem:s22+$0x8000];
	v10 =	vmul.f32 $1.442695020e+00, v10;
	(erf) = vpow2.f32 v12  }
0x7d: {  	v12 =	vmax.f32 v15, $0.0e+00;
	v15 =	vmul.f32 v5, v15;
	v47 =	vmul.f32 v6, v19  }
0x7e: {  	v23 =	vmax.f32 v19, $0.0e+00;
	(erf) = vpow2.f32 v10;
	v21 =	vmul.f32 v7, v21  }
0x7f: {  	v10 =	vsub.f32 v8, v18;
	v28 =	vmul.f32 v9, v14;
	v8 =	vsub.f32 v12, v15  }
0x80: {  	v22 =	vmul.f32 v11, v22;
	v12 =	vsub.f32 v20, v17;
	v14 =	vsub.f32 v23, v47;
	v19 =	vpop (erf)  }
0x81: {  	v30 =	vmul.f32 v13, v16;
	v15 =	vsub.f32 v26, v21;
	v0 =	vadd.f32 v13, v0;
	v18 =	vpop (erf)  }
0x82: {  	v16 =	vsub.f32 v25, v28;
	v49 =	vmul.f32 $6.074752660e-03, v19;
	v17 =	vsub.f32 v27, v22;
	v20 =	vpop (erf)  }
0x83: {  	v48 =	vmul.f32 $6.074752660e-03, v18;
	v52 =	vsub.f32 v29, v30;
	v0 =	vadd.f32 v11, v0;
	v23 =	vpop (erf)  }
0x84: {  	v50 =	vmul.f32 $6.074752660e-03, v20;
	v25 =	vsub.f32 $3.441791240e-02, v49;
	v21 =	vpop (erf);
	v22 =	vmul.f32 $6.074752660e-03, v23  }
0x85: {  	v24 =	vsub.f32 $3.441791240e-02, v48;
	v0 =	vadd.f32 v9, v0;
	v51 =	vpop (erf);
	v54 =	vmul.f32 $6.074752660e-03, v21  }
0x86: {  	v26 =	vsub.f32 $3.441791240e-02, v50;
	v25 =	vmul.f32 v25, v19;
	v53 =	vmul.f32 $6.074752660e-03, v51;
	v31 =	vpop (erf)  }
0x87: {  	v22 =	vsub.f32 $3.441791240e-02, v22;
	v24 =	vmul.f32 v24, v18;
	v32 =	vmul.f32 $6.074752660e-03, v31  }
0x88: {  	v33 =	vpop (erf);
	v30 =	vsub.f32 $3.441791240e-02, v54;
	v26 =	vmul.f32 v26, v20;
	v25 =	vadd.f32 $-9.231230610e-02, v25  }
0x89: {  	v34 =	vmul.f32 $6.074752660e-03, v33;
	v29 =	vsub.f32 $3.441791240e-02, v53;
	v22 =	vmul.f32 v22, v23  }
0x8a: {  	v24 =	vadd.f32 $-9.231230610e-02, v24;
	v32 =	vsub.f32 $3.441791240e-02, v32;
	v30 =	vmul.f32 v30, v21  }
0x8b: {  	v26 =	vadd.f32 $-9.231230610e-02, v26;
	v25 =	vmul.f32 v25, v19;
	v34 =	vsub.f32 $3.441791240e-02, v34  }
0x8c: {  	v29 =	vmul.f32 v29, v51;
	v22 =	vadd.f32 $-9.231230610e-02, v22;
	v24 =	vmul.f32 v24, v18  }
0x8d: {  	v32 =	vmul.f32 v32, v31;
	v30 =	vadd.f32 $-9.231230610e-02, v30;
	v26 =	vmul.f32 v26, v20  }
0x8e: {  	v25 =	vadd.f32 $1.647818830e-01, v25;
	v34 =	vmul.f32 v34, v33;
	v29 =	vadd.f32 $-9.231230610e-02, v29  }
0x8f: {  	v22 =	vmul.f32 v22, v23;
	v24 =	vadd.f32 $1.647818830e-01, v24;
	v32 =	vadd.f32 $-9.231230610e-02, v32  }
0x90: {  	v30 =	vmul.f32 v30, v21;
	v26 =	vadd.f32 $1.647818830e-01, v26;
	v25 =	vmul.f32 v25, v19  }
0x91: {  	v34 =	vadd.f32 $-9.231230610e-02, v34;
	v29 =	vmul.f32 v29, v51;
	v22 =	vadd.f32 $1.647818830e-01, v22  }
0x92: {  	v24 =	vmul.f32 v24, v18;
	v32 =	vmul.f32 v32, v31;
	v30 =	vadd.f32 $1.647818830e-01, v30  }
0x93: {  	v26 =	vmul.f32 v26, v20;
	v25 =	vadd.f32 $-2.391897290e-01, v25;
	v34 =	vmul.f32 v34, v33  }
0x94: {  	v29 =	vadd.f32 $1.647818830e-01, v29;
	v22 =	vmul.f32 v22, v23;
	v24 =	vadd.f32 $-2.391897290e-01, v24  }
0x95: {  	v32 =	vadd.f32 $1.647818830e-01, v32;
	v30 =	vmul.f32 v30, v21;
	v34 =	vadd.f32 $1.647818830e-01, v34  }
0x96: {  	v26 =	vadd.f32 $-2.391897290e-01, v26;
	v25 =	vmul.f32 v25, v19;
	v29 =	vmul.f32 v29, v51  }
0x97: {  	v22 =	vadd.f32 $-2.391897290e-01, v22;
	v24 =	vmul.f32 v24, v18;
	v34 =	vmul.f32 v34, v33  }
0x98: {  	v32 =	vmul.f32 v32, v31;
	v30 =	vadd.f32 $-2.391897290e-01, v30;
	v25 =	vadd.f32 $3.313336670e-01, v25  }
0x99: {  	v26 =	vmul.f32 v26, v20;
	v29 =	vadd.f32 $-2.391897290e-01, v29;
	v34 =	vadd.f32 $-2.391897290e-01, v34  }
0x9a: {  	v22 =	vmul.f32 v22, v23;
	v24 =	vadd.f32 $3.313336670e-01, v24;
	v32 =	vadd.f32 $-2.391897290e-01, v32  }
0x9b: {  	v30 =	vmul.f32 v30, v21;
	v26 =	vadd.f32 $3.313336670e-01, v26;
	v34 =	vmul.f32 v34, v33  }
0x9c: {  	v25 =	vmul.f32 v25, v19;
	v29 =	vmul.f32 v29, v51;
	v22 =	vadd.f32 $3.313336670e-01, v22  }
0x9d: {  	v24 =	vmul.f32 v24, v18;
	v32 =	vmul.f32 v32, v31;
	v34 =	vadd.f32 $3.313336670e-01, v34  }
0x9e: {  	v30 =	vadd.f32 $3.313336670e-01, v30;
	v26 =	vmul.f32 v26, v20;
	v25 =	vadd.f32 $-4.998010990e-01, v25  }
0x9f: {  	v29 =	vadd.f32 $3.313336670e-01, v29;
	v32 =	vadd.f32 $3.313336670e-01, v32;
	v34 =	vmul.f32 v34, v33  }
0xa0: {  	v22 =	vmul.f32 v22, v23;
	v24 =	vadd.f32 $-4.998010990e-01, v24;
	v30 =	vmul.f32 v30, v21  }
0xa1: {  	v26 =	vadd.f32 $-4.998010990e-01, v26;
	v32 =	vmul.f32 v32, v31;
	v34 =	vadd.f32 $-4.998010990e-01, v34  }
0xa2: {  	v25 =	vmul.f32 v25, v19;
	v29 =	vmul.f32 v29, v51;
	v22 =	vadd.f32 $-4.998010990e-01, v22  }
0xa3: {  	v24 =	vmul.f32 v24, v18;
	v32 =	vadd.f32 $-4.998010990e-01, v32;
	v34 =	vmul.f32 v34, v33  }
0xa4: {  	s22 =	sshll.u32 s21, $0xF;
	v30 =	vadd.f32 $-4.998010990e-01, v30;
	v26 =	vmul.f32 v26, v20;
	v25 =	vadd.f32 $9.999914760e-01, v25  }
0xa5: {  	s23 =	sadd.s32 s22, s9;
	v29 =	vadd.f32 $-4.998010990e-01, v29;
	v32 =	vmul.f32 v32, v31;
	v34 =	vadd.f32 $9.999914760e-01, v34  }
0xa6: {  	s23 =	sshrl.u32 s23, $0x3;
	v22 =	vmul.f32 v22, v23;
	v30 =	vmul.f32 v30, v21;
	v26 =	vadd.f32 $9.999914760e-01, v26  }
0xa7: {  	s25 =	simm.s32 $0x0;
	s24 =	sadd.s32 s1, s23;
	v29 =	vmul.f32 v29, v51;
	v32 =	vadd.f32 $9.999914760e-01, v32;
	v33 =	vmul.f32 v34, v33  }
0xa8: {  	[tilespmem:s25], [sflag:$0x1] =	stream.linear.gather [hbm4b:s24+s25], $0x4000, $0x38;
	v19 =	vmul.f32 v25, v19;
	v22 =	vadd.f32 $9.999914760e-01, v22;
	v30 =	vadd.f32 $9.999914760e-01, v30;
	[tilespmem:$0x10200] =	vst v63  }
0xa9: {  	v29 =	vadd.f32 $9.999914760e-01, v29;
	v31 =	vmul.f32 v32, v31;
	v55 =	vadd.f32 $9.099033340e-08, v33  }
0xaa: {  	s23 =	sadd.s32 s4, s23;
	v20 =	vmul.f32 v26, v20;
	v22 =	vmul.f32 v22, v23;
	v23 =	vadd.f32 $9.099033340e-08, v19  }
0xab: {  	[tilespmem:s13], [sflag:$0x1] =	stream.linear.gather [hbm4b:s23+s25], $0x4000, $0x38;
	v57 =	vmul.f32 v29, v51;
	v56 =	vadd.f32 $9.099033340e-08, v31;
	v19 =	vadd.f32 v55, v52;
	[tilespmem:$0x10200] =	vst v63  }
0xac: {  	v24 =	vadd.f32 $9.999914760e-01, v24;
	v21 =	vmul.f32 v30, v21;
	v20 =	vadd.f32 $9.099033340e-08, v20  }
0xad: {  	_ =	swait.ge [sflag:s17], $0x4000;
	v59 =	vadd.f32 $9.099033340e-08, v57;
	v17 =	vadd.f32 v56, v17;
	v58 =	vmul.f32 v19, v13  }
0xae: {  	[sflag:s17] =	ssyncset.done $0x0;
	v21 =	vadd.f32 $9.099033340e-08, v21;
	v1 =	vadd.f32 v19, v1  }
0xaf: {  	[sflag:s17] =	ssyncadd.s32 $0xFFFFC000;
	v16 =	vadd.f32 v59, v16;
	v60 =	vmul.f32 v17, v11;
	v2 =	vadd.f32 v58, v2  }
0xb0: {  	_ =	swait.ge [sflag:s17], $0x4000;
	v18 =	vmul.f32 v24, v18;
	v15 =	vadd.f32 v21, v15;
	v1 =	vadd.f32 v17, v1  }
0xb1: {  	[sflag:s17] =	ssyncset.done $0x0;
	v22 =	vadd.f32 $9.099033340e-08, v22;
	v13 =	vmul.f32 v16, v9;
	v2 =	vadd.f32 v60, v2  }
0xb2: {  	s23 =	simm.s32 $0x0;
	[sflag:s17] =	ssyncadd.s32 $0xFFFFC000;
	v11 =	vmul.f32 v15, v7;
	v7 =	vadd.f32 v7, v0;
	v1 =	vadd.f32 v16, v1  }
0xb3: {  	v0 =	vld [tilespmem:s23+$0xC070];
	v2 =	vadd.f32 v13, v2;
	v13 =	vadd.f32 v22, v14  }
0xb4: {  	v18 =	vadd.f32 $9.099033340e-08, v18;
	v19 =	vld [tilespmem:s23+$0x4060];
	v14 =	vadd.f32 v15, v1  }
0xb5: {  	v1 =	vld [tilespmem:s23+$0xC060];
	v2 =	vadd.f32 v11, v2;
	v9 =	vmul.f32 v13, v6;
	v11 =	vadd.f32 v20, v8  }
0xb6: {  	v16 =	vld [tilespmem:s23+$0x4030];
	v6 =	vadd.f32 v6, v7  }
0xb7: {  	v12 =	vadd.f32 v18, v12;
	v8 =	vld [tilespmem:s23+$0x4070];
	v2 =	vadd.f32 v9, v2;
	v9 =	vmul.f32 v11, v5  }
0xb8: {  	v13 =	vadd.f32 v13, v14;
	v5 =	vadd.f32 v5, v6  }
0xb9: {  	v7 =	vmul.f32 v12, v4;
	v14 =	vld [tilespmem:s23+$0x4020];
	v2 =	vadd.f32 v9, v2;
	v9 =	vadd.f32 v23, v10  }
0xba: {  	v15 =	vld [tilespmem:s23+$0x4050];
	v17 =	vmul.f32 v1, v19;
	v10 =	vadd.f32 v11, v13;
	v5 =	vadd.f32 v4, v5  }
0xbb: {  	v20 =	vld [tilespmem:s23+$0x4040];
	v11 =	vand.u32 $0x7FFFFFFF, v16;
	v2 =	vadd.f32 v7, v2;
	v6 =	vmul.f32 v9, v3  }
0xbc: {  	v18 =	vmul.f32 v0, v8;
	v62 =	vsub.f32 $0.0e+00, v11;
	v10 =	vadd.f32 v12, v10  }
0xbd: {  	v13 =	vld [tilespmem:s23+$0x4010];
	v5 =	vadd.f32 v3, v5;
	v7 =	vadd.f32 v6, v2;
	v2 =	vand.u32 $0x7FFFFFFF, v8  }
0xbe: {  	v23 =	vld [tilespmem:s23+$0x4000];
	v3 =	vand.u32 $0x7FFFFFFF, v19;
	v12 =	vand.u32 $0x7FFFFFFF, v14;
	v2 =	vsub.f32 $0.0e+00, v2  }
0xbf: {  	v3 =	vsub.f32 $0.0e+00, v3;
	v4 =	vadd.f32 v9, v10;
	v6 =	vand.u32 $0x7FFFFFFF, v15  }
0xc0: {  	v10 =	vand.u32 $0x7FFFFFFF, v20;
	v6 =	vsub.f32 $0.0e+00, v6;
	v22 =	vmul.f32 $1.442695020e+00, v2  }
0xc1: {  	v11 =	vsub.f32 $0.0e+00, v12;
	v10 =	vsub.f32 $0.0e+00, v10;
	v61 =	vmul.f32 $1.442695020e+00, v3  }
0xc2: {  	v21 =	vand.u32 $0x7FFFFFFF, v13;
	v3 =	vld [tilespmem:s23+$0xC040];
	v63 =	vmul.f32 $1.442695020e+00, v6;
	(erf) = vpow2.f32 v22  }
0xc3: {  	v9 =	vand.u32 $0x7FFFFFFF, v23;
	v2 =	vld [tilespmem:s23+$0xC050];
	v12 =	vmul.f32 $1.442695020e+00, v10;
	(erf) = vpow2.f32 v61  }
0xc4: {  	s24 =	simm.s32 $0x200;
	v21 =	vsub.f32 $0.0e+00, v21;
	v6 =	vld [tilespmem:s23+$0xC030];
	v22 =	vmul.f32 $1.442695020e+00, v62;
	(erf) = vpow2.f32 v63  }
.LBB2_5:
0xc5: {  	s25 =	sshra.s32 s24, $0x2;
	p0 =	sne.s32 s24, $0xFE00;
	v9 =	vsub.f32 $0.0e+00, v9;
	v10 =	vld [tilespmem:s23+$0xC020];
	v11 =	vmul.f32 $1.442695020e+00, v11;
	(erf) = vpow2.f32 v12  }
0xc6: {  	v24 =	vmax.f32 v8, $0.0e+00;
	v21 =	vmul.f32 $1.442695020e+00, v21;
	v8 =	vld [tilespmem:s25+$0x4070];
	(erf) = vpow2.f32 v22  }
0xc7: {  	v22 =	vmax.f32 v19, $0.0e+00;
	v9 =	vmul.f32 $1.442695020e+00, v9;
	v12 =	vld [tilespmem:s23+$0xC010];
	(erf) = vpow2.f32 v11  }
0xc8: {  	v25 =	vmax.f32 v15, $0.0e+00;
	v26 =	vmul.f32 v2, v15;
	(erf) = vpow2.f32 v21  }
0xc9: {  	v27 =	vmax.f32 v20, $0.0e+00;
	v20 =	vmul.f32 v3, v20;
	v15 =	vld [tilespmem:s23+$0xC000];
	(erf) = vpow2.f32 v9;
	s23 =	smov.u32 s25  }
0xca: {  	v28 =	vmax.f32 v14, $0.0e+00;
	v29 =	vmax.f32 v16, $0.0e+00;
	v16 =	vmul.f32 v6, v16  }
0xcb: {  	v30 =	vmax.f32 v13, $0.0e+00;
	v31 =	vmul.f32 v10, v14;
	v9 =	vand.u32 $0x7FFFFFFF, v8;
	v19 =	vpop (erf)  }
0xcc: {  	v11 =	vsub.f32 v24, v18;
	v9 =	vsub.f32 $0.0e+00, v9;
	v32 =	vmul.f32 v12, v13;
	v21 =	vpop (erf)  }
0xcd: {  	v33 =	vmax.f32 v23, $0.0e+00;
	v14 =	vsub.f32 v25, v26;
	v13 =	vsub.f32 v22, v17;
	v22 =	vpop (erf)  }
0xce: {  	v17 =	vsub.f32 v29, v16;
	v16 =	vsub.f32 v27, v20;
	v26 =	vmul.f32 v15, v23;
	v24 =	vpop (erf)  }
0xcf: {  	v18 =	vsub.f32 v28, v31;
	v29 =	vmul.f32 $6.074752660e-03, v19;
	v36 =	vmul.f32 $6.074752660e-03, v21;
	v23 =	vpop (erf)  }
0xd0: {  	v20 =	vsub.f32 v30, v32;
	v31 =	vmul.f32 $6.074752660e-03, v22;
	v30 =	vmul.f32 $6.074752660e-03, v24;
	v25 =	vpop (erf)  }
0xd1: {  	v26 =	vsub.f32 v33, v26;
	v33 =	vmul.f32 $6.074752660e-03, v23;
	v32 =	vmul.f32 $6.074752660e-03, v25;
	v27 =	vpop (erf)  }
0xd2: {  	v29 =	vsub.f32 $3.441791240e-02, v29;
	v35 =	vsub.f32 $3.441791240e-02, v36;
	v34 =	vmul.f32 $6.074752660e-03, v27;
	v28 =	vpop (erf)  }
0xd3: {  	v31 =	vsub.f32 $3.441791240e-02, v31;
	v30 =	vsub.f32 $3.441791240e-02, v30;
	v36 =	vmul.f32 $6.074752660e-03, v28  }
0xd4: {  	v29 =	vmul.f32 v29, v19;
	v33 =	vsub.f32 $3.441791240e-02, v33;
	v32 =	vsub.f32 $3.441791240e-02, v32  }
0xd5: {  	v35 =	vmul.f32 v35, v21;
	v31 =	vmul.f32 v31, v22;
	v34 =	vsub.f32 $3.441791240e-02, v34  }
0xd6: {  	v30 =	vmul.f32 v30, v24;
	v33 =	vmul.f32 v33, v23;
	v36 =	vsub.f32 $3.441791240e-02, v36  }
0xd7: {  	v29 =	vadd.f32 $-9.231230610e-02, v29;
	v35 =	vadd.f32 $-9.231230610e-02, v35;
	v32 =	vmul.f32 v32, v25  }
0xd8: {  	v31 =	vadd.f32 $-9.231230610e-02, v31;
	v30 =	vadd.f32 $-9.231230610e-02, v30;
	v34 =	vmul.f32 v34, v27  }
0xd9: {  	v33 =	vadd.f32 $-9.231230610e-02, v33;
	v36 =	vmul.f32 v36, v28;
	v32 =	vadd.f32 $-9.231230610e-02, v32  }
0xda: {  	v29 =	vmul.f32 v29, v19;
	v35 =	vmul.f32 v35, v21;
	v34 =	vadd.f32 $-9.231230610e-02, v34  }
0xdb: {  	v31 =	vmul.f32 v31, v22;
	v30 =	vmul.f32 v30, v24;
	v36 =	vadd.f32 $-9.231230610e-02, v36  }
0xdc: {  	v29 =	vadd.f32 $1.647818830e-01, v29;
	v33 =	vmul.f32 v33, v23;
	v32 =	vmul.f32 v32, v25  }
0xdd: {  	v35 =	vadd.f32 $1.647818830e-01, v35;
	v31 =	vadd.f32 $1.647818830e-01, v31;
	v34 =	vmul.f32 v34, v27  }
0xde: {  	v30 =	vadd.f32 $1.647818830e-01, v30;
	v33 =	vadd.f32 $1.647818830e-01, v33;
	v36 =	vmul.f32 v36, v28  }
0xdf: {  	v29 =	vmul.f32 v29, v19;
	v35 =	vmul.f32 v35, v21;
	v32 =	vadd.f32 $1.647818830e-01, v32  }
0xe0: {  	v31 =	vmul.f32 v31, v22;
	v30 =	vmul.f32 v30, v24;
	v34 =	vadd.f32 $1.647818830e-01, v34  }
0xe1: {  	v33 =	vmul.f32 v33, v23;
	v36 =	vadd.f32 $1.647818830e-01, v36;
	v32 =	vmul.f32 v32, v25  }
0xe2: {  	v29 =	vadd.f32 $-2.391897290e-01, v29;
	v35 =	vadd.f32 $-2.391897290e-01, v35;
	v34 =	vmul.f32 v34, v27  }
0xe3: {  	v31 =	vadd.f32 $-2.391897290e-01, v31;
	v30 =	vadd.f32 $-2.391897290e-01, v30;
	v36 =	vmul.f32 v36, v28  }
0xe4: {  	v29 =	vmul.f32 v29, v19;
	v33 =	vadd.f32 $-2.391897290e-01, v33;
	v32 =	vadd.f32 $-2.391897290e-01, v32  }
0xe5: {  	v35 =	vmul.f32 v35, v21;
	v31 =	vmul.f32 v31, v22;
	v34 =	vadd.f32 $-2.391897290e-01, v34  }
0xe6: {  	v30 =	vmul.f32 v30, v24;
	v33 =	vmul.f32 v33, v23;
	v36 =	vadd.f32 $-2.391897290e-01, v36  }
0xe7: {  	v29 =	vadd.f32 $3.313336670e-01, v29;
	v35 =	vadd.f32 $3.313336670e-01, v35;
	v32 =	vmul.f32 v32, v25  }
0xe8: {  	v31 =	vadd.f32 $3.313336670e-01, v31;
	v30 =	vadd.f32 $3.313336670e-01, v30;
	v36 =	vmul.f32 v36, v28  }
0xe9: {  	v34 =	vmul.f32 v34, v27;
	v33 =	vadd.f32 $3.313336670e-01, v33;
	v32 =	vadd.f32 $3.313336670e-01, v32  }
0xea: {  	v29 =	vmul.f32 v29, v19;
	v35 =	vmul.f32 v35, v21;
	v36 =	vadd.f32 $3.313336670e-01, v36  }
0xeb: {  	v31 =	vmul.f32 v31, v22;
	v30 =	vmul.f32 v30, v24;
	v34 =	vadd.f32 $3.313336670e-01, v34  }
0xec: {  	v29 =	vadd.f32 $-4.998010990e-01, v29;
	v33 =	vmul.f32 v33, v23;
	v36 =	vmul.f32 v36, v28  }
0xed: {  	v35 =	vadd.f32 $-4.998010990e-01, v35;
	v31 =	vadd.f32 $-4.998010990e-01, v31;
	v32 =	vmul.f32 v32, v25  }
0xee: {  	v30 =	vadd.f32 $-4.998010990e-01, v30;
	v34 =	vmul.f32 v34, v27;
	v36 =	vadd.f32 $-4.998010990e-01, v36  }
0xef: {  	v29 =	vmul.f32 v29, v19;
	v35 =	vmul.f32 v35, v21;
	v33 =	vadd.f32 $-4.998010990e-01, v33  }
0xf0: {  	v31 =	vmul.f32 v31, v22;
	v34 =	vadd.f32 $-4.998010990e-01, v34;
	v36 =	vmul.f32 v36, v28  }
0xf1: {  	v32 =	vadd.f32 $-4.998010990e-01, v32;
	v30 =	vmul.f32 v30, v24;
	v33 =	vmul.f32 v33, v23  }
0xf2: {  	v29 =	vadd.f32 $9.999914760e-01, v29;
	v34 =	vmul.f32 v34, v27;
	v36 =	vadd.f32 $9.999914760e-01, v36  }
0xf3: {  	v35 =	vadd.f32 $9.999914760e-01, v35;
	v31 =	vadd.f32 $9.999914760e-01, v31;
	v32 =	vmul.f32 v32, v25  }
0xf4: {  	v30 =	vadd.f32 $9.999914760e-01, v30;
	v34 =	vadd.f32 $9.999914760e-01, v34;
	v28 =	vmul.f32 v36, v28  }
0xf5: {  	v19 =	vmul.f32 v29, v19;
	v33 =	vadd.f32 $9.999914760e-01, v33;
	v32 =	vadd.f32 $9.999914760e-01, v32  }
0xf6: {  	v21 =	vmul.f32 v35, v21;
	v27 =	vmul.f32 v34, v27;
	v28 =	vadd.f32 $9.099033340e-08, v28  }
0xf7: {  	v22 =	vmul.f32 v31, v22;
	v29 =	vadd.f32 $9.099033340e-08, v19;
	v24 =	vmul.f32 v30, v24  }
0xf8: {  	v25 =	vmul.f32 v32, v25;
	v27 =	vadd.f32 $9.099033340e-08, v27;
	v26 =	vadd.f32 v28, v26;
	v30 =	vld [tilespmem:s23+$0xC070]  }
0xf9: {  	v21 =	vadd.f32 $9.099033340e-08, v21;
	v23 =	vmul.f32 v33, v23;
	v22 =	vadd.f32 $9.099033340e-08, v22;
	v28 =	vld [tilespmem:s23+$0xC060]  }
0xfa: {  	v25 =	vadd.f32 $9.099033340e-08, v25;
	v20 =	vadd.f32 v27, v20;
	v31 =	vmul.f32 v26, v15;
	v19 =	vld [tilespmem:s23+$0x4060]  }
0xfb: {  	v24 =	vadd.f32 $9.099033340e-08, v24;
	v23 =	vadd.f32 $9.099033340e-08, v23  }
0xfc: {  	v25 =	vadd.f32 v25, v18;
	v27 =	vmul.f32 v20, v12;
	v7 =	vadd.f32 v31, v7  }
0xfd: {  	v5 =	vadd.f32 v15, v5;
	v4 =	vadd.f32 v26, v4;
	v18 =	vmul.f32 v30, v8  }
0xfe: {  	v23 =	vadd.f32 v23, v17;
	v26 =	vmul.f32 v25, v10;
	v7 =	vadd.f32 v27, v7;
	v15 =	vld [tilespmem:s23+$0x4050]  }
0xff: {  	v5 =	vadd.f32 v12, v5;
	v4 =	vadd.f32 v20, v4;
	v17 =	vmul.f32 v28, v19  }
0x100: {  	v24 =	vadd.f32 v24, v16;
	v12 =	vmul.f32 v23, v6;
	v7 =	vadd.f32 v26, v7;
	v20 =	vld [tilespmem:s23+$0x4040]  }
0x101: {  	v5 =	vadd.f32 v10, v5;
	v4 =	vadd.f32 v25, v4;
	v26 =	vand.u32 $0x7FFFFFFF, v19  }
0x102: {  	v10 =	vmul.f32 v24, v3;
	v7 =	vadd.f32 v12, v7;
	v12 =	vadd.f32 v22, v14;
	v16 =	vld [tilespmem:s23+$0x4030]  }
0x103: {  	v5 =	vadd.f32 v6, v5;
	v4 =	vadd.f32 v23, v4;
	v22 =	vand.u32 $0x7FFFFFFF, v15  }
0x104: {  	v6 =	vadd.f32 v10, v7;
	v7 =	vmul.f32 v12, v2;
	v10 =	vadd.f32 v21, v13;
	v14 =	vld [tilespmem:s23+$0x4020]  }
0x105: {  	v3 =	vadd.f32 v3, v5;
	v4 =	vadd.f32 v24, v4;
	v13 =	vld [tilespmem:s23+$0x4010];
	v21 =	vand.u32 $0x7FFFFFFF, v20  }
0x106: {  	v11 =	vadd.f32 v29, v11;
	v5 =	vadd.f32 v7, v6;
	v6 =	vmul.f32 v10, v1  }
0x107: {  	v4 =	vadd.f32 v12, v4;
	v2 =	vadd.f32 v2, v3;
	v23 =	vld [tilespmem:s23+$0x4000];
	v24 =	vand.u32 $0x7FFFFFFF, v16  }
0x108: {  	v3 =	vsub.f32 $0.0e+00, v26;
	v5 =	vadd.f32 v6, v5;
	v6 =	vmul.f32 v11, v0  }
0x109: {  	v4 =	vadd.f32 v10, v4;
	v2 =	vadd.f32 v1, v2;
	v1 =	vmovc v28;
	v12 =	vand.u32 $0x7FFFFFFF, v14  }
0x10a: {  	v22 =	vsub.f32 $0.0e+00, v22;
	v7 =	vadd.f32 v6, v5;
	v10 =	vand.u32 $0x7FFFFFFF, v13  }
.Ltmp1:
0x10b: {  	v4 =	vadd.f32 v11, v4;
	v6 =	vmul.f32 $1.442695020e+00, v9;
	v5 =	vadd.f32 v0, v2;
	v0 =	vmovc v30;
	(pc) =	sbr.rel @p0 .LBB2_5-.Ltmp1, $4  }
0x10c: {  	v25 =	vmul.f32 $1.442695020e+00, v3;
	v21 =	vsub.f32 $0.0e+00, v21;
	v9 =	vand.u32 $0x7FFFFFFF, v23  }
0x10d: {  	v26 =	vmul.f32 $1.442695020e+00, v22;
	v24 =	vsub.f32 $0.0e+00, v24;
	v2 =	vld [tilespmem:s23+$0xC050];
	(erf) = vpow2.f32 v6  }
0x10e: {  	v11 =	vsub.f32 $0.0e+00, v12;
	v12 =	vmul.f32 $1.442695020e+00, v21;
	v3 =	vld [tilespmem:s23+$0xC040];
	(erf) = vpow2.f32 v25  }
0x10f: {  	s24 =	sadd.s32 $0x200, s24;
	v22 =	vmul.f32 $1.442695020e+00, v24;
	v21 =	vsub.f32 $0.0e+00, v10;
	v6 =	vld [tilespmem:s23+$0xC030];
	(erf) = vpow2.f32 v26  }
0x110: {  	v10 =	vsub.f32 $0.0e+00, v9;
	v11 =	vmul.f32 $1.442695020e+00, v11;
	(erf) = vpow2.f32 v12  }
0x111: {  	v8 =	vmax.f32 v8, $0.0e+00;
	v48 =	vmax.f32 v19, $0.0e+00;
	v49 =	vmax.f32 v15, $0.0e+00  }
0x112: {  	v9 =	vld [tilespmem:s23+$0xC020];
	v52 =	vmax.f32 v20, $0.0e+00;
	v24 =	vmax.f32 v14, $0.0e+00;
	v25 =	vmax.f32 v16, $0.0e+00  }
0x113: {  	v51 =	vld [tilespmem:s23+$0xC000];
	v26 =	vmax.f32 v13, $0.0e+00;
	v46 =	vmul.f32 $1.442695020e+00, v21;
	(erf) = vpow2.f32 v22  }
0x114: {  	v29 =	vmax.f32 v23, $0.0e+00;
	v47 =	vmul.f32 $1.442695020e+00, v10;
	v10 =	vld [tilespmem:s23+$0xC010];
	(erf) = vpow2.f32 v11  }
0x115: {  	v8 =	vsub.f32 v8, v18;
	v50 =	vmul.f32 v2, v15;
	(erf) = vpow2.f32 v46  }
0x116: {  	v11 =	vsub.f32 v48, v17;
	v53 =	vmul.f32 v3, v20;
	(erf) = vpow2.f32 v47  }
0x117: {  	v54 =	vmul.f32 v6, v16;
	v57 =	vsub.f32 v49, v50;
	v27 =	vmul.f32 v9, v14  }
0x118: {  	v59 =	vmul.f32 v51, v23;
	v61 =	vsub.f32 v52, v53;
	v5 =	vadd.f32 v51, v5;
	v55 =	vpop (erf)  }
0x119: {  	v60 =	vsub.f32 v25, v54;
	v28 =	vmul.f32 v10, v13;
	v56 =	vpop (erf);
	v63 =	vsub.f32 v24, v27  }
0x11a: {  	v37 =	vmul.f32 $6.074752660e-03, v55;
	v22 =	vsub.f32 v29, v59;
	v5 =	vadd.f32 v10, v5;
	v58 =	vpop (erf)  }
0x11b: {  	v36 =	vmul.f32 $6.074752660e-03, v56;
	v62 =	vpop (erf);
	v39 =	vsub.f32 v26, v28;
	v41 =	vmul.f32 $6.074752660e-03, v58  }
0x11c: {  	v24 =	vsub.f32 $3.441791240e-02, v37;
	v5 =	vadd.f32 v9, v5;
	v38 =	vpop (erf);
	v40 =	vmul.f32 $6.074752660e-03, v62  }
0x11d: {  	v23 =	vsub.f32 $3.441791240e-02, v36;
	v42 =	vpop (erf);
	v30 =	vmul.f32 $6.074752660e-03, v38;
	v27 =	vsub.f32 $3.441791240e-02, v41  }
0x11e: {  	v24 =	vmul.f32 v24, v55;
	v5 =	vadd.f32 v6, v5;
	v43 =	vmul.f32 $6.074752660e-03, v42;
	v31 =	vpop (erf)  }
0x11f: {  	v26 =	vsub.f32 $3.441791240e-02, v40;
	v23 =	vmul.f32 v23, v56;
	v32 =	vmul.f32 $6.074752660e-03, v31  }
0x120: {  	v33 =	vpop (erf);
	v30 =	vsub.f32 $3.441791240e-02, v30;
	v27 =	vmul.f32 v27, v58;
	v24 =	vadd.f32 $-9.231230610e-02, v24  }
0x121: {  	v34 =	vmul.f32 $6.074752660e-03, v33;
	v29 =	vsub.f32 $3.441791240e-02, v43;
	v26 =	vmul.f32 v26, v62  }
0x122: {  	v23 =	vadd.f32 $-9.231230610e-02, v23;
	v32 =	vsub.f32 $3.441791240e-02, v32;
	v30 =	vmul.f32 v30, v38  }
0x123: {  	v27 =	vadd.f32 $-9.231230610e-02, v27;
	v24 =	vmul.f32 v24, v55;
	v34 =	vsub.f32 $3.441791240e-02, v34  }
0x124: {  	v29 =	vmul.f32 v29, v42;
	v26 =	vadd.f32 $-9.231230610e-02, v26;
	v23 =	vmul.f32 v23, v56  }
0x125: {  	v32 =	vmul.f32 v32, v31;
	v30 =	vadd.f32 $-9.231230610e-02, v30;
	v27 =	vmul.f32 v27, v58  }
0x126: {  	v24 =	vadd.f32 $1.647818830e-01, v24;
	v34 =	vmul.f32 v34, v33;
	v29 =	vadd.f32 $-9.231230610e-02, v29  }
0x127: {  	v26 =	vmul.f32 v26, v62;
	v23 =	vadd.f32 $1.647818830e-01, v23;
	v32 =	vadd.f32 $-9.231230610e-02, v32  }
0x128: {  	v30 =	vmul.f32 v30, v38;
	v24 =	vmul.f32 v24, v55;
	v34 =	vadd.f32 $-9.231230610e-02, v34  }
0x129: {  	v27 =	vadd.f32 $1.647818830e-01, v27;
	v29 =	vmul.f32 v29, v42;
	v23 =	vmul.f32 v23, v56  }
0x12a: {  	v26 =	vadd.f32 $1.647818830e-01, v26;
	v32 =	vmul.f32 v32, v31;
	v34 =	vmul.f32 v34, v33  }
0x12b: {  	v30 =	vadd.f32 $1.647818830e-01, v30;
	v27 =	vmul.f32 v27, v58;
	v24 =	vadd.f32 $-2.391897290e-01, v24  }
0x12c: {  	v29 =	vadd.f32 $1.647818830e-01, v29;
	v26 =	vmul.f32 v26, v62;
	v34 =	vadd.f32 $1.647818830e-01, v34  }
0x12d: {  	v23 =	vadd.f32 $-2.391897290e-01, v23;
	v32 =	vadd.f32 $1.647818830e-01, v32;
	v30 =	vmul.f32 v30, v38  }
0x12e: {  	v27 =	vadd.f32 $-2.391897290e-01, v27;
	v24 =	vmul.f32 v24, v55;
	v34 =	vmul.f32 v34, v33  }
0x12f: {  	v29 =	vmul.f32 v29, v42;
	v26 =	vadd.f32 $-2.391897290e-01, v26;
	v23 =	vmul.f32 v23, v56  }
0x130: {  	v32 =	vmul.f32 v32, v31;
	v30 =	vadd.f32 $-2.391897290e-01, v30;
	v34 =	vadd.f32 $-2.391897290e-01, v34  }
0x131: {  	v27 =	vmul.f32 v27, v58;
	v24 =	vadd.f32 $3.313336670e-01, v24;
	v29 =	vadd.f32 $-2.391897290e-01, v29  }
0x132: {  	v26 =	vmul.f32 v26, v62;
	v32 =	vadd.f32 $-2.391897290e-01, v32;
	v34 =	vmul.f32 v34, v33  }
0x133: {  	v23 =	vadd.f32 $3.313336670e-01, v23;
	v30 =	vmul.f32 v30, v38;
	v27 =	vadd.f32 $3.313336670e-01, v27  }
0x134: {  	v24 =	vmul.f32 v24, v55;
	v32 =	vmul.f32 v32, v31;
	v34 =	vadd.f32 $3.313336670e-01, v34  }
0x135: {  	v29 =	vmul.f32 v29, v42;
	v26 =	vadd.f32 $3.313336670e-01, v26;
	v23 =	vmul.f32 v23, v56  }
0x136: {  	v30 =	vadd.f32 $3.313336670e-01, v30;
	v32 =	vadd.f32 $3.313336670e-01, v32;
	v34 =	vmul.f32 v34, v33  }
0x137: {  	v27 =	vmul.f32 v27, v58;
	v24 =	vadd.f32 $-4.998010990e-01, v24;
	v29 =	vadd.f32 $3.313336670e-01, v29  }
0x138: {  	v26 =	vmul.f32 v26, v62;
	v32 =	vmul.f32 v32, v31;
	v34 =	vadd.f32 $-4.998010990e-01, v34  }
0x139: {  	v23 =	vadd.f32 $-4.998010990e-01, v23;
	v30 =	vmul.f32 v30, v38;
	v29 =	vmul.f32 v29, v42  }
0x13a: {  	v27 =	vadd.f32 $-4.998010990e-01, v27;
	v32 =	vadd.f32 $-4.998010990e-01, v32;
	v34 =	vmul.f32 v34, v33  }
0x13b: {  	v24 =	vmul.f32 v24, v55;
	v26 =	vadd.f32 $-4.998010990e-01, v26;
	v29 =	vadd.f32 $-4.998010990e-01, v29  }
0x13c: {  	v23 =	vmul.f32 v23, v56;
	v32 =	vmul.f32 v32, v31;
	v34 =	vadd.f32 $9.999914760e-01, v34  }
0x13d: {  	v30 =	vadd.f32 $-4.998010990e-01, v30;
	v27 =	vmul.f32 v27, v58;
	v29 =	vmul.f32 v29, v42  }
0x13e: {  	v24 =	vadd.f32 $9.999914760e-01, v24;
	v32 =	vadd.f32 $9.999914760e-01, v32;
	v33 =	vmul.f32 v34, v33  }
0x13f: {  	v26 =	vmul.f32 v26, v62;
	v30 =	vmul.f32 v30, v38;
	v29 =	vadd.f32 $9.999914760e-01, v29  }
0x140: {  	v23 =	vadd.f32 $9.999914760e-01, v23;
	v31 =	vmul.f32 v32, v31;
	v44 =	vadd.f32 $9.099033340e-08, v33  }
0x141: {  	v27 =	vadd.f32 $9.999914760e-01, v27;
	v30 =	vadd.f32 $9.999914760e-01, v30;
	v46 =	vmul.f32 v29, v42  }
0x142: {  	v19 =	vmul.f32 v24, v55;
	v45 =	vadd.f32 $9.099033340e-08, v31;
	v22 =	vadd.f32 v44, v22  }
0x143: {  	v26 =	vadd.f32 $9.999914760e-01, v26;
	v25 =	vmul.f32 v30, v38;
	v48 =	vadd.f32 $9.099033340e-08, v46  }
0x144: {  	v19 =	vadd.f32 $9.099033340e-08, v19;
	v20 =	vadd.f32 v45, v39;
	v47 =	vmul.f32 v22, v51  }
0x145: {  	v21 =	vmul.f32 v26, v62;
	v49 =	vadd.f32 $9.099033340e-08, v25;
	v16 =	vadd.f32 v48, v63  }
0x146: {  	v50 =	vmul.f32 v20, v10;
	v4 =	vadd.f32 v22, v4;
	v7 =	vadd.f32 v47, v7  }
0x147: {  	v17 =	vmul.f32 v27, v58;
	v21 =	vadd.f32 $9.099033340e-08, v21;
	v15 =	vadd.f32 v49, v60  }
0x148: {  	v51 =	vmul.f32 v16, v9;
	v4 =	vadd.f32 v20, v4;
	v7 =	vadd.f32 v50, v7  }
0x149: {  	v18 =	vmul.f32 v23, v56;
	v17 =	vadd.f32 $9.099033340e-08, v17;
	v53 =	vadd.f32 v21, v61  }
0x14a: {  	v52 =	vmul.f32 v15, v6;
	v4 =	vadd.f32 v16, v4;
	v7 =	vadd.f32 v51, v7  }
0x14b: {  	v18 =	vadd.f32 $9.099033340e-08, v18;
	v55 =	vadd.f32 v17, v57  }
0x14c: {  	v54 =	vmul.f32 v53, v3;
	v4 =	vadd.f32 v15, v4;
	v7 =	vadd.f32 v52, v7  }
0x14d: {  	v58 =	vadd.f32 v18, v11;
	v3 =	vadd.f32 v3, v5  }
0x14e: {  	s21 =	sadd.s32 $0x1, s21;
	v57 =	vmul.f32 v55, v2;
	v4 =	vadd.f32 v53, v4;
	v56 =	vadd.f32 v54, v7  }
0x14f: {  	s22 =	sadd.s32 s22, s10;
	p0 =	sne.s32 s21, $0x3;
	v61 =	vadd.f32 v19, v8;
	v2 =	vadd.f32 v2, v3  }
.Ltmp2:
0x150: {  	s22 =	sshrl.u32 s22, $0x3;
	v60 =	vmul.f32 v58, v1;
	v4 =	vadd.f32 v55, v4;
	v59 =	vadd.f32 v57, v56;
	(pc) =	sbr.rel @p0 .LBB2_2-.Ltmp2, $4  }
0x151: {  	s31 =	sadd.s32 s1, s22;
	v63 =	vadd.f32 v1, v2  }
0x152: {  	[tilespmem:s14], [sflag:$0x2] =	stream.linear.gather [hbm4b:s31+s3], $0x4000, $0x38;
	v62 =	vmul.f32 v61, v0;
	v4 =	vadd.f32 v58, v4;
	v3 =	vadd.f32 v60, v59;
	[tilespmem:$0x10200] =	vst v63  }
0x153: {  	s22 =	sadd.s32 s4, s22;
	v0 =	vadd.f32 v0, v63  }
0x154: {  	[tilespmem:s15], [sflag:$0x2] =	stream.linear.gather [hbm4b:s22+s3], $0x4000, $0x38;
	v1 =	vadd.f32 v61, v4;
	v2 =	vadd.f32 v62, v3;
	[tilespmem:$0x10200] =	vst v63  }
0x155: {  	_ =	swait.ge [sflag:s16], $0x4000  }
0x156: {  	[sflag:s16] =	ssyncset.done $0x0  }
0x157: {  	[sflag:s16] =	ssyncadd.s32 $0xFFFFC000  }
0x158: {  	_ =	swait.ge [sflag:s16], $0x4000  }
0x159: {  	[sflag:s16] =	ssyncset.done $0x0  }
0x15a: {  	s21 =	simm.s32 $0x0;
	[sflag:s16] =	ssyncadd.s32 $0xFFFFC000  }
0x15b: {  	v8 =	vld [tilespmem:s21+$0x70]  }
0x15c: {  	v3 =	vld [tilespmem:s21+$0x8070]  }
0x15d: {  	v4 =	vld [tilespmem:s21+$0x8060]  }
0x15e: {  	v20 =	vld [tilespmem:s21+$0x60]  }
0x15f: {  	v15 =	vld [tilespmem:s21+$0x50]  }
0x160: {  	v19 =	vld [tilespmem:s21+$0x40]  }
0x161: {  	v21 =	vld [tilespmem:s21+$0x30]  }
0x162: {  	v14 =	vld [tilespmem:s21+$0x20]  }
0x163: {  	v22 =	vld [tilespmem:s21+$0x10]  }
0x164: {  	v16 =	vld [tilespmem:s21+$0x0];
	v5 =	vand.u32 $0x7FFFFFFF, v8  }
0x165: {  	v18 =	vmul.f32 v3, v8;
	v17 =	vmul.f32 v4, v20;
	v6 =	vand.u32 $0x7FFFFFFF, v20  }
0x166: {  	v7 =	vand.u32 $0x7FFFFFFF, v15;
	v10 =	vand.u32 $0x7FFFFFFF, v19;
	v5 =	vsub.f32 $0.0e+00, v5  }
0x167: {  	v11 =	vand.u32 $0x7FFFFFFF, v21;
	v12 =	vand.u32 $0x7FFFFFFF, v14;
	v6 =	vsub.f32 $0.0e+00, v6  }
0x168: {  	v13 =	vand.u32 $0x7FFFFFFF, v22;
	v7 =	vsub.f32 $0.0e+00, v7;
	v23 =	vmul.f32 $1.442695020e+00, v5  }
0x169: {  	v9 =	vand.u32 $0x7FFFFFFF, v16;
	v10 =	vsub.f32 $0.0e+00, v10;
	v24 =	vmul.f32 $1.442695020e+00, v6  }
0x16a: {  	v25 =	vsub.f32 $0.0e+00, v11;
	v5 =	vld [tilespmem:s21+$0x8050];
	v26 =	vmul.f32 $1.442695020e+00, v7;
	(erf) = vpow2.f32 v23  }
0x16b: {  	v11 =	vsub.f32 $0.0e+00, v12;
	v6 =	vld [tilespmem:s21+$0x8040];
	v12 =	vmul.f32 $1.442695020e+00, v10;
	(erf) = vpow2.f32 v24  }
0x16c: {  	s22 =	simm.s32 $0x200;
	v13 =	vsub.f32 $0.0e+00, v13;
	v7 =	vld [tilespmem:s21+$0x8030];
	v23 =	vmul.f32 $1.442695020e+00, v25;
	(erf) = vpow2.f32 v26  }
.LBB2_8:
0x16d: {  	s23 =	sshra.s32 s22, $0x2;
	p0 =	sne.s32 s22, $0xFE00;
	v9 =	vsub.f32 $0.0e+00, v9;
	v10 =	vld [tilespmem:s21+$0x8020];
	v11 =	vmul.f32 $1.442695020e+00, v11;
	(erf) = vpow2.f32 v12  }
0x16e: {  	v24 =	vmax.f32 v8, $0.0e+00;
	v13 =	vmul.f32 $1.442695020e+00, v13;
	v8 =	vld [tilespmem:s23+$0x70];
	(erf) = vpow2.f32 v23  }
0x16f: {  	v23 =	vmax.f32 v20, $0.0e+00;
	v9 =	vmul.f32 $1.442695020e+00, v9;
	v12 =	vld [tilespmem:s21+$0x8010];
	(erf) = vpow2.f32 v11  }
0x170: {  	v25 =	vmax.f32 v15, $0.0e+00;
	v26 =	vmul.f32 v5, v15;
	(erf) = vpow2.f32 v13  }
0x171: {  	v27 =	vmax.f32 v19, $0.0e+00;
	v19 =	vmul.f32 v6, v19;
	v15 =	vld [tilespmem:s21+$0x8000];
	(erf) = vpow2.f32 v9;
	s21 =	smov.u32 s23  }
0x172: {  	v28 =	vmax.f32 v14, $0.0e+00;
	v29 =	vmax.f32 v21, $0.0e+00;
	v30 =	vmul.f32 v7, v21  }
0x173: {  	v31 =	vmax.f32 v22, $0.0e+00;
	v32 =	vmul.f32 v10, v14;
	v9 =	vand.u32 $0x7FFFFFFF, v8;
	v20 =	vpop (erf)  }
0x174: {  	v11 =	vsub.f32 v24, v18;
	v9 =	vsub.f32 $0.0e+00, v9;
	v33 =	vmul.f32 v12, v22;
	v21 =	vpop (erf)  }
0x175: {  	v34 =	vmax.f32 v16, $0.0e+00;
	v13 =	vsub.f32 v23, v17;
	v14 =	vsub.f32 v25, v26;
	v22 =	vpop (erf)  }
0x176: {  	v17 =	vsub.f32 v29, v30;
	v26 =	vmul.f32 v15, v16;
	v16 =	vsub.f32 v27, v19;
	v24 =	vpop (erf)  }
0x177: {  	v18 =	vsub.f32 v28, v32;
	v29 =	vmul.f32 $6.074752660e-03, v20;
	v36 =	vmul.f32 $6.074752660e-03, v21;
	v23 =	vpop (erf)  }
0x178: {  	v19 =	vsub.f32 v31, v33;
	v31 =	vmul.f32 $6.074752660e-03, v22;
	v30 =	vmul.f32 $6.074752660e-03, v24;
	v25 =	vpop (erf)  }
0x179: {  	v26 =	vsub.f32 v34, v26;
	v33 =	vmul.f32 $6.074752660e-03, v23;
	v32 =	vmul.f32 $6.074752660e-03, v25;
	v27 =	vpop (erf)  }
0x17a: {  	v29 =	vsub.f32 $3.441791240e-02, v29;
	v35 =	vsub.f32 $3.441791240e-02, v36;
	v34 =	vmul.f32 $6.074752660e-03, v27;
	v28 =	vpop (erf)  }
0x17b: {  	v31 =	vsub.f32 $3.441791240e-02, v31;
	v30 =	vsub.f32 $3.441791240e-02, v30;
	v36 =	vmul.f32 $6.074752660e-03, v28  }
0x17c: {  	v29 =	vmul.f32 v29, v20;
	v33 =	vsub.f32 $3.441791240e-02, v33;
	v32 =	vsub.f32 $3.441791240e-02, v32  }
0x17d: {  	v35 =	vmul.f32 v35, v21;
	v31 =	vmul.f32 v31, v22;
	v34 =	vsub.f32 $3.441791240e-02, v34  }
0x17e: {  	v30 =	vmul.f32 v30, v24;
	v33 =	vmul.f32 v33, v23;
	v36 =	vsub.f32 $3.441791240e-02, v36  }
0x17f: {  	v29 =	vadd.f32 $-9.231230610e-02, v29;
	v35 =	vadd.f32 $-9.231230610e-02, v35;
	v32 =	vmul.f32 v32, v25  }
0x180: {  	v31 =	vadd.f32 $-9.231230610e-02, v31;
	v30 =	vadd.f32 $-9.231230610e-02, v30;
	v34 =	vmul.f32 v34, v27  }
0x181: {  	v33 =	vadd.f32 $-9.231230610e-02, v33;
	v36 =	vmul.f32 v36, v28;
	v32 =	vadd.f32 $-9.231230610e-02, v32  }
0x182: {  	v29 =	vmul.f32 v29, v20;
	v35 =	vmul.f32 v35, v21;
	v34 =	vadd.f32 $-9.231230610e-02, v34  }
0x183: {  	v31 =	vmul.f32 v31, v22;
	v30 =	vmul.f32 v30, v24;
	v36 =	vadd.f32 $-9.231230610e-02, v36  }
0x184: {  	v29 =	vadd.f32 $1.647818830e-01, v29;
	v33 =	vmul.f32 v33, v23;
	v32 =	vmul.f32 v32, v25  }
0x185: {  	v35 =	vadd.f32 $1.647818830e-01, v35;
	v31 =	vadd.f32 $1.647818830e-01, v31;
	v34 =	vmul.f32 v34, v27  }
0x186: {  	v30 =	vadd.f32 $1.647818830e-01, v30;
	v33 =	vadd.f32 $1.647818830e-01, v33;
	v36 =	vmul.f32 v36, v28  }
0x187: {  	v29 =	vmul.f32 v29, v20;
	v35 =	vmul.f32 v35, v21;
	v32 =	vadd.f32 $1.647818830e-01, v32  }
0x188: {  	v31 =	vmul.f32 v31, v22;
	v30 =	vmul.f32 v30, v24;
	v34 =	vadd.f32 $1.647818830e-01, v34  }
0x189: {  	v33 =	vmul.f32 v33, v23;
	v36 =	vadd.f32 $1.647818830e-01, v36;
	v32 =	vmul.f32 v32, v25  }
0x18a: {  	v29 =	vadd.f32 $-2.391897290e-01, v29;
	v35 =	vadd.f32 $-2.391897290e-01, v35;
	v34 =	vmul.f32 v34, v27  }
0x18b: {  	v31 =	vadd.f32 $-2.391897290e-01, v31;
	v30 =	vadd.f32 $-2.391897290e-01, v30;
	v36 =	vmul.f32 v36, v28  }
0x18c: {  	v29 =	vmul.f32 v29, v20;
	v33 =	vadd.f32 $-2.391897290e-01, v33;
	v32 =	vadd.f32 $-2.391897290e-01, v32  }
0x18d: {  	v35 =	vmul.f32 v35, v21;
	v31 =	vmul.f32 v31, v22;
	v34 =	vadd.f32 $-2.391897290e-01, v34  }
0x18e: {  	v30 =	vmul.f32 v30, v24;
	v33 =	vmul.f32 v33, v23;
	v36 =	vadd.f32 $-2.391897290e-01, v36  }
0x18f: {  	v29 =	vadd.f32 $3.313336670e-01, v29;
	v35 =	vadd.f32 $3.313336670e-01, v35;
	v32 =	vmul.f32 v32, v25  }
0x190: {  	v31 =	vadd.f32 $3.313336670e-01, v31;
	v30 =	vadd.f32 $3.313336670e-01, v30;
	v36 =	vmul.f32 v36, v28  }
0x191: {  	v34 =	vmul.f32 v34, v27;
	v33 =	vadd.f32 $3.313336670e-01, v33;
	v32 =	vadd.f32 $3.313336670e-01, v32  }
0x192: {  	v29 =	vmul.f32 v29, v20;
	v35 =	vmul.f32 v35, v21;
	v36 =	vadd.f32 $3.313336670e-01, v36  }
0x193: {  	v31 =	vmul.f32 v31, v22;
	v30 =	vmul.f32 v30, v24;
	v34 =	vadd.f32 $3.313336670e-01, v34  }
0x194: {  	v29 =	vadd.f32 $-4.998010990e-01, v29;
	v33 =	vmul.f32 v33, v23;
	v36 =	vmul.f32 v36, v28  }
0x195: {  	v35 =	vadd.f32 $-4.998010990e-01, v35;
	v31 =	vadd.f32 $-4.998010990e-01, v31;
	v32 =	vmul.f32 v32, v25  }
0x196: {  	v30 =	vadd.f32 $-4.998010990e-01, v30;
	v34 =	vmul.f32 v34, v27;
	v36 =	vadd.f32 $-4.998010990e-01, v36  }
0x197: {  	v29 =	vmul.f32 v29, v20;
	v35 =	vmul.f32 v35, v21;
	v33 =	vadd.f32 $-4.998010990e-01, v33  }
0x198: {  	v31 =	vmul.f32 v31, v22;
	v34 =	vadd.f32 $-4.998010990e-01, v34;
	v36 =	vmul.f32 v36, v28  }
0x199: {  	v32 =	vadd.f32 $-4.998010990e-01, v32;
	v30 =	vmul.f32 v30, v24;
	v33 =	vmul.f32 v33, v23  }
0x19a: {  	v29 =	vadd.f32 $9.999914760e-01, v29;
	v34 =	vmul.f32 v34, v27;
	v36 =	vadd.f32 $9.999914760e-01, v36  }
0x19b: {  	v35 =	vadd.f32 $9.999914760e-01, v35;
	v31 =	vadd.f32 $9.999914760e-01, v31;
	v32 =	vmul.f32 v32, v25  }
0x19c: {  	v30 =	vadd.f32 $9.999914760e-01, v30;
	v34 =	vadd.f32 $9.999914760e-01, v34;
	v28 =	vmul.f32 v36, v28  }
0x19d: {  	v20 =	vmul.f32 v29, v20;
	v33 =	vadd.f32 $9.999914760e-01, v33;
	v32 =	vadd.f32 $9.999914760e-01, v32  }
0x19e: {  	v21 =	vmul.f32 v35, v21;
	v27 =	vmul.f32 v34, v27;
	v28 =	vadd.f32 $9.099033340e-08, v28  }
0x19f: {  	v22 =	vmul.f32 v31, v22;
	v29 =	vadd.f32 $9.099033340e-08, v20;
	v24 =	vmul.f32 v30, v24  }
0x1a0: {  	v25 =	vmul.f32 v32, v25;
	v27 =	vadd.f32 $9.099033340e-08, v27;
	v26 =	vadd.f32 v28, v26;
	v30 =	vld [tilespmem:s21+$0x8070]  }
0x1a1: {  	v31 =	vadd.f32 $9.099033340e-08, v21;
	v23 =	vmul.f32 v33, v23;
	v22 =	vadd.f32 $9.099033340e-08, v22;
	v28 =	vld [tilespmem:s21+$0x8060]  }
0x1a2: {  	v25 =	vadd.f32 $9.099033340e-08, v25;
	v19 =	vadd.f32 v27, v19;
	v21 =	vmul.f32 v26, v15;
	v20 =	vld [tilespmem:s21+$0x60]  }
0x1a3: {  	v24 =	vadd.f32 $9.099033340e-08, v24;
	v23 =	vadd.f32 $9.099033340e-08, v23  }
0x1a4: {  	v25 =	vadd.f32 v25, v18;
	v2 =	vadd.f32 v21, v2;
	v21 =	vmul.f32 v19, v12  }
0x1a5: {  	v0 =	vadd.f32 v15, v0;
	v1 =	vadd.f32 v26, v1;
	v18 =	vmul.f32 v30, v8  }
0x1a6: {  	v23 =	vadd.f32 v23, v17;
	v2 =	vadd.f32 v21, v2;
	v21 =	vmul.f32 v25, v10;
	v15 =	vld [tilespmem:s21+$0x50]  }
0x1a7: {  	v0 =	vadd.f32 v12, v0;
	v1 =	vadd.f32 v19, v1;
	v17 =	vmul.f32 v28, v20  }
0x1a8: {  	v16 =	vadd.f32 v24, v16;
	v12 =	vmul.f32 v23, v7;
	v2 =	vadd.f32 v21, v2;
	v19 =	vld [tilespmem:s21+$0x40]  }
0x1a9: {  	v0 =	vadd.f32 v10, v0;
	v1 =	vadd.f32 v25, v1;
	v24 =	vand.u32 $0x7FFFFFFF, v20  }
0x1aa: {  	v10 =	vmul.f32 v16, v6;
	v2 =	vadd.f32 v12, v2;
	v12 =	vadd.f32 v22, v14;
	v21 =	vld [tilespmem:s21+$0x30]  }
0x1ab: {  	v0 =	vadd.f32 v7, v0;
	v1 =	vadd.f32 v23, v1;
	v25 =	vand.u32 $0x7FFFFFFF, v15  }
0x1ac: {  	v2 =	vadd.f32 v10, v2;
	v7 =	vmul.f32 v12, v5;
	v10 =	vadd.f32 v31, v13;
	v14 =	vld [tilespmem:s21+$0x20]  }
0x1ad: {  	v0 =	vadd.f32 v6, v0;
	v1 =	vadd.f32 v16, v1;
	v22 =	vld [tilespmem:s21+$0x10];
	v13 =	vand.u32 $0x7FFFFFFF, v19  }
0x1ae: {  	v2 =	vadd.f32 v7, v2;
	v6 =	vmul.f32 v10, v4;
	v7 =	vadd.f32 v29, v11  }
0x1af: {  	v0 =	vadd.f32 v5, v0;
	v1 =	vadd.f32 v12, v1;
	v16 =	vld [tilespmem:s21+$0x0];
	v11 =	vand.u32 $0x7FFFFFFF, v21  }
0x1b0: {  	v5 =	vsub.f32 $0.0e+00, v24;
	v2 =	vadd.f32 v6, v2;
	v6 =	vmul.f32 v7, v3  }
0x1b1: {  	v0 =	vadd.f32 v4, v0;
	v1 =	vadd.f32 v10, v1;
	v4 =	vmovc v28;
	v12 =	vand.u32 $0x7FFFFFFF, v14  }
0x1b2: {  	v23 =	vsub.f32 $0.0e+00, v25;
	v2 =	vadd.f32 v6, v2;
	v10 =	vand.u32 $0x7FFFFFFF, v22  }
.Ltmp3:
0x1b3: {  	v0 =	vadd.f32 v3, v0;
	v1 =	vadd.f32 v7, v1;
	v3 =	vmovc v30;
	v6 =	vmul.f32 $1.442695020e+00, v9;
	(pc) =	sbr.rel @p0 .LBB2_8-.Ltmp3, $4  }
0x1b4: {  	v7 =	vsub.f32 $0.0e+00, v13;
	v13 =	vmul.f32 $1.442695020e+00, v5;
	v9 =	vand.u32 $0x7FFFFFFF, v16  }
0x1b5: {  	v25 =	vmul.f32 $1.442695020e+00, v23;
	v24 =	vsub.f32 $0.0e+00, v11;
	v5 =	vld [tilespmem:s21+$0x8050];
	(erf) = vpow2.f32 v6  }
0x1b6: {  	v11 =	vsub.f32 $0.0e+00, v12;
	v12 =	vmul.f32 $1.442695020e+00, v7;
	v6 =	vld [tilespmem:s21+$0x8040];
	(erf) = vpow2.f32 v13  }
0x1b7: {  	s22 =	sadd.s32 $0x200, s22;
	v23 =	vmul.f32 $1.442695020e+00, v24;
	v13 =	vsub.f32 $0.0e+00, v10;
	v7 =	vld [tilespmem:s21+$0x8030];
	(erf) = vpow2.f32 v25  }
0x1b8: {  	v10 =	vsub.f32 $0.0e+00, v9;
	v24 =	vmul.f32 $1.442695020e+00, v11;
	(erf) = vpow2.f32 v12  }
0x1b9: {  	v9 =	vld [tilespmem:s21+$0x8020];
	v8 =	vmax.f32 v8, $0.0e+00;
	v20 =	vmax.f32 v20, $0.0e+00;
	v25 =	vmax.f32 v14, $0.0e+00  }
0x1ba: {  	v11 =	vld [tilespmem:s21+$0x8010];
	v26 =	vmax.f32 v21, $0.0e+00;
	v12 =	vmul.f32 $1.442695020e+00, v13;
	(erf) = vpow2.f32 v23  }
0x1bb: {  	v27 =	vmax.f32 v22, $0.0e+00;
	v29 =	vmax.f32 v16, $0.0e+00;
	v13 =	vld [tilespmem:s21+$0x8000];
	(erf) = vpow2.f32 v24  }
0x1bc: {  	v23 =	vmax.f32 v19, $0.0e+00;
	v10 =	vmul.f32 $1.442695020e+00, v10;
	(erf) = vpow2.f32 v12  }
0x1bd: {  	v12 =	vmax.f32 v15, $0.0e+00;
	v15 =	vmul.f32 v5, v15;
	v48 =	vmul.f32 v6, v19  }
0x1be: {  	(erf) = vpow2.f32 v10;
	v21 =	vmul.f32 v7, v21;
	v10 =	vsub.f32 v8, v18  }
0x1bf: {  	v28 =	vmul.f32 v9, v14;
	v22 =	vmul.f32 v11, v22;
	v8 =	vsub.f32 v12, v15  }
0x1c0: {  	v12 =	vsub.f32 v20, v17;
	v14 =	vsub.f32 v23, v48;
	v19 =	vpop (erf);
	v30 =	vmul.f32 v13, v16  }
0x1c1: {  	v15 =	vsub.f32 v26, v21;
	v0 =	vadd.f32 v13, v0;
	v18 =	vpop (erf);
	v49 =	vmul.f32 $6.074752660e-03, v19  }
0x1c2: {  	v16 =	vsub.f32 v25, v28;
	v20 =	vsub.f32 v27, v22;
	v17 =	vpop (erf);
	v23 =	vmul.f32 $6.074752660e-03, v18  }
0x1c3: {  	v53 =	vsub.f32 v29, v30;
	v21 =	vpop (erf);
	v51 =	vmul.f32 $6.074752660e-03, v17;
	v24 =	vsub.f32 $3.441791240e-02, v49  }
0x1c4: {  	v0 =	vadd.f32 v11, v0;
	v50 =	vpop (erf);
	v22 =	vmul.f32 $6.074752660e-03, v21;
	v23 =	vsub.f32 $3.441791240e-02, v23  }
0x1c5: {  	v52 =	vpop (erf);
	v55 =	vmul.f32 $6.074752660e-03, v50;
	v26 =	vsub.f32 $3.441791240e-02, v51;
	v24 =	vmul.f32 v24, v19  }
0x1c6: {  	v54 =	vmul.f32 $6.074752660e-03, v52;
	v31 =	vpop (erf);
	v22 =	vsub.f32 $3.441791240e-02, v22;
	v23 =	vmul.f32 v23, v18  }
0x1c7: {  	v32 =	vmul.f32 $6.074752660e-03, v31;
	v33 =	vpop (erf);
	v30 =	vsub.f32 $3.441791240e-02, v55;
	v26 =	vmul.f32 v26, v17  }
0x1c8: {  	v24 =	vadd.f32 $-9.231230610e-02, v24;
	v34 =	vmul.f32 $6.074752660e-03, v33;
	v29 =	vsub.f32 $3.441791240e-02, v54  }
0x1c9: {  	v22 =	vmul.f32 v22, v21;
	v23 =	vadd.f32 $-9.231230610e-02, v23;
	v32 =	vsub.f32 $3.441791240e-02, v32  }
0x1ca: {  	v30 =	vmul.f32 v30, v50;
	v26 =	vadd.f32 $-9.231230610e-02, v26;
	v24 =	vmul.f32 v24, v19  }
0x1cb: {  	v34 =	vsub.f32 $3.441791240e-02, v34;
	v29 =	vmul.f32 v29, v52;
	v22 =	vadd.f32 $-9.231230610e-02, v22  }
0x1cc: {  	v23 =	vmul.f32 v23, v18;
	v32 =	vmul.f32 v32, v31;
	v30 =	vadd.f32 $-9.231230610e-02, v30  }
0x1cd: {  	v26 =	vmul.f32 v26, v17;
	v24 =	vadd.f32 $1.647818830e-01, v24;
	v34 =	vmul.f32 v34, v33  }
0x1ce: {  	v29 =	vadd.f32 $-9.231230610e-02, v29;
	v22 =	vmul.f32 v22, v21;
	v23 =	vadd.f32 $1.647818830e-01, v23  }
0x1cf: {  	v32 =	vadd.f32 $-9.231230610e-02, v32;
	v30 =	vmul.f32 v30, v50;
	v26 =	vadd.f32 $1.647818830e-01, v26  }
0x1d0: {  	v24 =	vmul.f32 v24, v19;
	v34 =	vadd.f32 $-9.231230610e-02, v34;
	v29 =	vmul.f32 v29, v52  }
0x1d1: {  	v22 =	vadd.f32 $1.647818830e-01, v22;
	v23 =	vmul.f32 v23, v18;
	v32 =	vmul.f32 v32, v31  }
0x1d2: {  	v30 =	vadd.f32 $1.647818830e-01, v30;
	v26 =	vmul.f32 v26, v17;
	v24 =	vadd.f32 $-2.391897290e-01, v24  }
0x1d3: {  	v34 =	vmul.f32 v34, v33;
	v29 =	vadd.f32 $1.647818830e-01, v29;
	v22 =	vmul.f32 v22, v21  }
0x1d4: {  	v23 =	vadd.f32 $-2.391897290e-01, v23;
	v32 =	vadd.f32 $1.647818830e-01, v32;
	v30 =	vmul.f32 v30, v50  }
0x1d5: {  	v26 =	vadd.f32 $-2.391897290e-01, v26;
	v24 =	vmul.f32 v24, v19;
	v34 =	vadd.f32 $1.647818830e-01, v34  }
0x1d6: {  	v29 =	vmul.f32 v29, v52;
	v22 =	vadd.f32 $-2.391897290e-01, v22;
	v23 =	vmul.f32 v23, v18  }
0x1d7: {  	v32 =	vmul.f32 v32, v31;
	v30 =	vadd.f32 $-2.391897290e-01, v30;
	v34 =	vmul.f32 v34, v33  }
0x1d8: {  	v26 =	vmul.f32 v26, v17;
	v24 =	vadd.f32 $3.313336670e-01, v24;
	v29 =	vadd.f32 $-2.391897290e-01, v29  }
0x1d9: {  	v22 =	vmul.f32 v22, v21;
	v23 =	vadd.f32 $3.313336670e-01, v23;
	v34 =	vadd.f32 $-2.391897290e-01, v34  }
0x1da: {  	v32 =	vadd.f32 $-2.391897290e-01, v32;
	v30 =	vmul.f32 v30, v50;
	v24 =	vmul.f32 v24, v19  }
0x1db: {  	v26 =	vadd.f32 $3.313336670e-01, v26;
	v29 =	vmul.f32 v29, v52;
	v34 =	vmul.f32 v34, v33  }
0x1dc: {  	v22 =	vadd.f32 $3.313336670e-01, v22;
	v23 =	vmul.f32 v23, v18;
	v32 =	vmul.f32 v32, v31  }
0x1dd: {  	v30 =	vadd.f32 $3.313336670e-01, v30;
	v26 =	vmul.f32 v26, v17;
	v34 =	vadd.f32 $3.313336670e-01, v34  }
0x1de: {  	v24 =	vadd.f32 $-4.998010990e-01, v24;
	v29 =	vadd.f32 $3.313336670e-01, v29;
	v22 =	vmul.f32 v22, v21  }
0x1df: {  	v23 =	vadd.f32 $-4.998010990e-01, v23;
	v32 =	vadd.f32 $3.313336670e-01, v32;
	v34 =	vmul.f32 v34, v33  }
0x1e0: {  	v30 =	vmul.f32 v30, v50;
	v26 =	vadd.f32 $-4.998010990e-01, v26;
	v24 =	vmul.f32 v24, v19  }
0x1e1: {  	v29 =	vmul.f32 v29, v52;
	v32 =	vmul.f32 v32, v31;
	v34 =	vadd.f32 $-4.998010990e-01, v34  }
0x1e2: {  	v22 =	vadd.f32 $-4.998010990e-01, v22;
	v23 =	vmul.f32 v23, v18;
	v30 =	vadd.f32 $-4.998010990e-01, v30  }
0x1e3: {  	v26 =	vmul.f32 v26, v17;
	v32 =	vadd.f32 $-4.998010990e-01, v32;
	v34 =	vmul.f32 v34, v33  }
0x1e4: {  	v24 =	vadd.f32 $9.999914760e-01, v24;
	v29 =	vadd.f32 $-4.998010990e-01, v29;
	v22 =	vmul.f32 v22, v21  }
0x1e5: {  	v23 =	vadd.f32 $9.999914760e-01, v23;
	v32 =	vmul.f32 v32, v31;
	v34 =	vadd.f32 $9.999914760e-01, v34  }
0x1e6: {  	v30 =	vmul.f32 v30, v50;
	v26 =	vadd.f32 $9.999914760e-01, v26;
	v19 =	vmul.f32 v24, v19  }
0x1e7: {  	v29 =	vmul.f32 v29, v52;
	v32 =	vadd.f32 $9.999914760e-01, v32;
	v33 =	vmul.f32 v34, v33  }
0x1e8: {  	v22 =	vadd.f32 $9.999914760e-01, v22;
	v18 =	vmul.f32 v23, v18;
	v30 =	vadd.f32 $9.999914760e-01, v30  }
0x1e9: {  	v29 =	vadd.f32 $9.999914760e-01, v29;
	v31 =	vmul.f32 v32, v31;
	v56 =	vadd.f32 $9.099033340e-08, v33  }
0x1ea: {  	v17 =	vmul.f32 v26, v17;
	v21 =	vmul.f32 v22, v21;
	v22 =	vadd.f32 $9.099033340e-08, v19  }
0x1eb: {  	v57 =	vmul.f32 v29, v52;
	v23 =	vadd.f32 $9.099033340e-08, v31;
	v19 =	vadd.f32 v56, v53  }
0x1ec: {  	v0 =	vadd.f32 v9, v0;
	v25 =	vmul.f32 v30, v50;
	v17 =	vadd.f32 $9.099033340e-08, v17  }
0x1ed: {  	_ =	swait.ge [sflag:s17], $0x4000;
	v20 =	vadd.f32 v23, v20;
	v23 =	vadd.f32 $9.099033340e-08, v57;
	v58 =	vmul.f32 v19, v13  }
0x1ee: {  	[sflag:s17] =	ssyncset.done $0x0;
	v59 =	vadd.f32 $9.099033340e-08, v25;
	v1 =	vadd.f32 v19, v1  }
0x1ef: {  	[sflag:s17] =	ssyncadd.s32 $0xFFFFC000;
	v60 =	vmul.f32 v20, v11;
	v16 =	vadd.f32 v23, v16;
	v2 =	vadd.f32 v58, v2  }
0x1f0: {  	_ =	swait.ge [sflag:s17], $0x4000;
	v15 =	vadd.f32 v59, v15;
	v1 =	vadd.f32 v20, v1  }
0x1f1: {  	[sflag:s17] =	ssyncset.done $0x0;
	v21 =	vadd.f32 $9.099033340e-08, v21;
	v13 =	vmul.f32 v16, v9;
	v2 =	vadd.f32 v60, v2  }
0x1f2: {  	s21 =	simm.s32 $0x0;
	[sflag:s17] =	ssyncadd.s32 $0xFFFFC000;
	v11 =	vmul.f32 v15, v7;
	v7 =	vadd.f32 v7, v0;
	v1 =	vadd.f32 v16, v1  }
0x1f3: {  	v0 =	vld [tilespmem:s21+$0xC070];
	v2 =	vadd.f32 v13, v2;
	v13 =	vadd.f32 v21, v14  }
0x1f4: {  	v18 =	vadd.f32 $9.099033340e-08, v18;
	v19 =	vld [tilespmem:s21+$0x4060];
	v14 =	vadd.f32 v15, v1  }
0x1f5: {  	v1 =	vld [tilespmem:s21+$0xC060];
	v2 =	vadd.f32 v11, v2;
	v9 =	vmul.f32 v13, v6;
	v11 =	vadd.f32 v17, v8  }
0x1f6: {  	v16 =	vld [tilespmem:s21+$0x4030];
	v6 =	vadd.f32 v6, v7  }
0x1f7: {  	v12 =	vadd.f32 v18, v12;
	v8 =	vld [tilespmem:s21+$0x4070];
	v2 =	vadd.f32 v9, v2;
	v9 =	vmul.f32 v11, v5  }
0x1f8: {  	v13 =	vadd.f32 v13, v14;
	v5 =	vadd.f32 v5, v6  }
0x1f9: {  	v7 =	vmul.f32 v12, v4;
	v14 =	vld [tilespmem:s21+$0x4020];
	v2 =	vadd.f32 v9, v2;
	v9 =	vadd.f32 v22, v10  }
0x1fa: {  	v15 =	vld [tilespmem:s21+$0x4050];
	v17 =	vmul.f32 v1, v19;
	v10 =	vadd.f32 v11, v13;
	v5 =	vadd.f32 v4, v5  }
0x1fb: {  	v20 =	vld [tilespmem:s21+$0x4040];
	v11 =	vand.u32 $0x7FFFFFFF, v16;
	v2 =	vadd.f32 v7, v2;
	v6 =	vmul.f32 v9, v3  }
0x1fc: {  	v18 =	vmul.f32 v0, v8;
	v62 =	vsub.f32 $0.0e+00, v11;
	v10 =	vadd.f32 v12, v10  }
0x1fd: {  	v23 =	vld [tilespmem:s21+$0x4000];
	v5 =	vadd.f32 v3, v5;
	v7 =	vadd.f32 v6, v2;
	v2 =	vand.u32 $0x7FFFFFFF, v8  }
0x1fe: {  	v13 =	vld [tilespmem:s21+$0x4010];
	v3 =	vand.u32 $0x7FFFFFFF, v19;
	v12 =	vand.u32 $0x7FFFFFFF, v14;
	v2 =	vsub.f32 $0.0e+00, v2  }
0x1ff: {  	v3 =	vsub.f32 $0.0e+00, v3;
	v4 =	vadd.f32 v9, v10;
	v6 =	vand.u32 $0x7FFFFFFF, v15  }
0x200: {  	v10 =	vand.u32 $0x7FFFFFFF, v20;
	v6 =	vsub.f32 $0.0e+00, v6;
	v22 =	vmul.f32 $1.442695020e+00, v2  }
0x201: {  	v11 =	vsub.f32 $0.0e+00, v12;
	v10 =	vsub.f32 $0.0e+00, v10;
	v61 =	vmul.f32 $1.442695020e+00, v3  }
0x202: {  	v9 =	vand.u32 $0x7FFFFFFF, v23;
	v3 =	vld [tilespmem:s21+$0xC040];
	v63 =	vmul.f32 $1.442695020e+00, v6;
	(erf) = vpow2.f32 v22  }
0x203: {  	v21 =	vand.u32 $0x7FFFFFFF, v13;
	v2 =	vld [tilespmem:s21+$0xC050];
	v12 =	vmul.f32 $1.442695020e+00, v10;
	(erf) = vpow2.f32 v61  }
0x204: {  	s22 =	simm.s32 $0x200;
	v21 =	vsub.f32 $0.0e+00, v21;
	v6 =	vld [tilespmem:s21+$0xC030];
	v22 =	vmul.f32 $1.442695020e+00, v62;
	(erf) = vpow2.f32 v63  }
.LBB2_10:
0x205: {  	s23 =	sshra.s32 s22, $0x2;
	p0 =	sne.s32 s22, $0xFE00;
	v9 =	vsub.f32 $0.0e+00, v9;
	v10 =	vld [tilespmem:s21+$0xC020];
	v11 =	vmul.f32 $1.442695020e+00, v11;
	(erf) = vpow2.f32 v12  }
0x206: {  	v24 =	vmax.f32 v8, $0.0e+00;
	v21 =	vmul.f32 $1.442695020e+00, v21;
	v8 =	vld [tilespmem:s23+$0x4070];
	(erf) = vpow2.f32 v22  }
0x207: {  	v22 =	vmax.f32 v19, $0.0e+00;
	v9 =	vmul.f32 $1.442695020e+00, v9;
	v12 =	vld [tilespmem:s21+$0xC010];
	(erf) = vpow2.f32 v11  }
0x208: {  	v25 =	vmax.f32 v15, $0.0e+00;
	v26 =	vmul.f32 v2, v15;
	(erf) = vpow2.f32 v21  }
0x209: {  	v27 =	vmax.f32 v20, $0.0e+00;
	v20 =	vmul.f32 v3, v20;
	v15 =	vld [tilespmem:s21+$0xC000];
	(erf) = vpow2.f32 v9;
	s21 =	smov.u32 s23  }
0x20a: {  	v28 =	vmax.f32 v14, $0.0e+00;
	v29 =	vmax.f32 v16, $0.0e+00;
	v16 =	vmul.f32 v6, v16  }
0x20b: {  	v30 =	vmax.f32 v13, $0.0e+00;
	v31 =	vmul.f32 v10, v14;
	v9 =	vand.u32 $0x7FFFFFFF, v8;
	v19 =	vpop (erf)  }
0x20c: {  	v11 =	vsub.f32 v24, v18;
	v9 =	vsub.f32 $0.0e+00, v9;
	v32 =	vmul.f32 v12, v13;
	v21 =	vpop (erf)  }
0x20d: {  	v33 =	vmax.f32 v23, $0.0e+00;
	v14 =	vsub.f32 v25, v26;
	v13 =	vsub.f32 v22, v17;
	v22 =	vpop (erf)  }
0x20e: {  	v17 =	vsub.f32 v29, v16;
	v16 =	vsub.f32 v27, v20;
	v26 =	vmul.f32 v15, v23;
	v24 =	vpop (erf)  }
0x20f: {  	v18 =	vsub.f32 v28, v31;
	v29 =	vmul.f32 $6.074752660e-03, v19;
	v36 =	vmul.f32 $6.074752660e-03, v21;
	v23 =	vpop (erf)  }
0x210: {  	v20 =	vsub.f32 v30, v32;
	v31 =	vmul.f32 $6.074752660e-03, v22;
	v30 =	vmul.f32 $6.074752660e-03, v24;
	v25 =	vpop (erf)  }
0x211: {  	v26 =	vsub.f32 v33, v26;
	v33 =	vmul.f32 $6.074752660e-03, v23;
	v32 =	vmul.f32 $6.074752660e-03, v25;
	v27 =	vpop (erf)  }
0x212: {  	v29 =	vsub.f32 $3.441791240e-02, v29;
	v35 =	vsub.f32 $3.441791240e-02, v36;
	v34 =	vmul.f32 $6.074752660e-03, v27;
	v28 =	vpop (erf)  }
0x213: {  	v31 =	vsub.f32 $3.441791240e-02, v31;
	v30 =	vsub.f32 $3.441791240e-02, v30;
	v36 =	vmul.f32 $6.074752660e-03, v28  }
0x214: {  	v29 =	vmul.f32 v29, v19;
	v33 =	vsub.f32 $3.441791240e-02, v33;
	v32 =	vsub.f32 $3.441791240e-02, v32  }
0x215: {  	v35 =	vmul.f32 v35, v21;
	v31 =	vmul.f32 v31, v22;
	v34 =	vsub.f32 $3.441791240e-02, v34  }
0x216: {  	v30 =	vmul.f32 v30, v24;
	v33 =	vmul.f32 v33, v23;
	v36 =	vsub.f32 $3.441791240e-02, v36  }
0x217: {  	v29 =	vadd.f32 $-9.231230610e-02, v29;
	v35 =	vadd.f32 $-9.231230610e-02, v35;
	v32 =	vmul.f32 v32, v25  }
0x218: {  	v31 =	vadd.f32 $-9.231230610e-02, v31;
	v30 =	vadd.f32 $-9.231230610e-02, v30;
	v34 =	vmul.f32 v34, v27  }
0x219: {  	v33 =	vadd.f32 $-9.231230610e-02, v33;
	v36 =	vmul.f32 v36, v28;
	v32 =	vadd.f32 $-9.231230610e-02, v32  }
0x21a: {  	v29 =	vmul.f32 v29, v19;
	v35 =	vmul.f32 v35, v21;
	v34 =	vadd.f32 $-9.231230610e-02, v34  }
0x21b: {  	v31 =	vmul.f32 v31, v22;
	v30 =	vmul.f32 v30, v24;
	v36 =	vadd.f32 $-9.231230610e-02, v36  }
0x21c: {  	v29 =	vadd.f32 $1.647818830e-01, v29;
	v33 =	vmul.f32 v33, v23;
	v32 =	vmul.f32 v32, v25  }
0x21d: {  	v35 =	vadd.f32 $1.647818830e-01, v35;
	v31 =	vadd.f32 $1.647818830e-01, v31;
	v34 =	vmul.f32 v34, v27  }
0x21e: {  	v30 =	vadd.f32 $1.647818830e-01, v30;
	v33 =	vadd.f32 $1.647818830e-01, v33;
	v36 =	vmul.f32 v36, v28  }
0x21f: {  	v29 =	vmul.f32 v29, v19;
	v35 =	vmul.f32 v35, v21;
	v32 =	vadd.f32 $1.647818830e-01, v32  }
0x220: {  	v31 =	vmul.f32 v31, v22;
	v30 =	vmul.f32 v30, v24;
	v34 =	vadd.f32 $1.647818830e-01, v34  }
0x221: {  	v33 =	vmul.f32 v33, v23;
	v36 =	vadd.f32 $1.647818830e-01, v36;
	v32 =	vmul.f32 v32, v25  }
0x222: {  	v29 =	vadd.f32 $-2.391897290e-01, v29;
	v35 =	vadd.f32 $-2.391897290e-01, v35;
	v34 =	vmul.f32 v34, v27  }
0x223: {  	v31 =	vadd.f32 $-2.391897290e-01, v31;
	v30 =	vadd.f32 $-2.391897290e-01, v30;
	v36 =	vmul.f32 v36, v28  }
0x224: {  	v29 =	vmul.f32 v29, v19;
	v33 =	vadd.f32 $-2.391897290e-01, v33;
	v32 =	vadd.f32 $-2.391897290e-01, v32  }
0x225: {  	v35 =	vmul.f32 v35, v21;
	v31 =	vmul.f32 v31, v22;
	v34 =	vadd.f32 $-2.391897290e-01, v34  }
0x226: {  	v30 =	vmul.f32 v30, v24;
	v33 =	vmul.f32 v33, v23;
	v36 =	vadd.f32 $-2.391897290e-01, v36  }
0x227: {  	v29 =	vadd.f32 $3.313336670e-01, v29;
	v35 =	vadd.f32 $3.313336670e-01, v35;
	v32 =	vmul.f32 v32, v25  }
0x228: {  	v31 =	vadd.f32 $3.313336670e-01, v31;
	v30 =	vadd.f32 $3.313336670e-01, v30;
	v36 =	vmul.f32 v36, v28  }
0x229: {  	v34 =	vmul.f32 v34, v27;
	v33 =	vadd.f32 $3.313336670e-01, v33;
	v32 =	vadd.f32 $3.313336670e-01, v32  }
0x22a: {  	v29 =	vmul.f32 v29, v19;
	v35 =	vmul.f32 v35, v21;
	v36 =	vadd.f32 $3.313336670e-01, v36  }
0x22b: {  	v31 =	vmul.f32 v31, v22;
	v30 =	vmul.f32 v30, v24;
	v34 =	vadd.f32 $3.313336670e-01, v34  }
0x22c: {  	v29 =	vadd.f32 $-4.998010990e-01, v29;
	v33 =	vmul.f32 v33, v23;
	v36 =	vmul.f32 v36, v28  }
0x22d: {  	v35 =	vadd.f32 $-4.998010990e-01, v35;
	v31 =	vadd.f32 $-4.998010990e-01, v31;
	v32 =	vmul.f32 v32, v25  }
0x22e: {  	v30 =	vadd.f32 $-4.998010990e-01, v30;
	v34 =	vmul.f32 v34, v27;
	v36 =	vadd.f32 $-4.998010990e-01, v36  }
0x22f: {  	v29 =	vmul.f32 v29, v19;
	v35 =	vmul.f32 v35, v21;
	v33 =	vadd.f32 $-4.998010990e-01, v33  }
0x230: {  	v31 =	vmul.f32 v31, v22;
	v34 =	vadd.f32 $-4.998010990e-01, v34;
	v36 =	vmul.f32 v36, v28  }
0x231: {  	v32 =	vadd.f32 $-4.998010990e-01, v32;
	v30 =	vmul.f32 v30, v24;
	v33 =	vmul.f32 v33, v23  }
0x232: {  	v29 =	vadd.f32 $9.999914760e-01, v29;
	v34 =	vmul.f32 v34, v27;
	v36 =	vadd.f32 $9.999914760e-01, v36  }
0x233: {  	v35 =	vadd.f32 $9.999914760e-01, v35;
	v31 =	vadd.f32 $9.999914760e-01, v31;
	v32 =	vmul.f32 v32, v25  }
0x234: {  	v30 =	vadd.f32 $9.999914760e-01, v30;
	v34 =	vadd.f32 $9.999914760e-01, v34;
	v28 =	vmul.f32 v36, v28  }
0x235: {  	v19 =	vmul.f32 v29, v19;
	v33 =	vadd.f32 $9.999914760e-01, v33;
	v32 =	vadd.f32 $9.999914760e-01, v32  }
0x236: {  	v21 =	vmul.f32 v35, v21;
	v27 =	vmul.f32 v34, v27;
	v28 =	vadd.f32 $9.099033340e-08, v28  }
0x237: {  	v22 =	vmul.f32 v31, v22;
	v29 =	vadd.f32 $9.099033340e-08, v19;
	v24 =	vmul.f32 v30, v24  }
0x238: {  	v25 =	vmul.f32 v32, v25;
	v27 =	vadd.f32 $9.099033340e-08, v27;
	v26 =	vadd.f32 v28, v26;
	v30 =	vld [tilespmem:s21+$0xC070]  }
0x239: {  	v21 =	vadd.f32 $9.099033340e-08, v21;
	v23 =	vmul.f32 v33, v23;
	v22 =	vadd.f32 $9.099033340e-08, v22;
	v28 =	vld [tilespmem:s21+$0xC060]  }
0x23a: {  	v25 =	vadd.f32 $9.099033340e-08, v25;
	v20 =	vadd.f32 v27, v20;
	v31 =	vmul.f32 v26, v15;
	v19 =	vld [tilespmem:s21+$0x4060]  }
0x23b: {  	v24 =	vadd.f32 $9.099033340e-08, v24;
	v23 =	vadd.f32 $9.099033340e-08, v23  }
0x23c: {  	v25 =	vadd.f32 v25, v18;
	v27 =	vmul.f32 v20, v12;
	v7 =	vadd.f32 v31, v7  }
0x23d: {  	v5 =	vadd.f32 v15, v5;
	v4 =	vadd.f32 v26, v4;
	v18 =	vmul.f32 v30, v8  }
0x23e: {  	v23 =	vadd.f32 v23, v17;
	v26 =	vmul.f32 v25, v10;
	v7 =	vadd.f32 v27, v7;
	v15 =	vld [tilespmem:s21+$0x4050]  }
0x23f: {  	v5 =	vadd.f32 v12, v5;
	v4 =	vadd.f32 v20, v4;
	v17 =	vmul.f32 v28, v19  }
0x240: {  	v24 =	vadd.f32 v24, v16;
	v12 =	vmul.f32 v23, v6;
	v7 =	vadd.f32 v26, v7;
	v20 =	vld [tilespmem:s21+$0x4040]  }
0x241: {  	v5 =	vadd.f32 v10, v5;
	v4 =	vadd.f32 v25, v4;
	v26 =	vand.u32 $0x7FFFFFFF, v19  }
0x242: {  	v10 =	vmul.f32 v24, v3;
	v7 =	vadd.f32 v12, v7;
	v12 =	vadd.f32 v22, v14;
	v16 =	vld [tilespmem:s21+$0x4030]  }
0x243: {  	v5 =	vadd.f32 v6, v5;
	v4 =	vadd.f32 v23, v4;
	v22 =	vand.u32 $0x7FFFFFFF, v15  }
0x244: {  	v6 =	vadd.f32 v10, v7;
	v7 =	vmul.f32 v12, v2;
	v10 =	vadd.f32 v21, v13;
	v14 =	vld [tilespmem:s21+$0x4020]  }
0x245: {  	v3 =	vadd.f32 v3, v5;
	v4 =	vadd.f32 v24, v4;
	v13 =	vld [tilespmem:s21+$0x4010];
	v21 =	vand.u32 $0x7FFFFFFF, v20  }
0x246: {  	v11 =	vadd.f32 v29, v11;
	v5 =	vadd.f32 v7, v6;
	v6 =	vmul.f32 v10, v1  }
0x247: {  	v4 =	vadd.f32 v12, v4;
	v2 =	vadd.f32 v2, v3;
	v23 =	vld [tilespmem:s21+$0x4000];
	v24 =	vand.u32 $0x7FFFFFFF, v16  }
0x248: {  	v3 =	vsub.f32 $0.0e+00, v26;
	v5 =	vadd.f32 v6, v5;
	v6 =	vmul.f32 v11, v0  }
0x249: {  	v4 =	vadd.f32 v10, v4;
	v2 =	vadd.f32 v1, v2;
	v1 =	vmovc v28;
	v12 =	vand.u32 $0x7FFFFFFF, v14  }
0x24a: {  	v22 =	vsub.f32 $0.0e+00, v22;
	v7 =	vadd.f32 v6, v5;
	v10 =	vand.u32 $0x7FFFFFFF, v13  }
.Ltmp4:
0x24b: {  	v4 =	vadd.f32 v11, v4;
	v6 =	vmul.f32 $1.442695020e+00, v9;
	v5 =	vadd.f32 v0, v2;
	v0 =	vmovc v30;
	(pc) =	sbr.rel @p0 .LBB2_10-.Ltmp4, $4  }
0x24c: {  	v25 =	vmul.f32 $1.442695020e+00, v3;
	v21 =	vsub.f32 $0.0e+00, v21;
	v9 =	vand.u32 $0x7FFFFFFF, v23  }
0x24d: {  	v26 =	vmul.f32 $1.442695020e+00, v22;
	v24 =	vsub.f32 $0.0e+00, v24;
	v2 =	vld [tilespmem:s21+$0xC050];
	(erf) = vpow2.f32 v6  }
0x24e: {  	v11 =	vsub.f32 $0.0e+00, v12;
	v12 =	vmul.f32 $1.442695020e+00, v21;
	v3 =	vld [tilespmem:s21+$0xC040];
	(erf) = vpow2.f32 v25  }
0x24f: {  	s22 =	sadd.s32 $0x200, s22;
	v22 =	vmul.f32 $1.442695020e+00, v24;
	v21 =	vsub.f32 $0.0e+00, v10;
	v6 =	vld [tilespmem:s21+$0xC030];
	(erf) = vpow2.f32 v26  }
0x250: {  	v10 =	vsub.f32 $0.0e+00, v9  }
0x251: {  	v11 =	vmul.f32 $1.442695020e+00, v11;
	(erf) = vpow2.f32 v12;
	v8 =	vmax.f32 v8, $0.0e+00  }
0x252: {  	v42 =	vmax.f32 v19, $0.0e+00;
	v43 =	vmax.f32 v15, $0.0e+00;
	v46 =	vmax.f32 v20, $0.0e+00  }
0x253: {  	v9 =	vld [tilespmem:s21+$0xC020];
	v24 =	vmax.f32 v14, $0.0e+00;
	v25 =	vmax.f32 v16, $0.0e+00;
	v40 =	vmul.f32 $1.442695020e+00, v21  }
0x254: {  	v45 =	vld [tilespmem:s21+$0xC000];
	v26 =	vmax.f32 v13, $0.0e+00;
	(erf) = vpow2.f32 v22;
	v41 =	vmul.f32 $1.442695020e+00, v10  }
0x255: {  	v29 =	vmax.f32 v23, $0.0e+00;
	v10 =	vld [tilespmem:s21+$0xC010];
	(erf) = vpow2.f32 v11;
	v44 =	vmul.f32 v2, v15  }
0x256: {  	v8 =	vsub.f32 v8, v18;
	(erf) = vpow2.f32 v40;
	v47 =	vmul.f32 v3, v20  }
0x257: {  	v11 =	vsub.f32 v42, v17;
	(erf) = vpow2.f32 v41;
	v48 =	vmul.f32 v6, v16  }
0x258: {  	v51 =	vsub.f32 v43, v44;
	v27 =	vmul.f32 v9, v14;
	v55 =	vsub.f32 v46, v47  }
0x259: {  	v53 =	vmul.f32 v45, v23;
	v5 =	vadd.f32 v45, v5;
	v49 =	vpop (erf);
	v54 =	vsub.f32 v25, v48  }
0x25a: {  	v28 =	vmul.f32 v10, v13;
	v50 =	vpop (erf);
	v57 =	vsub.f32 v24, v27;
	v59 =	vmul.f32 $6.074752660e-03, v49  }
0x25b: {  	v22 =	vsub.f32 v29, v53;
	v5 =	vadd.f32 v10, v5;
	v52 =	vpop (erf);
	v58 =	vmul.f32 $6.074752660e-03, v50  }
0x25c: {  	v56 =	vpop (erf);
	v61 =	vsub.f32 v26, v28;
	v63 =	vmul.f32 $6.074752660e-03, v52;
	v24 =	vsub.f32 $3.441791240e-02, v59  }
0x25d: {  	v5 =	vadd.f32 v9, v5;
	v60 =	vpop (erf);
	v62 =	vmul.f32 $6.074752660e-03, v56;
	v23 =	vsub.f32 $3.441791240e-02, v58  }
0x25e: {  	v36 =	vpop (erf);
	v30 =	vmul.f32 $6.074752660e-03, v60;
	v27 =	vsub.f32 $3.441791240e-02, v63;
	v24 =	vmul.f32 v24, v49  }
0x25f: {  	v5 =	vadd.f32 v6, v5;
	v37 =	vmul.f32 $6.074752660e-03, v36;
	v31 =	vpop (erf);
	v26 =	vsub.f32 $3.441791240e-02, v62  }
0x260: {  	v23 =	vmul.f32 v23, v50;
	v32 =	vmul.f32 $6.074752660e-03, v31;
	v30 =	vsub.f32 $3.441791240e-02, v30  }
0x261: {  	v33 =	vpop (erf);
	v27 =	vmul.f32 v27, v52;
	v24 =	vadd.f32 $-9.231230610e-02, v24;
	v53 =	vadd.f32 v3, v5  }
0x262: {  	v34 =	vmul.f32 $6.074752660e-03, v33;
	v29 =	vsub.f32 $3.441791240e-02, v37;
	v26 =	vmul.f32 v26, v56  }
0x263: {  	v23 =	vadd.f32 $-9.231230610e-02, v23;
	v32 =	vsub.f32 $3.441791240e-02, v32;
	v30 =	vmul.f32 v30, v60  }
0x264: {  	v27 =	vadd.f32 $-9.231230610e-02, v27;
	v24 =	vmul.f32 v24, v49;
	v34 =	vsub.f32 $3.441791240e-02, v34  }
0x265: {  	v29 =	vmul.f32 v29, v36;
	v26 =	vadd.f32 $-9.231230610e-02, v26;
	v23 =	vmul.f32 v23, v50  }
0x266: {  	v32 =	vmul.f32 v32, v31;
	v30 =	vadd.f32 $-9.231230610e-02, v30;
	v27 =	vmul.f32 v27, v52  }
0x267: {  	v24 =	vadd.f32 $1.647818830e-01, v24;
	v34 =	vmul.f32 v34, v33;
	v29 =	vadd.f32 $-9.231230610e-02, v29  }
0x268: {  	v26 =	vmul.f32 v26, v56;
	v23 =	vadd.f32 $1.647818830e-01, v23;
	v32 =	vadd.f32 $-9.231230610e-02, v32  }
0x269: {  	v30 =	vmul.f32 v30, v60;
	v24 =	vmul.f32 v24, v49;
	v34 =	vadd.f32 $-9.231230610e-02, v34  }
0x26a: {  	v27 =	vadd.f32 $1.647818830e-01, v27;
	v29 =	vmul.f32 v29, v36;
	v23 =	vmul.f32 v23, v50  }
0x26b: {  	v26 =	vadd.f32 $1.647818830e-01, v26;
	v32 =	vmul.f32 v32, v31;
	v34 =	vmul.f32 v34, v33  }
0x26c: {  	v30 =	vadd.f32 $1.647818830e-01, v30;
	v27 =	vmul.f32 v27, v52;
	v24 =	vadd.f32 $-2.391897290e-01, v24  }
0x26d: {  	v29 =	vadd.f32 $1.647818830e-01, v29;
	v26 =	vmul.f32 v26, v56;
	v34 =	vadd.f32 $1.647818830e-01, v34  }
0x26e: {  	v23 =	vadd.f32 $-2.391897290e-01, v23;
	v32 =	vadd.f32 $1.647818830e-01, v32;
	v30 =	vmul.f32 v30, v60  }
0x26f: {  	v27 =	vadd.f32 $-2.391897290e-01, v27;
	v24 =	vmul.f32 v24, v49;
	v34 =	vmul.f32 v34, v33  }
0x270: {  	v29 =	vmul.f32 v29, v36;
	v26 =	vadd.f32 $-2.391897290e-01, v26;
	v23 =	vmul.f32 v23, v50  }
0x271: {  	v32 =	vmul.f32 v32, v31;
	v30 =	vadd.f32 $-2.391897290e-01, v30;
	v34 =	vadd.f32 $-2.391897290e-01, v34  }
0x272: {  	v27 =	vmul.f32 v27, v52;
	v24 =	vadd.f32 $3.313336670e-01, v24;
	v29 =	vadd.f32 $-2.391897290e-01, v29  }
0x273: {  	v26 =	vmul.f32 v26, v56;
	v32 =	vadd.f32 $-2.391897290e-01, v32;
	v34 =	vmul.f32 v34, v33  }
0x274: {  	v23 =	vadd.f32 $3.313336670e-01, v23;
	v30 =	vmul.f32 v30, v60;
	v27 =	vadd.f32 $3.313336670e-01, v27  }
0x275: {  	v24 =	vmul.f32 v24, v49;
	v32 =	vmul.f32 v32, v31;
	v34 =	vadd.f32 $3.313336670e-01, v34  }
0x276: {  	v29 =	vmul.f32 v29, v36;
	v26 =	vadd.f32 $3.313336670e-01, v26;
	v23 =	vmul.f32 v23, v50  }
0x277: {  	v30 =	vadd.f32 $3.313336670e-01, v30;
	v32 =	vadd.f32 $3.313336670e-01, v32;
	v34 =	vmul.f32 v34, v33  }
0x278: {  	v27 =	vmul.f32 v27, v52;
	v24 =	vadd.f32 $-4.998010990e-01, v24;
	v29 =	vadd.f32 $3.313336670e-01, v29  }
0x279: {  	v26 =	vmul.f32 v26, v56;
	v32 =	vmul.f32 v32, v31;
	v34 =	vadd.f32 $-4.998010990e-01, v34  }
0x27a: {  	v23 =	vadd.f32 $-4.998010990e-01, v23;
	v30 =	vmul.f32 v30, v60;
	v27 =	vadd.f32 $-4.998010990e-01, v27  }
0x27b: {  	v29 =	vmul.f32 v29, v36;
	v32 =	vadd.f32 $-4.998010990e-01, v32;
	v34 =	vmul.f32 v34, v33  }
0x27c: {  	v24 =	vmul.f32 v24, v49;
	v26 =	vadd.f32 $-4.998010990e-01, v26;
	v23 =	vmul.f32 v23, v50  }
0x27d: {  	v29 =	vadd.f32 $-4.998010990e-01, v29;
	v32 =	vmul.f32 v32, v31;
	v34 =	vadd.f32 $9.999914760e-01, v34  }
0x27e: {  	v30 =	vadd.f32 $-4.998010990e-01, v30;
	v27 =	vmul.f32 v27, v52;
	v24 =	vadd.f32 $9.999914760e-01, v24  }
0x27f: {  	v29 =	vmul.f32 v29, v36;
	v32 =	vadd.f32 $9.999914760e-01, v32;
	v33 =	vmul.f32 v34, v33  }
0x280: {  	v26 =	vmul.f32 v26, v56;
	v23 =	vadd.f32 $9.999914760e-01, v23;
	v30 =	vmul.f32 v30, v60  }
0x281: {  	v29 =	vadd.f32 $9.999914760e-01, v29;
	v31 =	vmul.f32 v32, v31;
	v38 =	vadd.f32 $9.099033340e-08, v33  }
0x282: {  	v27 =	vadd.f32 $9.999914760e-01, v27;
	v19 =	vmul.f32 v24, v49;
	v30 =	vadd.f32 $9.999914760e-01, v30  }
0x283: {  	v40 =	vmul.f32 v29, v36;
	v39 =	vadd.f32 $9.099033340e-08, v31;
	v22 =	vadd.f32 v38, v22  }
0x284: {  	v26 =	vadd.f32 $9.999914760e-01, v26;
	v19 =	vadd.f32 $9.099033340e-08, v19;
	v25 =	vmul.f32 v30, v60  }
0x285: {  	v42 =	vadd.f32 $9.099033340e-08, v40;
	v20 =	vadd.f32 v39, v61;
	v41 =	vmul.f32 v22, v45  }
0x286: {  	v21 =	vmul.f32 v26, v56;
	v43 =	vadd.f32 $9.099033340e-08, v25;
	v4 =	vadd.f32 v22, v4  }
0x287: {  	v16 =	vadd.f32 v42, v57;
	v44 =	vmul.f32 v20, v10;
	v7 =	vadd.f32 v41, v7  }
0x288: {  	v17 =	vmul.f32 v27, v52;
	v21 =	vadd.f32 $9.099033340e-08, v21;
	v4 =	vadd.f32 v20, v4  }
0x289: {  	v15 =	vadd.f32 v43, v54;
	v45 =	vmul.f32 v16, v9;
	v7 =	vadd.f32 v44, v7  }
0x28a: {  	v18 =	vmul.f32 v23, v50;
	v17 =	vadd.f32 $9.099033340e-08, v17;
	v4 =	vadd.f32 v16, v4  }
0x28b: {  	v47 =	vadd.f32 v21, v55;
	v46 =	vmul.f32 v15, v6;
	v7 =	vadd.f32 v45, v7  }
0x28c: {  	v18 =	vadd.f32 $9.099033340e-08, v18;
	v4 =	vadd.f32 v15, v4  }
0x28d: {  	v49 =	vadd.f32 v17, v51;
	v48 =	vmul.f32 v47, v3;
	v7 =	vadd.f32 v46, v7  }
0x28e: {  	v52 =	vadd.f32 v18, v11;
	v4 =	vadd.f32 v47, v4  }
0x28f: {  	v51 =	vmul.f32 v49, v2;
	v57 =	vadd.f32 v2, v53;
	v50 =	vadd.f32 v48, v7  }
0x290: {  	v56 =	vadd.f32 v19, v8;
	v4 =	vadd.f32 v49, v4  }
0x291: {  	v55 =	vmul.f32 v52, v1;
	v60 =	vadd.f32 v1, v57;
	v54 =	vadd.f32 v51, v50  }
0x292: {  	v4 =	vadd.f32 v52, v4  }
0x293: {  	v59 =	vmul.f32 v56, v0;
	v63 =	vadd.f32 v0, v60;
	v58 =	vadd.f32 v55, v54  }
0x294: {  	v62 =	vadd.f32 v56, v4  }
0x295: {  	s20 =	sadd.s32 $0x1, s20;
	[tilespmem:$0x10100] =	vst v63;
	v61 =	vadd.f32 v59, v58  }
0x296: {  	p0 =	sne.s32 s20, s12;
	[tilespmem:$0x10080] =	vst v62  }
.Ltmp5:
0x297: {  	[tilespmem:$0x10000] =	vst v61;
	(pc) =	sbr.rel @p0 .LBB2_1-.Ltmp5, $4  }
0x298: {  	[hbm4b:s11+s3] =	stream.linear.scatter [tilespmem:s18], [sflag:$0x3], $0x180, $0x38;
	[tilespmem:$0x10200] =	vst v63  }
0x299: {  	_ =	swait.ge [sflag:s19], $0x180  }
0x29a: {  	[sflag:s19] =	ssyncset.done $0x0  }
0x29b: {  	[sflag:s19] =	ssyncadd.s32 $0xFFFFFE80  }
0x29c: {  	_ =	sfence.sel $0x180000  }
0x29d: {  	[bflag:$0x0] =	sbarrier.arrive $0xFFFF  }
0x29e: {  	p0 =	sne.s32 s2, $0x0;
	_ =	strace $0x9000004D  }
0x29f: {  	s0 =	sadd.s32 @!p0 $0x100000, s0;
	[bflag:$0x2] =	sbarrier.arrive $0xFFFF  }
0x2a0: {  	[sflag:s0] =	ssyncadd.tile.s32 @!p0 $0x1;
	_ =	shalt  }
.Lfunc_end2:
_tile_overlayer_lowered:
.L_overlay_start_2:
0x2a1: {  	(tag) =	ssettag $0x2  }
0x2a2: {  	s0 =	rddreg [dreg:$0x0];
	s2 =	stileid.u32  }
0x2a3: {  	s1 =	rddreg [dreg:$0x1];
	p0 =	sne.s32 s2, $0x0  }
0x2a4: {  	s3 =	rddreg [dreg:$0x2];
	[bflag:$0x3] =	sbarrier.arrive $0xFFFF;
	s2 =	simm.s32 @!p0 $0x1C03  }
0x2a5: {  	[timem:s3], [sflag:s2] =	dma.local @!p0 [hbm:s0], s1  }
0x2a6: {  	s0 =	simm.s32 @!p0 $0x3  }
0x2a7: {  	_ =	swait.ge @!p0 [sflag:s0], s1  }
0x2a8: {  	s1 =	ssub.s32 @!p0 $0x0, s1;
	[sflag:s0] =	ssyncset.done @!p0 $0x0  }
0x2a9: {  	[sflag:s0] =	ssyncadd.s32 @!p0 s1  }
0x2aa: {  	[bflag:$0x3] =	sbarrier.arrive $0xFFFF  }
0x2ab: {  	_ =	shalt  }

// kernel: sparse-core-data-format-call.1.cloned.1.call-start
scs
called_computation.1_lowered:
.L_overlay_start_0:
0x0: {  	s2 =	sld [smem:$0x3FD9]  }
0x1: {  	s3 =	sld [smem:$0x3FFE];
	_ =	sdelay $0x1  }
0x2: {  	s1 =	srdreg.scid  }
0x3: {  	s0 =	sand.u32 $0x1, s1  }
0x4: {  	s18 =	sshll.u32 s0, $0xA;
	s2 =	sadd.s32 s3, s2  }
0x5: {  	s2 =	sadd.s32 s2, s18  }
0x6: {  	[smem:$0x3FC6] =	sst s2  }
0x7: {  	_ = 	snop  }
0x8: {  	s2 =	sld [smem:$0x3FC9];
	(tm) =	ssettm $0x1  }
0x9: {  	s19 =	sld [smem:$0x3FFB];
	_ =	sdelay $0x3  }
0xa: {  	_ =	strace s19  }
0xb: {  	s3 =	sld [smem:$0x3FFC];
	_ =	sdelay $0x3  }
0xc: {  	_ =	strace s3  }
0xd: {  	s3 =	sld [smem:$0x3FFD];
	_ =	sdelay $0x3  }
0xe: {  	_ =	strace s3  }
0xf: {  	_ =	strace $0x8FFFFFFF  }
0x10: {  	s20 =	sld [smem:$0x3FDB];
	_ =	sdelay $0x1  }
0x11: {  	s4 =	simm.s32 $_scs_section_size  }
0x12: {  	s5 =	simm.s32 $_size__tile_overlayer_lowered;
	s6 =	simm.s32 $_tile_overlayer_lowered  }
0x13: {  	s23 =	simm.s32 $0x1BFF;
	s22 =	sshll.u32 s6, $0x1;
	s3 =	sadd.s32 s4, s20  }
0x14: {  	s7 =	simm.s32 $0x0;
	s21 =	sshll.u32 s5, $0x1;
	s5 =	sadd.s32 s22, s3  }
0x15: {  	[timem:s7], [sflag:s23] =	dma.local [hbm:s5], s21  }
0x16: {  	_ =	swait.ge [sflag:s23], s21  }
0x17: {  	s4 =	ssub.s32 $0x0, s21;
	[sflag:s23] =	ssyncset.done $0x0  }
0x18: {  	[sflag:s23] =	ssyncadd.s32 s4;
	_ =	sdelay $0x1  }
0x19: {  	s24 =	simm.s32 $0x1B8B  }
0x1a: {  	_ =	swait.ge [sflag:s24], $0x1  }
0x1b: {  	[sflag:s24] =	ssyncset.done $0x0  }
0x1c: {  	s26 =	simm.s32 $0x1B8E;
	s25 =	sld [smem:$0x3FFE];
	[sflag:s24] =	ssyncadd.s32 $0xFFFFFFFF  }
0x1d: {  	s27 =	simm.s32 $execute0_lowered;
	[smem:$0x3FD2] =	sst s26  }
0x1e: {  	s5 =	sshll.u32 s27, $0x1;
	_ =	strace $0x80000046;
	[dreg:$0x1] =	wrdreg $0xFFFFFFFF  }
0x1f: {  	s28 =	simm.s32 $_size_execute0_lowered;
	s3 =	sadd.s32 s3, s5;
	[dreg:$0x0] =	wrdreg $0x0  }
0x20: {  	s5 =	sshll.u32 s28, $0x1;
	[dreg:$0x2] =	wrdreg s3  }
0x21: {  	[dreg:$0x3] =	wrdreg s5  }
0x22: {  	[dreg:$0x4] =	wrdreg $0xC0  }
0x23: {  	_ =	task [dreg:s7], $0x5FFFF  }
0x24: {  	[dreg:$0x1] =	wrdreg $0xFFFFFFFF  }
0x25: {  	[dreg:$0x0] =	wrdreg $0x60  }
0x26: {  	[dreg:$0x2] =	wrdreg s2  }
0x27: {  	[dreg:$0x3] =	wrdreg s25  }
0x28: {  	[dreg:$0x4] =	wrdreg $0xA  }
0x29: {  	_ =	task.clear_ibuf [dreg:s7], $0x5FFFF;
	_ =	strace $0x90000046  }
0x2a: {  	s29 =	simm.s32 $0xA;
	_ =	strace $0x80000048  }
0x2b: {  	_ =	swait.ge [sflag:s29], $0x1  }
0x2c: {  	[sflag:s29] =	ssyncadd.s32 $0xFFFFFFFF  }
0x2d: {  	_ =	strace $0x90000048  }
0x2e: {  	_ =	sfence  }
0x2f: {  	s30 =	sld [smem:$0x0];
	_ =	sdelay $0x2  }
0x30: {  	s31 =	sshll.u32 s1, $0xD;
	s1 =	sshrl.u32 s1, $0x2  }
0x31: {  	s3 =	sand.u32 $0x4000, s31;
	s1 =	sadd.s32 s1, s30  }
0x32: {  	s0 =	sor.u32 s3, s0;
	s1 =	sshll.u32 s1, $0x11  }
0x33: {  	s0 =	sor.u32 s1, s0  }
0x34: {  	s0 =	sadd.s32 $0x8F2B, s0  }
0x35: {  	[sflag:s0] =	ssyncadd.remote.s32 $0x1  }
0x36: {  	_ =	sfence.sel $0xFFFF  }
0x37: {  	[dreg:$0x0] =	wrdreg $0xFFFFFFFF;
	(pc) =	sbr.abs _section_cstart, $3  }
0x38: {  	[dreg:$0x1] =	wrdreg $0xFFFFFFFF  }
0x39: {  	_ =	task.clear_ibuf [dreg:s7], $0x2FFFF;
	_ =	strace $0x9FFFFFFF  }
0x3a: {  	(tm) =	ssettm $0x7FFFFFFF  }
0x3b: {  	_ =	shalt  }
tec
execute0_lowered:
.L_overlay_start_1:
0x0: {  	(tag) =	ssettag $0x1  }
0x1: {  	s0 =	srdreg.scid  }
0x2: {  	s1 =	sshll.u32 s0, $0x4  }
0x3: {  	s2 =	rddreg [dreg:$0x0];
	s0 =	stileid.u32;
	s1 =	sand.u32 $0x10, s1  }
0x4: {  	s4 =	rddreg [dreg:$0x1];
	s1 =	sor.u32 s0, s1  }
0x5: {  	s7 =	simm.s32 $0x1;
	s8 =	simm.s32 $0x2;
	s3 =	sshll.u32 s1, $0x2  }
0x6: {  	s9 =	simm.s32 $0x0;
	s12 =	simm.s32 $0x0;
	s6 =	ssub.s32 $0x800, s3  }
.Ltmp0:
0x7: {  	s11 =	simm.s32 $0x0;
	s5 =	sand.u32 $0x7C, s6;
	(pc) =	sbr.rel .LBB1_1-.Ltmp0, $4  }
0x8: {  	s1 =	rddreg [dreg:$0x2];
	_ =	strace $0x80000047;
	p0 =	sne.s32 s5, $0x0  }
0x9: {  	s6 =	sshrl.u32 s6, $0x7;
	s5 =	simm.s32 $0x1;
	s7 =	simm.s32 @!p0 $0x0  }
0xa: {  	s10 =	smov.u32 s3;
	[sflag:s5] =	ssyncpa.u1 $0x0;
	s6 =	sadd.s32 s7, s6  }
0xb: {  	[sflag:s8] =	ssyncpa.u1 $0x0;
	s8 =	simm.s32 $0x0;
	s7 =	sadd.s32 $0x1, s6  }
.LBB1_9:
0xc: {  	s14 =	sadd.s32 $0x80, s10  }
0xd: {  	p1 =	sgt.s32 s14, $0x7FF  }
0xe: {  	s14 =	smov.u32 @p1 s3;
	p1 =	sne.s32 s11, s7  }
.Ltmp1:
0xf: {  	p0 =	slt.u32 s11, $0x2;
	(pc) =	sbr.rel @!p1 .LBB1_10-.Ltmp1, $4  }
0x10: {  	s13 =	simm.s32 @!p0 $0x2  }
0x11: {  	s15 =	sadd.s32 $0x1, s11;
	_ =	swait.ge @!p0 [sflag:s13], $0x4000  }
0x12: {  	s12 =	smov.u32 s10;
	s9 =	sadd.s32 $0x4000, s9;
	[sflag:s13] =	ssyncset.done @!p0 $0x0  }
0x13: {  	s11 =	smov.u32 s15;
	s10 =	smov.u32 s14;
	[sflag:s13] =	ssyncadd.s32 @!p0 $0xFFFFC000  }
.LBB1_1:
0x14: {  	p0 =	sge.u32 s11, s6  }
0x15: {  	s13 =	sxor.u32 @!p0 $0xFFFFFFFF, s11  }
0x16: {  	s31 =	sadd.s32 $0xFFFFFFFF, s11;
	s14 =	sshll.u32 @!p0 s10, $0x9;
	s13 =	sshll.u32 @!p0 s13, $0xE  }
0x17: {  	s15 =	simm.s32 @!p0 $0x0;
	s14 =	sadd.s32 @!p0 s2, s14;
	s13 =	sand.u32 @!p0 $0x4000, s13  }
0x18: {  	[tilespmem:s13], [sflag:$0x1] =	stream.linear.gather @!p0 [hbm4b:s14+s15], $0x4000, $0x38;
	[tilespmem:$0x10000] =	vst v63  }
0x19: {  	p0 =	sge.u32 s31, s6  }
.Ltmp2:
0x1a: {  	_ = 	snop;
	(pc) =	sbr.rel @p0 .LBB1_9-.Ltmp2, $1  }
0x1b: {  	_ =	sdelay $0x3  }
0x1c: {  	s14 =	sand.u32 $0x4000, s9  }
0x1d: {  	_ =	swait.ge [sflag:s5], $0x4000;
	s15 =	sshll.u32 s11, $0xE;
	s16 =	simm.s32 $0x0  }
0x1e: {  	s13 =	sor.u32 $0x40, s14;
	[sflag:s5] =	ssyncset.done $0x0;
	s15 =	sand.u32 $0x4000, s15  }
0x1f: {  	s14 =	sor.u32 $0x8040, s14;
	[sflag:s5] =	ssyncadd.s32 $0xFFFFC000;
	s15 =	sor.u32 $0x8000, s15  }
.LBB1_3:
0x20: {  	s17 =	smov.u32 s14;
	s18 =	smov.u32 s13;
	s19 =	simm.s32 $0x0  }
.LBB1_4:
0x21: {  	v0 =	vmov s17;
	v2 =	vld [tilespmem:s18+$0x30]  }
0x22: {  	v4 =	vld [tilespmem:s18+$0xFFFFFFD0]  }
0x23: {  	v6 =	vld [tilespmem:s18+$0xFFFFFFE0]  }
0x24: {  	v7 =	vld [tilespmem:s18+$0xFFFFFFF0]  }
0x25: {  	s20 =	simm.s32 $0x0;
	v1 =	vld [tilespmem:s18+$0x0]  }
0x26: {  	v3 =	vld [tilespmem:s18+$0x10];
	[tilespmem:v0+s20+$0x30 ss:$0x1] =	vst.idx.msk $0xffff, v2  }
0x27: {  	v5 =	vld [tilespmem:s18+$0x20];
	[tilespmem:v0+s20+$0xFFFFFFD0 ss:$0x1] =	vst.idx.msk $0xffff, v4  }
0x28: {  	s21 =	sadd.s32 $0x80, s18;
	v2 =	vld [tilespmem:s18+$0xFFFFFFC0];
	[tilespmem:v0+s20+$0xFFFFFFE0 ss:$0x1] =	vst.idx.msk $0xffff, v6  }
0x29: {  	s22 =	simm.s32 $0x800;
	s23 =	simm.s32 $0x1000;
	v4 =	vld [tilespmem:s21+$0x30];
	[tilespmem:v0+s20+$0xFFFFFFF0 ss:$0x1] =	vst.idx.msk $0xffff, v7  }
.LBB1_5:
0x2a: {  	p0 =	sne.s32 s23, $0x3800;
	v6 =	vld [tilespmem:s21+$0xFFFFFFD0];
	[tilespmem:v0+s20+$0x0 ss:$0x1] =	vst.idx.msk $0xffff, v1  }
0x2b: {  	v7 =	vld [tilespmem:s21+$0xFFFFFFE0];
	[tilespmem:v0+s20+$0x10 ss:$0x1] =	vst.idx.msk $0xffff, v3  }
0x2c: {  	v8 =	vld [tilespmem:s21+$0xFFFFFFF0];
	[tilespmem:v0+s20+$0x20 ss:$0x1] =	vst.idx.msk $0xffff, v5  }
.Ltmp3:
0x2d: {  	v1 =	vld [tilespmem:s21+$0x0];
	[tilespmem:v0+s20+$0xFFFFFFC0 ss:$0x1] =	vst.idx.msk $0xffff, v2;
	s20 =	sshra.s32 s22, $0x2;
	s22 =	smov.u32 s23;
	(pc) =	sbr.rel @p0 .LBB1_5-.Ltmp3, $4  }
0x2e: {  	v3 =	vld [tilespmem:s21+$0x10];
	[tilespmem:v0+s20+$0x30 ss:$0x1] =	vst.idx.msk $0xffff, v4  }
0x2f: {  	[tilespmem:v0+s20+$0xFFFFFFD0 ss:$0x1] =	vst.idx.msk $0xffff, v6;
	v5 =	vld [tilespmem:s21+$0x20]  }
0x30: {  	v2 =	vld [tilespmem:s21+$0xFFFFFFC0];
	[tilespmem:v0+s20+$0xFFFFFFE0 ss:$0x1] =	vst.idx.msk $0xffff, v7;
	s21 =	sadd.s32 $0x80, s21  }
0x31: {  	s23 =	sadd.s32 $0x800, s23;
	v4 =	vld [tilespmem:s21+$0x30];
	[tilespmem:v0+s20+$0xFFFFFFF0 ss:$0x1] =	vst.idx.msk $0xffff, v8  }
0x32: {  	_ =	sdelay $0x3  }
0x33: {  	v6 =	vld [tilespmem:s21+$0xFFFFFFD0];
	[tilespmem:v0+s20+$0x0 ss:$0x1] =	vst.idx.msk $0xffff, v1  }
0x34: {  	v58 =	vld [tilespmem:s21+$0xFFFFFFE0];
	[tilespmem:v0+s20+$0x10 ss:$0x1] =	vst.idx.msk $0xffff, v3  }
0x35: {  	v59 =	vld [tilespmem:s21+$0xFFFFFFF0];
	[tilespmem:v0+s20+$0x20 ss:$0x1] =	vst.idx.msk $0xffff, v5  }
0x36: {  	s22 =	sshra.s32 s22, $0x2;
	v60 =	vld [tilespmem:s21+$0x0];
	[tilespmem:v0+s20+$0xFFFFFFC0 ss:$0x1] =	vst.idx.msk $0xffff, v2  }
0x37: {  	v61 =	vld [tilespmem:s21+$0x10];
	[tilespmem:v0+s22+$0x30 ss:$0x1] =	vst.idx.msk $0xffff, v4  }
0x38: {  	v62 =	vld [tilespmem:s21+$0x20];
	s19 =	sadd.s32 $0x1, s19;
	[tilespmem:v0+s22+$0xFFFFFFD0 ss:$0x1] =	vst.idx.msk $0xffff, v6  }
0x39: {  	v63 =	vld [tilespmem:s21+$0xFFFFFFC0];
	p0 =	sne.s32 s19, $0x4;
	[tilespmem:v0+s22+$0xFFFFFFE0 ss:$0x1] =	vst.idx.msk $0xffff, v58  }
.Ltmp4:
0x3a: {  	[tilespmem:v0+s22+$0xFFFFFFF0 ss:$0x1] =	vst.idx.msk $0xffff, v59;
	(pc) =	sbr.rel @p0 .LBB1_4-.Ltmp4, $4  }
0x3b: {  	[tilespmem:v0+s22+$0x0 ss:$0x1] =	vst.idx.msk $0xffff, v60  }
0x3c: {  	[tilespmem:v0+s22+$0x10 ss:$0x1] =	vst.idx.msk $0xffff, v61  }
0x3d: {  	[tilespmem:v0+s22+$0x20 ss:$0x1] =	vst.idx.msk $0xffff, v62  }
0x3e: {  	s18 =	sadd.s32 $0x400, s18;
	s17 =	sadd.s32 $0x80, s17;
	[tilespmem:v0+s22+$0xFFFFFFC0 ss:$0x1] =	vst.idx.msk $0xffff, v63  }
0x3f: {  	s16 =	sadd.s32 $0x1, s16  }
0x40: {  	p0 =	sne.s32 s16, $0x4  }
.Ltmp5:
0x41: {  	_ = 	snop;
	(pc) =	sbr.rel @p0 .LBB1_3-.Ltmp5, $2  }
0x42: {  	_ =	sdelay $0x2  }
0x43: {  	s13 =	sadd.s32 $0x1000, s13;
	s14 =	sadd.s32 $0x1000, s14  }
.Ltmp6:
0x44: {  	(pc) =	sbr.rel .LBB1_9-.Ltmp6, $4  }
0x45: {  	_ = 	snop  }
0x46: {  	s12 =	sshll.u32 s12, $0x9  }
0x47: {  	s12 =	sadd.s32 s4, s12  }
0x48: {  	[hbm4b:s12+s8] =	stream.linear.scatter [tilespmem:s15], [sflag:$0x2], $0x4000, $0x38;
	[tilespmem:$0x10000] =	vst v63  }
.LBB1_10:
0x49: {  	_ =	sfence.sel $0x180000  }
0x4a: {  	s2 =	simm.s32 $0x1;
	[bflag:$0x0] =	sbarrier.arrive $0xFFFF  }
0x4b: {  	s31 =	simm.s32 $0x2;
	[sflag:s2] =	ssyncpa.u1 $0x1  }
0x4c: {  	[sflag:s31] =	ssyncpa.u1 $0x1  }
0x4d: {  	p0 =	sne.s32 s0, $0x0;
	_ =	strace $0x90000047  }
0x4e: {  	s0 =	sadd.s32 @!p0 $0x100000, s1;
	[bflag:$0x2] =	sbarrier.arrive $0xFFFF  }
0x4f: {  	[sflag:s0] =	ssyncadd.tile.s32 @!p0 $0x1;
	_ =	shalt  }
.Lfunc_end1:
_tile_overlayer_lowered:
.L_overlay_start_2:
0x50: {  	(tag) =	ssettag $0x2  }
0x51: {  	s0 =	rddreg [dreg:$0x0];
	s2 =	stileid.u32  }
0x52: {  	s1 =	rddreg [dreg:$0x1];
	p0 =	sne.s32 s2, $0x0  }
0x53: {  	s3 =	rddreg [dreg:$0x2];
	[bflag:$0x3] =	sbarrier.arrive $0xFFFF;
	s2 =	simm.s32 @!p0 $0x1C01  }
0x54: {  	[timem:s3], [sflag:s2] =	dma.local @!p0 [hbm:s0], s1  }
0x55: {  	s0 =	simm.s32 @!p0 $0x1  }
0x56: {  	_ =	swait.ge @!p0 [sflag:s0], s1  }
0x57: {  	s1 =	ssub.s32 @!p0 $0x0, s1;
	[sflag:s0] =	ssyncset.done @!p0 $0x0  }
0x58: {  	[sflag:s0] =	ssyncadd.s32 @!p0 s1  }
0x59: {  	[bflag:$0x3] =	sbarrier.arrive $0xFFFF  }
0x5a: {  	_ =	shalt  }

// kernel: sparse-core-data-format-call.cloned.1.call-start
scs
called_computation_lowered:
.L_overlay_start_0:
0x0: {  	s2 =	sld [smem:$0x3FD9]  }
0x1: {  	s3 =	sld [smem:$0x3FFE];
	_ =	sdelay $0x1  }
0x2: {  	s1 =	srdreg.scid  }
0x3: {  	s0 =	sand.u32 $0x1, s1  }
0x4: {  	s18 =	sshll.u32 s0, $0xA;
	s2 =	sadd.s32 s3, s2  }
0x5: {  	s2 =	sadd.s32 s2, s18  }
0x6: {  	[smem:$0x3FC6] =	sst s2  }
0x7: {  	_ = 	snop  }
0x8: {  	s19 =	sld [smem:$0x3FC8];
	(tm) =	ssettm $0x1  }
0x9: {  	s20 =	sld [smem:$0x3FFB];
	_ =	sdelay $0x3  }
0xa: {  	_ =	strace s20  }
0xb: {  	s2 =	sld [smem:$0x3FFC];
	_ =	sdelay $0x3  }
0xc: {  	_ =	strace s2  }
0xd: {  	s2 =	sld [smem:$0x3FFD];
	_ =	sdelay $0x3  }
0xe: {  	_ =	strace s2  }
0xf: {  	_ =	strace $0x8FFFFFFF  }
0x10: {  	s21 =	sld [smem:$0x3FDB];
	_ =	sdelay $0x1  }
0x11: {  	s4 =	simm.s32 $_scs_section_size  }
0x12: {  	s5 =	simm.s32 $_size__tile_overlayer_lowered;
	s6 =	simm.s32 $_tile_overlayer_lowered  }
0x13: {  	s7 =	simm.s32 $0x1BFF;
	s22 =	sshll.u32 s6, $0x1;
	s4 =	sadd.s32 s4, s21  }
0x14: {  	s23 =	simm.s32 $0x0;
	s5 =	sshll.u32 s5, $0x1;
	s6 =	sadd.s32 s22, s4  }
0x15: {  	[timem:s23], [sflag:s7] =	dma.local [hbm:s6], s5  }
0x16: {  	_ =	swait.ge [sflag:s7], s5  }
0x17: {  	s5 =	ssub.s32 $0x0, s5;
	[sflag:s7] =	ssyncset.done $0x0  }
0x18: {  	[sflag:s7] =	ssyncadd.s32 s5;
	_ =	sdelay $0x1  }
0x19: {  	s24 =	simm.s32 $0x1B8B  }
0x1a: {  	_ =	swait.ge [sflag:s24], $0x1  }
0x1b: {  	[sflag:s24] =	ssyncset.done $0x0  }
0x1c: {  	[sflag:s24] =	ssyncadd.s32 $0xFFFFFFFF  }
0x1d: {  	s5 =	sld [smem:$0x0]  }
0x1e: {  	s6 =	sand.u32 $0xFFFFFFFE, s1  }
0x1f: {  	p0 =	sne.s32 s1, s6  }
0x20: {  	s6 =	sshll.u32 @p0 s6, $0xE  }
0x21: {  	s6 =	sadd.s32 @p0 $0x11B8D, s6;
	s7 =	sshll.u32 @p0 s5, $0x11  }
0x22: {  	s6 =	sor.u32 @p0 s7, s6  }
0x23: {  	[sflag:s6] =	ssyncadd.remote.s32 @p0 $0x1;
	_ =	sdelay $0x1  }
0x24: {  	s6 =	simm.s32 @p0 $0x1B8D  }
0x25: {  	_ =	swait.eq @p0 [sflag:s6], $0x1  }
0x26: {  	[sflag:s6] =	ssyncadd.s32 @p0 $0xFFFFFFFF  }
0x27: {  	s7 =	sshll.u32 @!p0 s1, $0xE  }
0x28: {  	s7 =	sor.u32 @!p0 $0x4000, s7;
	s6 =	simm.s32 @!p0 $0x1B8D  }
0x29: {  	s5 =	sshll.u32 @!p0 s5, $0x11;
	s7 =	sadd.s32 @!p0 $0x11B8D, s7;
	_ =	swait.eq @!p0 [sflag:s6], $0x1  }
0x2a: {  	s5 =	sor.u32 @!p0 s5, s7;
	[sflag:s6] =	ssyncadd.s32 @!p0 $0xFFFFFFFF  }
0x2b: {  	s26 =	simm.s32 $0x1B8E;
	s25 =	sld [smem:$0x3FFE];
	[sflag:s5] =	ssyncadd.remote.s32 @!p0 $0x1  }
0x2c: {  	s27 =	simm.s32 $execute0_lowered;
	[smem:$0x3FD2] =	sst s26  }
0x2d: {  	s6 =	sshll.u32 s27, $0x1;
	_ =	strace $0x80000049;
	[dreg:$0x1] =	wrdreg $0xFFFFFFFF  }
0x2e: {  	s28 =	simm.s32 $_size_execute0_lowered;
	s4 =	sadd.s32 s4, s6;
	[dreg:$0x0] =	wrdreg $0x0  }
0x2f: {  	s6 =	sshll.u32 s28, $0x1;
	[dreg:$0x2] =	wrdreg s4  }
0x30: {  	[dreg:$0x3] =	wrdreg s6  }
0x31: {  	[dreg:$0x4] =	wrdreg $0xC0  }
0x32: {  	_ =	task [dreg:s23], $0x5FFFF  }
0x33: {  	[dreg:$0x1] =	wrdreg $0xFFFFFFFF  }
0x34: {  	[dreg:$0x0] =	wrdreg $0x60  }
0x35: {  	[dreg:$0x2] =	wrdreg s19  }
0x36: {  	[dreg:$0x3] =	wrdreg s25  }
0x37: {  	[dreg:$0x4] =	wrdreg $0x9  }
0x38: {  	_ =	task.clear_ibuf [dreg:s23], $0x5FFFF;
	_ =	strace $0x90000049  }
0x39: {  	s29 =	simm.s32 $0x9;
	_ =	strace $0x8000004B  }
0x3a: {  	_ =	swait.ge [sflag:s29], $0x1  }
0x3b: {  	[sflag:s29] =	ssyncadd.s32 $0xFFFFFFFF  }
0x3c: {  	_ =	strace $0x9000004B  }
0x3d: {  	_ =	sfence  }
0x3e: {  	s30 =	sld [smem:$0x0];
	_ =	sdelay $0x2  }
0x3f: {  	s31 =	sshll.u32 s1, $0xD;
	s1 =	sshrl.u32 s1, $0x2  }
0x40: {  	s4 =	sand.u32 $0x4000, s31;
	s1 =	sadd.s32 s1, s30  }
0x41: {  	s0 =	sor.u32 s4, s0;
	s1 =	sshll.u32 s1, $0x11  }
0x42: {  	s0 =	sor.u32 s1, s0  }
0x43: {  	s0 =	sadd.s32 $0x8F2B, s0  }
0x44: {  	[sflag:s0] =	ssyncadd.remote.s32 $0x1  }
0x45: {  	_ =	sfence.sel $0xFFFF  }
0x46: {  	[dreg:$0x0] =	wrdreg $0xFFFFFFFF;
	(pc) =	sbr.abs _section_cstart, $3  }
0x47: {  	[dreg:$0x1] =	wrdreg $0xFFFFFFFF  }
0x48: {  	_ =	task.clear_ibuf [dreg:s23], $0x2FFFF;
	_ =	strace $0x9FFFFFFF  }
0x49: {  	(tm) =	ssettm $0x7FFFFFFF  }
tec
execute0_lowered:
.L_overlay_start_1:
0x0: {  	(tag) =	ssettag $0x1  }
0x1: {  	s0 =	srdreg.scid  }
0x2: {  	s1 =	sshll.u32 s0, $0x4  }
0x3: {  	s2 =	rddreg [dreg:$0x0];
	s0 =	stileid.u32;
	s1 =	sand.u32 $0x10, s1  }
0x4: {  	s4 =	rddreg [dreg:$0x1];
	s7 =	simm.s32 $0x1;
	s1 =	sor.u32 s0, s1  }
0x5: {  	s8 =	simm.s32 $0x2;
	s9 =	simm.s32 $0x0;
	s3 =	sshll.u32 s1, $0x2  }
0x6: {  	s12 =	simm.s32 $0x0;
	s11 =	simm.s32 $0x0;
	s6 =	ssub.s32 $0x800, s3  }
.Ltmp0:
0x7: {  	s4 =	sadd.s32 $0x100000, s4;
	s5 =	sand.u32 $0x7C, s6;
	(pc) =	sbr.rel .LBB1_1-.Ltmp0, $4  }
0x8: {  	s1 =	rddreg [dreg:$0x2];
	_ =	strace $0x8000004A;
	p0 =	sne.s32 s5, $0x0  }
0x9: {  	s6 =	sshrl.u32 s6, $0x7;
	s5 =	simm.s32 $0x1;
	s7 =	simm.s32 @!p0 $0x0  }
0xa: {  	s10 =	smov.u32 s3;
	[sflag:s5] =	ssyncpa.u1 $0x0;
	s6 =	sadd.s32 s7, s6  }
0xb: {  	[sflag:s8] =	ssyncpa.u1 $0x0;
	s8 =	simm.s32 $0x0;
	s7 =	sadd.s32 $0x1, s6  }
.LBB1_9:
0xc: {  	s14 =	sadd.s32 $0x80, s10  }
0xd: {  	p1 =	sgt.s32 s14, $0x7FF  }
0xe: {  	s14 =	smov.u32 @p1 s3;
	p1 =	sne.s32 s11, s7  }
.Ltmp1:
0xf: {  	p0 =	slt.u32 s11, $0x2;
	(pc) =	sbr.rel @!p1 .LBB1_10-.Ltmp1, $4  }
0x10: {  	s13 =	simm.s32 @!p0 $0x2  }
0x11: {  	s15 =	sadd.s32 $0x1, s11;
	_ =	swait.ge @!p0 [sflag:s13], $0x4000  }
0x12: {  	s12 =	smov.u32 s10;
	s9 =	sadd.s32 $0x4000, s9;
	[sflag:s13] =	ssyncset.done @!p0 $0x0  }
0x13: {  	s11 =	smov.u32 s15;
	s10 =	smov.u32 s14;
	[sflag:s13] =	ssyncadd.s32 @!p0 $0xFFFFC000  }
.LBB1_1:
0x14: {  	p0 =	sge.u32 s11, s6  }
0x15: {  	s13 =	sxor.u32 @!p0 $0xFFFFFFFF, s11  }
0x16: {  	s31 =	sadd.s32 $0xFFFFFFFF, s11;
	s14 =	sshll.u32 @!p0 s10, $0x9;
	s13 =	sshll.u32 @!p0 s13, $0xE  }
0x17: {  	s15 =	simm.s32 @!p0 $0x0;
	s14 =	sadd.s32 @!p0 s2, s14;
	s13 =	sand.u32 @!p0 $0x4000, s13  }
0x18: {  	[tilespmem:s13], [sflag:$0x1] =	stream.linear.gather @!p0 [hbm4b:s14+s15], $0x4000, $0x38;
	[tilespmem:$0x10000] =	vst v63  }
0x19: {  	p0 =	sge.u32 s31, s6  }
.Ltmp2:
0x1a: {  	_ = 	snop;
	(pc) =	sbr.rel @p0 .LBB1_9-.Ltmp2, $1  }
0x1b: {  	_ =	sdelay $0x3  }
0x1c: {  	s14 =	sand.u32 $0x4000, s9  }
0x1d: {  	_ =	swait.ge [sflag:s5], $0x4000;
	s15 =	sshll.u32 s11, $0xE;
	s16 =	simm.s32 $0x0  }
0x1e: {  	s13 =	sor.u32 $0x40, s14;
	[sflag:s5] =	ssyncset.done $0x0;
	s15 =	sand.u32 $0x4000, s15  }
0x1f: {  	s14 =	sor.u32 $0x8040, s14;
	[sflag:s5] =	ssyncadd.s32 $0xFFFFC000;
	s15 =	sor.u32 $0x8000, s15  }
.LBB1_3:
0x20: {  	s17 =	smov.u32 s14;
	s18 =	smov.u32 s13;
	s19 =	simm.s32 $0x0  }
.LBB1_4:
0x21: {  	v0 =	vmov s17;
	v2 =	vld [tilespmem:s18+$0x30]  }
0x22: {  	v4 =	vld [tilespmem:s18+$0xFFFFFFD0]  }
0x23: {  	v6 =	vld [tilespmem:s18+$0xFFFFFFE0]  }
0x24: {  	v7 =	vld [tilespmem:s18+$0xFFFFFFF0]  }
0x25: {  	s20 =	simm.s32 $0x0;
	v1 =	vld [tilespmem:s18+$0x0]  }
0x26: {  	v3 =	vld [tilespmem:s18+$0x10];
	[tilespmem:v0+s20+$0x30 ss:$0x1] =	vst.idx.msk $0xffff, v2  }
0x27: {  	v5 =	vld [tilespmem:s18+$0x20];
	[tilespmem:v0+s20+$0xFFFFFFD0 ss:$0x1] =	vst.idx.msk $0xffff, v4  }
0x28: {  	s21 =	sadd.s32 $0x80, s18;
	v2 =	vld [tilespmem:s18+$0xFFFFFFC0];
	[tilespmem:v0+s20+$0xFFFFFFE0 ss:$0x1] =	vst.idx.msk $0xffff, v6  }
0x29: {  	s22 =	simm.s32 $0x800;
	s23 =	simm.s32 $0x1000;
	v4 =	vld [tilespmem:s21+$0x30];
	[tilespmem:v0+s20+$0xFFFFFFF0 ss:$0x1] =	vst.idx.msk $0xffff, v7  }
.LBB1_5:
0x2a: {  	p0 =	sne.s32 s23, $0x3800;
	v6 =	vld [tilespmem:s21+$0xFFFFFFD0];
	[tilespmem:v0+s20+$0x0 ss:$0x1] =	vst.idx.msk $0xffff, v1  }
0x2b: {  	v7 =	vld [tilespmem:s21+$0xFFFFFFE0];
	[tilespmem:v0+s20+$0x10 ss:$0x1] =	vst.idx.msk $0xffff, v3  }
0x2c: {  	v8 =	vld [tilespmem:s21+$0xFFFFFFF0];
	[tilespmem:v0+s20+$0x20 ss:$0x1] =	vst.idx.msk $0xffff, v5  }
.Ltmp3:
0x2d: {  	v1 =	vld [tilespmem:s21+$0x0];
	[tilespmem:v0+s20+$0xFFFFFFC0 ss:$0x1] =	vst.idx.msk $0xffff, v2;
	s20 =	sshra.s32 s22, $0x2;
	s22 =	smov.u32 s23;
	(pc) =	sbr.rel @p0 .LBB1_5-.Ltmp3, $4  }
0x2e: {  	v3 =	vld [tilespmem:s21+$0x10];
	[tilespmem:v0+s20+$0x30 ss:$0x1] =	vst.idx.msk $0xffff, v4  }
0x2f: {  	[tilespmem:v0+s20+$0xFFFFFFD0 ss:$0x1] =	vst.idx.msk $0xffff, v6;
	v5 =	vld [tilespmem:s21+$0x20]  }
0x30: {  	v2 =	vld [tilespmem:s21+$0xFFFFFFC0];
	[tilespmem:v0+s20+$0xFFFFFFE0 ss:$0x1] =	vst.idx.msk $0xffff, v7;
	s21 =	sadd.s32 $0x80, s21  }
0x31: {  	s23 =	sadd.s32 $0x800, s23;
	v4 =	vld [tilespmem:s21+$0x30];
	[tilespmem:v0+s20+$0xFFFFFFF0 ss:$0x1] =	vst.idx.msk $0xffff, v8  }
0x32: {  	_ =	sdelay $0x3  }
0x33: {  	v6 =	vld [tilespmem:s21+$0xFFFFFFD0];
	[tilespmem:v0+s20+$0x0 ss:$0x1] =	vst.idx.msk $0xffff, v1  }
0x34: {  	v58 =	vld [tilespmem:s21+$0xFFFFFFE0];
	[tilespmem:v0+s20+$0x10 ss:$0x1] =	vst.idx.msk $0xffff, v3  }
0x35: {  	v59 =	vld [tilespmem:s21+$0xFFFFFFF0];
	[tilespmem:v0+s20+$0x20 ss:$0x1] =	vst.idx.msk $0xffff, v5  }
0x36: {  	s22 =	sshra.s32 s22, $0x2;
	v60 =	vld [tilespmem:s21+$0x0];
	[tilespmem:v0+s20+$0xFFFFFFC0 ss:$0x1] =	vst.idx.msk $0xffff, v2  }
0x37: {  	v61 =	vld [tilespmem:s21+$0x10];
	[tilespmem:v0+s22+$0x30 ss:$0x1] =	vst.idx.msk $0xffff, v4  }
0x38: {  	v62 =	vld [tilespmem:s21+$0x20];
	s19 =	sadd.s32 $0x1, s19;
	[tilespmem:v0+s22+$0xFFFFFFD0 ss:$0x1] =	vst.idx.msk $0xffff, v6  }
0x39: {  	v63 =	vld [tilespmem:s21+$0xFFFFFFC0];
	p0 =	sne.s32 s19, $0x4;
	[tilespmem:v0+s22+$0xFFFFFFE0 ss:$0x1] =	vst.idx.msk $0xffff, v58  }
.Ltmp4:
0x3a: {  	[tilespmem:v0+s22+$0xFFFFFFF0 ss:$0x1] =	vst.idx.msk $0xffff, v59;
	(pc) =	sbr.rel @p0 .LBB1_4-.Ltmp4, $4  }
0x3b: {  	[tilespmem:v0+s22+$0x0 ss:$0x1] =	vst.idx.msk $0xffff, v60  }
0x3c: {  	[tilespmem:v0+s22+$0x10 ss:$0x1] =	vst.idx.msk $0xffff, v61  }
0x3d: {  	[tilespmem:v0+s22+$0x20 ss:$0x1] =	vst.idx.msk $0xffff, v62  }
0x3e: {  	s18 =	sadd.s32 $0x400, s18;
	s17 =	sadd.s32 $0x80, s17;
	[tilespmem:v0+s22+$0xFFFFFFC0 ss:$0x1] =	vst.idx.msk $0xffff, v63  }
0x3f: {  	s16 =	sadd.s32 $0x1, s16  }
0x40: {  	p0 =	sne.s32 s16, $0x4  }
.Ltmp5:
0x41: {  	_ = 	snop;
	(pc) =	sbr.rel @p0 .LBB1_3-.Ltmp5, $2  }
0x42: {  	_ =	sdelay $0x2  }
0x43: {  	s13 =	sadd.s32 $0x1000, s13;
	s14 =	sadd.s32 $0x1000, s14  }
.Ltmp6:
0x44: {  	(pc) =	sbr.rel .LBB1_9-.Ltmp6, $4  }
0x45: {  	_ = 	snop  }
0x46: {  	s12 =	sshll.u32 s12, $0x9  }
0x47: {  	s12 =	sadd.s32 s4, s12  }
0x48: {  	[hbm4b:s12+s8] =	stream.linear.scatter [tilespmem:s15], [sflag:$0x2], $0x4000, $0x38;
	[tilespmem:$0x10000] =	vst v63  }
.LBB1_10:
0x49: {  	_ =	sfence.sel $0x180000  }
0x4a: {  	s2 =	simm.s32 $0x1;
	[bflag:$0x0] =	sbarrier.arrive $0xFFFF  }
0x4b: {  	s31 =	simm.s32 $0x2;
	[sflag:s2] =	ssyncpa.u1 $0x1  }
0x4c: {  	[sflag:s31] =	ssyncpa.u1 $0x1  }
0x4d: {  	p0 =	sne.s32 s0, $0x0;
	_ =	strace $0x9000004A  }
0x4e: {  	s0 =	sadd.s32 @!p0 $0x100000, s1;
	[bflag:$0x2] =	sbarrier.arrive $0xFFFF  }
0x4f: {  	[sflag:s0] =	ssyncadd.tile.s32 @!p0 $0x1;
	_ =	shalt  }
.Lfunc_end1:
_tile_overlayer_lowered:
.L_overlay_start_2:
0x50: {  	(tag) =	ssettag $0x2  }
0x51: {  	s0 =	rddreg [dreg:$0x0];
	s2 =	stileid.u32  }
0x52: {  	s1 =	rddreg [dreg:$0x1];
	p0 =	sne.s32 s2, $0x0  }
0x53: {  	s3 =	rddreg [dreg:$0x2];
	[bflag:$0x3] =	sbarrier.arrive $0xFFFF;
	s2 =	simm.s32 @!p0 $0x1C01  }
0x54: {  	[timem:s3], [sflag:s2] =	dma.local @!p0 [hbm:s0], s1  }
0x55: {  	s0 =	simm.s32 @!p0 $0x1  }
0x56: {  	_ =	swait.ge @!p0 [sflag:s0], s1  }
0x57: {  	s1 =	ssub.s32 @!p0 $0x0, s1;
	[sflag:s0] =	ssyncset.done @!p0 $0x0  }
0x58: {  	[sflag:s0] =	ssyncadd.s32 @!p0 s1  }
0x59: {  	[bflag:$0x3] =	sbarrier.arrive $0xFFFF  }
0x5a: {  	_ =	shalt  }

</sc_bundles>
